<compile_context>
chip_gen: v7x
topology: tpu7x:2x2x1
jax: 0.10.2.dev20260603
libtpu: 0.0.44.dev20260713+nightly
codegen_flags: <defaults>
</compile_context>

<pallas_src>
import functools

import jax
import jax.numpy as jnp
from jax import lax
from jax.experimental import pallas as pl
from jax.experimental.pallas import tpu as pltpu
from jax.experimental.pallas import tpu_sc as plsc

_D = 64
_DP = 128
_NC, _NS = 2, 16
_NW = _NC * _NS
_H = 50
_HP = 56
_K = 128
_NBUF = 4
_AHEAD = 2


@functools.cache
def _make_compact(BATCH: int):
    t_per_w = BATCH // 8 // _NW
    rows_w = t_per_w * 8
    n_c = rows_w * _HP // _K
    mesh = plsc.VectorSubcoreMesh(core_axis_name="c", subcore_axis_name="s")

    @functools.partial(
        pl.kernel,
        mesh=mesh,
        compiler_params=pltpu.CompilerParams(needs_layout_passes=False),
        out_type=jax.ShapeDtypeStruct((BATCH * _HP // _K, _K), jnp.int32),
        scratch_types=[
            pltpu.VMEM((t_per_w, 8, _H), jnp.int32),
            pltpu.VMEM((n_c, _K), jnp.int32),
        ],
    )
    def compact_kernel(x_hbm, idx_hbm, xs, iout):
        wid = lax.axis_index("s") * _NC + lax.axis_index("c")
        pltpu.sync_copy(x_hbm.at[pl.ds(wid * t_per_w, t_per_w)], xs)
        lanes = lax.iota(jnp.int32, 16)

        def put(slot0, v, mask=None):
            slot = lanes + slot0
            plsc.store_scatter(iout, [slot // _K, slot % _K], v, mask=mask)

        def tile_body(tl, _):
            for j in range(8):
                off = (tl * 8 + j) * _HP
                for k in range(3):
                    put(off + 16 * k, xs[tl, j, pl.ds(16 * k, 16)])
                put(off + 34, xs[tl, j, pl.ds(34, 16)], mask=lanes >= 14)
                put(off + 50, lanes + (off + 50), mask=lanes < 6)
            return 0

        lax.fori_loop(0, t_per_w, tile_body, 0)
        pltpu.sync_copy(iout, idx_hbm.at[pl.ds(wid * n_c, n_c)])

    return compact_kernel


@functools.cache
def _make_gather(BATCH: int):
    n_slots = BATCH * _HP
    n_chunks = n_slots // _K // _NW
    rounds = n_chunks // _NBUF
    assert n_chunks % _NBUF == 0 and rounds >= 3
    mesh = plsc.VectorSubcoreMesh(core_axis_name="c", subcore_axis_name="s")

    @functools.partial(
        pl.kernel,
        mesh=mesh,
        compiler_params=pltpu.CompilerParams(use_tc_tiling_on_sc=False),
        out_type=jax.ShapeDtypeStruct((n_slots, _DP), jnp.float32),
        scratch_types=(
            [pltpu.VMEM((n_chunks, _K), jnp.int32)]
            + [pltpu.VMEM((_K, _DP), jnp.float32)] * _NBUF
            + [pltpu.SemaphoreType.DMA] * (2 * _NBUF)
        ),
    )
    def gather_kernel(idx_hbm, table_hbm, out_hbm, idx_v, *bufs):
        rows = bufs[:_NBUF]
        gsem = bufs[_NBUF:2 * _NBUF]
        wsem = bufs[2 * _NBUF:]
        wid = lax.axis_index("s") * _NC + lax.axis_index("c")
        base = wid * n_chunks * _K

        pltpu.sync_copy(idx_hbm.at[pl.ds(wid * n_chunks, n_chunks)], idx_v)

        def start_gather(c, b):
            pltpu.async_copy(table_hbm.at[idx_v.at[c]], rows[b], gsem[b])

        def wait_gather(c, b):
            pltpu.make_async_copy(table_hbm.at[idx_v.at[c]], rows[b],
                                  gsem[b]).wait()

        def out_slice(c):
            return out_hbm.at[pl.ds(base + c * _K, _K)]

        def start_write(c, b):
            pltpu.async_copy(rows[b], out_slice(c), wsem[b])

        def wait_write(c, b):
            pltpu.make_async_copy(rows[b], out_slice(c), wsem[b]).wait()

        def step(c, b, do_wait_prev_write, do_next_gather):
            wait_gather(c, b)
            start_write(c, b)
            if do_next_gather:
                bn = (b + _AHEAD) % _NBUF
                if do_wait_prev_write:
                    wait_write(c + _AHEAD - _NBUF, bn)
                start_gather(c + _AHEAD, bn)

        for b in range(_AHEAD):
            start_gather(b, b)

        for b in range(_NBUF):
            step(b, b, do_wait_prev_write=(b + _AHEAD >= _NBUF),
                 do_next_gather=True)

        def mid_round(r, _):
            for b in range(_NBUF):
                step(r * _NBUF + b, b, True, True)
            return 0

        lax.fori_loop(1, rounds - 1, mid_round, 0)

        c_last = (rounds - 1) * _NBUF
        for b in range(_NBUF):
            step(c_last + b, b, do_wait_prev_write=(b < _AHEAD),
                 do_next_gather=(b < _AHEAD))

        for b in range(_NBUF):
            wait_write(n_chunks - _NBUF + b, b)

    return gather_kernel


def kernel(x, table):
    batch, h = x.shape
    assert h == _H
    xv = x.astype(jnp.int32).reshape(batch // 8, 8, _H)
    idx56 = _make_compact(batch)(xv)
    tpad = jnp.pad(table, ((0, 0), (0, _DP - _D)))
    out = _make_gather(batch)(idx56, tpad)
    return out.reshape(batch, _HP, _DP)[:, :_H, :_D]

# --- scband reference (transcript-rebuilt; emitter-appended) ---
"""Pipeline reference for scband-embeddings-51994874085889 (READ-ONLY COPY).

The authoritative reference and input builder live on the scoring server;
editing this copy changes nothing except your own understanding.
"""

import jax, jax.numpy as jnp
import numpy as np

VOCAB = 1000000
EMBED_DIM = 64
BATCH = 16384
HIST_LEN = 50


def setup_inputs(seed: int = 0) -> dict:
    key = jax.random.key(seed)
    k1, k2 = jax.random.split(key)
    x = jax.random.randint(k1, (BATCH, HIST_LEN), 0, VOCAB)
    table = jax.random.normal(k2, (VOCAB, EMBED_DIM), dtype=jnp.float32) * 0.02
    return {"x": x, "table": table}


def reference(x, table):
    # Embeddings.forward: return self.position(x), where position = nn.Embedding(VOCAB, EMBED_DIM)
    return jnp.take(table, x, axis=0)

if __name__ == "__main__":
    import jax
    _d = setup_inputs()
    print(jax.jit(kernel)(*tuple(_d.values())))

</pallas_src>

<mosaic_0001>
#map = affine_map<(d0, d1) -> (0, 0, 0)>
#map1 = affine_map<(d0, d1) -> (0, 0)>
module attributes {stable_mosaic.version = 14 : i64} {
  func.func @compact_kernel(%arg0: i32, %arg1: i32, %arg2: memref<2048x8x50xi32, #tpu.memory_space<hbm>>, %arg3: memref<7168x128xi32, #tpu.memory_space<hbm>>, %arg4: memref<64x8x50xi32, #tpu.memory_space<vmem>>, %arg5: memref<224x128xi32, #tpu.memory_space<vmem>>) attributes {dimension_semantics = [#tpu.dimension_semantics<core_parallel>, #tpu.dimension_semantics<subcore_parallel>], iteration_bounds = array<i64: 2, 16>, scalar_prefetch = 0 : i64, scratch_operands = 2 : i64, tpu.core_type = #tpu.core_type<sc_vector_subcore>, window_params = [{transform_indices = #map}, {transform_indices = #map1}]} {
    %mul3A = arith.constant 2 : i32
    %mul3A_0 = arith.muli %arg1, %mul3A : i32
    %add3A = arith.addi %mul3A_0, %arg0 : i32
    %mul3A_1 = arith.constant 64 : i32
    %mul3A_2 = arith.muli %add3A, %mul3A_1 : i32
    "tpu.region"() ({
      %run_scoped3A = tpu.sem_alloc : memref<!tpu.dma_semaphore, #tpu.memory_space<semaphore_mem>>
      %dma_start3A = arith.constant 0 : i32
      %dma_start3A_11 = arith.constant 0 : i32
      %dma_start3A_12 = tpu.memref_slice %arg2[%mul3A_2, %dma_start3A, %dma_start3A_11] : memref<2048x8x50xi32, #tpu.memory_space<hbm>> -> memref<64x8x50xi32, #tpu.memory_space<hbm>>
      %dma_start3A_13 = arith.constant 0 : i32
      %dma_start3A_14 = arith.constant 0 : i32
      %dma_start3A_15 = tpu.memref_slice %arg2[%mul3A_2, %dma_start3A_13, %dma_start3A_14] : memref<2048x8x50xi32, #tpu.memory_space<hbm>> -> memref<64x8x50xi32, #tpu.memory_space<hbm>>
      tpu.enqueue_dma source(%dma_start3A_15 : memref<64x8x50xi32, #tpu.memory_space<hbm>>) target(%arg4 : memref<64x8x50xi32, #tpu.memory_space<vmem>>) target_semaphore(%run_scoped3A : memref<!tpu.dma_semaphore, #tpu.memory_space<semaphore_mem>>)
      %dma_wait3A = arith.constant 0 : i32
      %dma_wait3A_16 = arith.constant 0 : i32
      %dma_wait3A_17 = tpu.memref_slice %arg2[%mul3A_2, %dma_wait3A, %dma_wait3A_16] : memref<2048x8x50xi32, #tpu.memory_space<hbm>> -> memref<64x8x50xi32, #tpu.memory_space<hbm>>
      %dma_wait3A_18 = arith.constant 0 : i32
      %dma_wait3A_19 = arith.constant 0 : i32
      %dma_wait3A_20 = tpu.memref_slice %arg2[%mul3A_2, %dma_wait3A_18, %dma_wait3A_19] : memref<2048x8x50xi32, #tpu.memory_space<hbm>> -> memref<64x8x50xi32, #tpu.memory_space<hbm>>
      tpu.wait_dma2 semaphore(%run_scoped3A : memref<!tpu.dma_semaphore, #tpu.memory_space<semaphore_mem>>) src(%dma_wait3A_20 : memref<64x8x50xi32, #tpu.memory_space<hbm>>) dst(%arg4 : memref<64x8x50xi32, #tpu.memory_space<vmem>>)
      tpu.yield
    }) : () -> ()
    %iota3A = tpu.iota {dimensions = array<i32: 0>} : vector<16xi32>
    %scan3A = arith.constant 0 : i32
    %scan3A_3 = arith.constant 0 : i32
    %scan3A_4 = arith.constant 64 : i32
    %scan3A_5 = arith.addi %scan3A_3, %scan3A_4 : i32
    %scan3A_6 = arith.constant 1 : i32
    %scan3A_7 = scf.for %scan3A_11 = %scan3A_3 to %scan3A_5 step %scan3A_6 iter_args(%scan3A_12 = %scan3A) -> (i32)  : i32 {
      %mul3A_13 = arith.constant 8 : i32
      %mul3A_14 = arith.muli %scan3A_11, %mul3A_13 : i32
      %add3A_15 = arith.constant 0 : i32
      %add3A_16 = arith.addi %mul3A_14, %add3A_15 : i32
      %mul3A_17 = arith.constant 56 : i32
      %mul3A_18 = arith.muli %add3A_16, %mul3A_17 : i32
      %add3A_19 = arith.constant 0 : i32
      %add3A_20 = arith.addi %mul3A_18, %add3A_19 : i32
      %get3A = arith.constant 0 : i32
      %get3A_21 = arith.index_cast %scan3A_11 : i32 to index
      %get3A_22 = arith.index_cast %get3A : i32 to index
      %get3A_23 = arith.constant 0 : index
      %get3A_24 = tpu.vector_load %arg4[%get3A_21, %get3A_22, %get3A_23] {strides = array<i32>} : memref<64x8x50xi32, #tpu.memory_space<vmem>>, vector<16xi32>,
      %add3A_25 = vector.broadcast %add3A_20 : i32 to vector<16xi32>
      %add3A_26 = arith.addi %iota3A, %add3A_25 : vector<16xi32>
      %jit3A = arith.constant 128 : i32
      %div3A = vector.broadcast %jit3A : i32 to vector<16xi32>
      %div3A_27 = arith.divsi %add3A_26, %div3A : vector<16xi32>
      %sign3A = arith.constant 0 : i32
      %sign3A_28 = vector.broadcast %sign3A : i32 to vector<16xi32>
      %sign3A_29 = arith.cmpi sgt, %add3A_26, %sign3A_28 : vector<16xi32>
      %sign3A_30 = arith.extui %sign3A_29 : vector<16xi1> to vector<16xi32>
      %sign3A_31 = arith.constant 0 : i32
      %sign3A_32 = vector.broadcast %sign3A_31 : i32 to vector<16xi32>
      %sign3A_33 = arith.cmpi slt, %add3A_26, %sign3A_32 : vector<16xi32>
      %sign3A_34 = arith.extui %sign3A_33 : vector<16xi1> to vector<16xi32>
      %sign3A_35 = arith.subi %sign3A_30, %sign3A_34 : vector<16xi32>
      %sign3A_36 = arith.constant 0 : i32
      %sign3A_37 = arith.cmpi sgt, %jit3A, %sign3A_36 : i32
      %sign3A_38 = arith.extui %sign3A_37 : i1 to i32
      %sign3A_39 = arith.constant 0 : i32
      %sign3A_40 = arith.cmpi slt, %jit3A, %sign3A_39 : i32
      %sign3A_41 = arith.extui %sign3A_40 : i1 to i32
      %sign3A_42 = arith.subi %sign3A_38, %sign3A_41 : i32
      %ne3A = vector.broadcast %sign3A_42 : i32 to vector<16xi32>
      %ne3A_43 = arith.cmpi ne, %sign3A_35, %ne3A : vector<16xi32>
      %rem3A = vector.broadcast %jit3A : i32 to vector<16xi32>
      %rem3A_44 = arith.remsi %add3A_26, %rem3A : vector<16xi32>
      %ne3A_45 = arith.constant 0 : i32
      %ne3A_46 = vector.broadcast %ne3A_45 : i32 to vector<16xi32>
      %ne3A_47 = arith.cmpi ne, %rem3A_44, %ne3A_46 : vector<16xi32>
      %and3A = arith.andi %ne3A_43, %ne3A_47 : vector<16xi1>
      %sub3A = arith.constant 1 : i32
      %sub3A_48 = vector.broadcast %sub3A : i32 to vector<16xi32>
      %sub3A_49 = arith.subi %div3A_27, %sub3A_48 : vector<16xi32>
      %select_n3A = arith.select %and3A, %sub3A_49, %div3A_27 : vector<16xi1>, vector<16xi32>
      %jit3A_50 = arith.constant 128 : i32
      %eq3A = arith.constant 0 : i32
      %eq3A_51 = arith.cmpi eq, %jit3A_50, %eq3A : i32
      %jit3A_52 = arith.constant 1 : i32
      %select_n3A_53 = arith.select %eq3A_51, %jit3A_52, %jit3A_50 : i32
      %rem3A_54 = vector.broadcast %select_n3A_53 : i32 to vector<16xi32>
      %rem3A_55 = arith.remsi %add3A_26, %rem3A_54 : vector<16xi32>
      %ne3A_56 = arith.constant 0 : i32
      %ne3A_57 = vector.broadcast %ne3A_56 : i32 to vector<16xi32>
      %ne3A_58 = arith.cmpi ne, %rem3A_55, %ne3A_57 : vector<16xi32>
      %lt3A = arith.constant 0 : i32
      %lt3A_59 = vector.broadcast %lt3A : i32 to vector<16xi32>
      %lt3A_60 = arith.cmpi slt, %rem3A_55, %lt3A_59 : vector<16xi32>
      %lt3A_61 = arith.constant 0 : i32
      %lt3A_62 = arith.cmpi slt, %select_n3A_53, %lt3A_61 : i32
      %ne3A_63 = vector.broadcast %lt3A_62 : i1 to vector<16xi1>
      %ne3A_64 = vector.broadcast %ne3A_63 : vector<16xi1> to vector<16xi1>
      %ne3A_65 = arith.xori %lt3A_60, %ne3A_64 : vector<16xi1>
      %and3A_66 = arith.andi %ne3A_65, %ne3A_58 : vector<16xi1>
      %add3A_67 = vector.broadcast %select_n3A_53 : i32 to vector<16xi32>
      %add3A_68 = arith.addi %rem3A_55, %add3A_67 : vector<16xi32>
      %select_n3A_69 = arith.select %and3A_66, %add3A_68, %rem3A_55 : vector<16xi1>, vector<16xi32>
      tpu.vector_store_idx %arg5[%select_n3A, %select_n3A_69], %get3A_24 : memref<224x128xi32, #tpu.memory_space<vmem>>[vector<16xi32>, vector<16xi32>], vector<16xi32>,
      %add3A_70 = arith.constant 16 : i32
      %add3A_71 = arith.addi %mul3A_18, %add3A_70 : i32
      %get3A_72 = arith.constant 0 : i32
      %get3A_73 = arith.index_cast %scan3A_11 : i32 to index
      %get3A_74 = arith.index_cast %get3A_72 : i32 to index
      %get3A_75 = arith.constant 16 : index
      %get3A_76 = tpu.vector_load %arg4[%get3A_73, %get3A_74, %get3A_75] {strides = array<i32>} : memref<64x8x50xi32, #tpu.memory_space<vmem>>, vector<16xi32>,
      %add3A_77 = vector.broadcast %add3A_71 : i32 to vector<16xi32>
      %add3A_78 = arith.addi %iota3A, %add3A_77 : vector<16xi32>
      %jit3A_79 = arith.constant 128 : i32
      %div3A_80 = vector.broadcast %jit3A_79 : i32 to vector<16xi32>
      %div3A_81 = arith.divsi %add3A_78, %div3A_80 : vector<16xi32>
      %sign3A_82 = arith.constant 0 : i32
      %sign3A_83 = vector.broadcast %sign3A_82 : i32 to vector<16xi32>
      %sign3A_84 = arith.cmpi sgt, %add3A_78, %sign3A_83 : vector<16xi32>
      %sign3A_85 = arith.extui %sign3A_84 : vector<16xi1> to vector<16xi32>
      %sign3A_86 = arith.constant 0 : i32
      %sign3A_87 = vector.broadcast %sign3A_86 : i32 to vector<16xi32>
      %sign3A_88 = arith.cmpi slt, %add3A_78, %sign3A_87 : vector<16xi32>
      %sign3A_89 = arith.extui %sign3A_88 : vector<16xi1> to vector<16xi32>
      %sign3A_90 = arith.subi %sign3A_85, %sign3A_89 : vector<16xi32>
      %sign3A_91 = arith.constant 0 : i32
      %sign3A_92 = arith.cmpi sgt, %jit3A_79, %sign3A_91 : i32
      %sign3A_93 = arith.extui %sign3A_92 : i1 to i32
      %sign3A_94 = arith.constant 0 : i32
      %sign3A_95 = arith.cmpi slt, %jit3A_79, %sign3A_94 : i32
      %sign3A_96 = arith.extui %sign3A_95 : i1 to i32
      %sign3A_97 = arith.subi %sign3A_93, %sign3A_96 : i32
      %ne3A_98 = vector.broadcast %sign3A_97 : i32 to vector<16xi32>
      %ne3A_99 = arith.cmpi ne, %sign3A_90, %ne3A_98 : vector<16xi32>
      %rem3A_100 = vector.broadcast %jit3A_79 : i32 to vector<16xi32>
      %rem3A_101 = arith.remsi %add3A_78, %rem3A_100 : vector<16xi32>
      %ne3A_102 = arith.constant 0 : i32
      %ne3A_103 = vector.broadcast %ne3A_102 : i32 to vector<16xi32>
      %ne3A_104 = arith.cmpi ne, %rem3A_101, %ne3A_103 : vector<16xi32>
      %and3A_105 = arith.andi %ne3A_99, %ne3A_104 : vector<16xi1>
      %sub3A_106 = arith.constant 1 : i32
      %sub3A_107 = vector.broadcast %sub3A_106 : i32 to vector<16xi32>
      %sub3A_108 = arith.subi %div3A_81, %sub3A_107 : vector<16xi32>
      %select_n3A_109 = arith.select %and3A_105, %sub3A_108, %div3A_81 : vector<16xi1>, vector<16xi32>
      %jit3A_110 = arith.constant 128 : i32
      %eq3A_111 = arith.constant 0 : i32
      %eq3A_112 = arith.cmpi eq, %jit3A_110, %eq3A_111 : i32
      %jit3A_113 = arith.constant 1 : i32
      %select_n3A_114 = arith.select %eq3A_112, %jit3A_113, %jit3A_110 : i32
      %rem3A_115 = vector.broadcast %select_n3A_114 : i32 to vector<16xi32>
      %rem3A_116 = arith.remsi %add3A_78, %rem3A_115 : vector<16xi32>
      %ne3A_117 = arith.constant 0 : i32
      %ne3A_118 = vector.broadcast %ne3A_117 : i32 to vector<16xi32>
      %ne3A_119 = arith.cmpi ne, %rem3A_116, %ne3A_118 : vector<16xi32>
      %lt3A_120 = arith.constant 0 : i32
      %lt3A_121 = vector.broadcast %lt3A_120 : i32 to vector<16xi32>
      %lt3A_122 = arith.cmpi slt, %rem3A_116, %lt3A_121 : vector<16xi32>
      %lt3A_123 = arith.constant 0 : i32
      %lt3A_124 = arith.cmpi slt, %select_n3A_114, %lt3A_123 : i32
      %ne3A_125 = vector.broadcast %lt3A_124 : i1 to vector<16xi1>
      %ne3A_126 = vector.broadcast %ne3A_125 : vector<16xi1> to vector<16xi1>
      %ne3A_127 = arith.xori %lt3A_122, %ne3A_126 : vector<16xi1>
      %and3A_128 = arith.andi %ne3A_127, %ne3A_119 : vector<16xi1>
      %add3A_129 = vector.broadcast %select_n3A_114 : i32 to vector<16xi32>
      %add3A_130 = arith.addi %rem3A_116, %add3A_129 : vector<16xi32>
      %select_n3A_131 = arith.select %and3A_128, %add3A_130, %rem3A_116 : vector<16xi1>, vector<16xi32>
      tpu.vector_store_idx %arg5[%select_n3A_109, %select_n3A_131], %get3A_76 : memref<224x128xi32, #tpu.memory_space<vmem>>[vector<16xi32>, vector<16xi32>], vector<16xi32>,
      %add3A_132 = arith.constant 32 : i32
      %add3A_133 = arith.addi %mul3A_18, %add3A_132 : i32
      %get3A_134 = arith.constant 0 : i32
      %get3A_135 = arith.index_cast %scan3A_11 : i32 to index
      %get3A_136 = arith.index_cast %get3A_134 : i32 to index
      %get3A_137 = arith.constant 32 : index
      %get3A_138 = tpu.vector_load %arg4[%get3A_135, %get3A_136, %get3A_137] {strides = array<i32>} : memref<64x8x50xi32, #tpu.memory_space<vmem>>, vector<16xi32>,
      %add3A_139 = vector.broadcast %add3A_133 : i32 to vector<16xi32>
      %add3A_140 = arith.addi %iota3A, %add3A_139 : vector<16xi32>
      %jit3A_141 = arith.constant 128 : i32
      %div3A_142 = vector.broadcast %jit3A_141 : i32 to vector<16xi32>
      %div3A_143 = arith.divsi %add3A_140, %div3A_142 : vector<16xi32>
      %sign3A_144 = arith.constant 0 : i32
      %sign3A_145 = vector.broadcast %sign3A_144 : i32 to vector<16xi32>
      %sign3A_146 = arith.cmpi sgt, %add3A_140, %sign3A_145 : vector<16xi32>
      %sign3A_147 = arith.extui %sign3A_146 : vector<16xi1> to vector<16xi32>
      %sign3A_148 = arith.constant 0 : i32
      %sign3A_149 = vector.broadcast %sign3A_148 : i32 to vector<16xi32>
      %sign3A_150 = arith.cmpi slt, %add3A_140, %sign3A_149 : vector<16xi32>
      %sign3A_151 = arith.extui %sign3A_150 : vector<16xi1> to vector<16xi32>
      %sign3A_152 = arith.subi %sign3A_147, %sign3A_151 : vector<16xi32>
      %sign3A_153 = arith.constant 0 : i32
      %sign3A_154 = arith.cmpi sgt, %jit3A_141, %sign3A_153 : i32
      %sign3A_155 = arith.extui %sign3A_154 : i1 to i32
      %sign3A_156 = arith.constant 0 : i32
      %sign3A_157 = arith.cmpi slt, %jit3A_141, %sign3A_156 : i32
      %sign3A_158 = arith.extui %sign3A_157 : i1 to i32
      %sign3A_159 = arith.subi %sign3A_155, %sign3A_158 : i32
      %ne3A_160 = vector.broadcast %sign3A_159 : i32 to vector<16xi32>
      %ne3A_161 = arith.cmpi ne, %sign3A_152, %ne3A_160 : vector<16xi32>
      %rem3A_162 = vector.broadcast %jit3A_141 : i32 to vector<16xi32>
      %rem3A_163 = arith.remsi %add3A_140, %rem3A_162 : vector<16xi32>
      %ne3A_164 = arith.constant 0 : i32
      %ne3A_165 = vector.broadcast %ne3A_164 : i32 to vector<16xi32>
      %ne3A_166 = arith.cmpi ne, %rem3A_163, %ne3A_165 : vector<16xi32>
      %and3A_167 = arith.andi %ne3A_161, %ne3A_166 : vector<16xi1>
      %sub3A_168 = arith.constant 1 : i32
      %sub3A_169 = vector.broadcast %sub3A_168 : i32 to vector<16xi32>
      %sub3A_170 = arith.subi %div3A_143, %sub3A_169 : vector<16xi32>
      %select_n3A_171 = arith.select %and3A_167, %sub3A_170, %div3A_143 : vector<16xi1>, vector<16xi32>
      %jit3A_172 = arith.constant 128 : i32
      %eq3A_173 = arith.constant 0 : i32
      %eq3A_174 = arith.cmpi eq, %jit3A_172, %eq3A_173 : i32
      %jit3A_175 = arith.constant 1 : i32
      %select_n3A_176 = arith.select %eq3A_174, %jit3A_175, %jit3A_172 : i32
      %rem3A_177 = vector.broadcast %select_n3A_176 : i32 to vector<16xi32>
      %rem3A_178 = arith.remsi %add3A_140, %rem3A_177 : vector<16xi32>
      %ne3A_179 = arith.constant 0 : i32
      %ne3A_180 = vector.broadcast %ne3A_179 : i32 to vector<16xi32>
      %ne3A_181 = arith.cmpi ne, %rem3A_178, %ne3A_180 : vector<16xi32>
      %lt3A_182 = arith.constant 0 : i32
      %lt3A_183 = vector.broadcast %lt3A_182 : i32 to vector<16xi32>
      %lt3A_184 = arith.cmpi slt, %rem3A_178, %lt3A_183 : vector<16xi32>
      %lt3A_185 = arith.constant 0 : i32
      %lt3A_186 = arith.cmpi slt, %select_n3A_176, %lt3A_185 : i32
      %ne3A_187 = vector.broadcast %lt3A_186 : i1 to vector<16xi1>
      %ne3A_188 = vector.broadcast %ne3A_187 : vector<16xi1> to vector<16xi1>
      %ne3A_189 = arith.xori %lt3A_184, %ne3A_188 : vector<16xi1>
      %and3A_190 = arith.andi %ne3A_189, %ne3A_181 : vector<16xi1>
      %add3A_191 = vector.broadcast %select_n3A_176 : i32 to vector<16xi32>
      %add3A_192 = arith.addi %rem3A_178, %add3A_191 : vector<16xi32>
      %select_n3A_193 = arith.select %and3A_190, %add3A_192, %rem3A_178 : vector<16xi1>, vector<16xi32>
      tpu.vector_store_idx %arg5[%select_n3A_171, %select_n3A_193], %get3A_138 : memref<224x128xi32, #tpu.memory_space<vmem>>[vector<16xi32>, vector<16xi32>], vector<16xi32>,
      %add3A_194 = arith.constant 34 : i32
      %add3A_195 = arith.addi %mul3A_18, %add3A_194 : i32
      %get3A_196 = arith.constant 0 : i32
      %get3A_197 = arith.index_cast %scan3A_11 : i32 to index
      %get3A_198 = arith.index_cast %get3A_196 : i32 to index
      %get3A_199 = arith.constant 34 : index
      %get3A_200 = tpu.vector_load %arg4[%get3A_197, %get3A_198, %get3A_199] {strides = array<i32>} : memref<64x8x50xi32, #tpu.memory_space<vmem>>, vector<16xi32>,
      %ge3A = arith.constant 14 : i32
      %ge3A_201 = vector.broadcast %ge3A : i32 to vector<16xi32>
      %ge3A_202 = arith.cmpi sge, %iota3A, %ge3A_201 : vector<16xi32>
      %add3A_203 = vector.broadcast %add3A_195 : i32 to vector<16xi32>
      %add3A_204 = arith.addi %iota3A, %add3A_203 : vector<16xi32>
      %jit3A_205 = arith.constant 128 : i32
      %div3A_206 = vector.broadcast %jit3A_205 : i32 to vector<16xi32>
      %div3A_207 = arith.divsi %add3A_204, %div3A_206 : vector<16xi32>
      %sign3A_208 = arith.constant 0 : i32
      %sign3A_209 = vector.broadcast %sign3A_208 : i32 to vector<16xi32>
      %sign3A_210 = arith.cmpi sgt, %add3A_204, %sign3A_209 : vector<16xi32>
      %sign3A_211 = arith.extui %sign3A_210 : vector<16xi1> to vector<16xi32>
      %sign3A_212 = arith.constant 0 : i32
      %sign3A_213 = vector.broadcast %sign3A_212 : i32 to vector<16xi32>
      %sign3A_214 = arith.cmpi slt, %add3A_204, %sign3A_213 : vector<16xi32>
      %sign3A_215 = arith.extui %sign3A_214 : vector<16xi1> to vector<16xi32>
      %sign3A_216 = arith.subi %sign3A_211, %sign3A_215 : vector<16xi32>
      %sign3A_217 = arith.constant 0 : i32
      %sign3A_218 = arith.cmpi sgt, %jit3A_205, %sign3A_217 : i32
      %sign3A_219 = arith.extui %sign3A_218 : i1 to i32
      %sign3A_220 = arith.constant 0 : i32
      %sign3A_221 = arith.cmpi slt, %jit3A_205, %sign3A_220 : i32
      %sign3A_222 = arith.extui %sign3A_221 : i1 to i32
      %sign3A_223 = arith.subi %sign3A_219, %sign3A_222 : i32
      %ne3A_224 = vector.broadcast %sign3A_223 : i32 to vector<16xi32>
      %ne3A_225 = arith.cmpi ne, %sign3A_216, %ne3A_224 : vector<16xi32>
      %rem3A_226 = vector.broadcast %jit3A_205 : i32 to vector<16xi32>
      %rem3A_227 = arith.remsi %add3A_204, %rem3A_226 : vector<16xi32>
      %ne3A_228 = arith.constant 0 : i32
      %ne3A_229 = vector.broadcast %ne3A_228 : i32 to vector<16xi32>
      %ne3A_230 = arith.cmpi ne, %rem3A_227, %ne3A_229 : vector<16xi32>
      %and3A_231 = arith.andi %ne3A_225, %ne3A_230 : vector<16xi1>
      %sub3A_232 = arith.constant 1 : i32
      %sub3A_233 = vector.broadcast %sub3A_232 : i32 to vector<16xi32>
      %sub3A_234 = arith.subi %div3A_207, %sub3A_233 : vector<16xi32>
      %select_n3A_235 = arith.select %and3A_231, %sub3A_234, %div3A_207 : vector<16xi1>, vector<16xi32>
      %jit3A_236 = arith.constant 128 : i32
      %eq3A_237 = arith.constant 0 : i32
      %eq3A_238 = arith.cmpi eq, %jit3A_236, %eq3A_237 : i32
      %jit3A_239 = arith.constant 1 : i32
      %select_n3A_240 = arith.select %eq3A_238, %jit3A_239, %jit3A_236 : i32
      %rem3A_241 = vector.broadcast %select_n3A_240 : i32 to vector<16xi32>
      %rem3A_242 = arith.remsi %add3A_204, %rem3A_241 : vector<16xi32>
      %ne3A_243 = arith.constant 0 : i32
      %ne3A_244 = vector.broadcast %ne3A_243 : i32 to vector<16xi32>
      %ne3A_245 = arith.cmpi ne, %rem3A_242, %ne3A_244 : vector<16xi32>
      %lt3A_246 = arith.constant 0 : i32
      %lt3A_247 = vector.broadcast %lt3A_246 : i32 to vector<16xi32>
      %lt3A_248 = arith.cmpi slt, %rem3A_242, %lt3A_247 : vector<16xi32>
      %lt3A_249 = arith.constant 0 : i32
      %lt3A_250 = arith.cmpi slt, %select_n3A_240, %lt3A_249 : i32
      %ne3A_251 = vector.broadcast %lt3A_250 : i1 to vector<16xi1>
      %ne3A_252 = vector.broadcast %ne3A_251 : vector<16xi1> to vector<16xi1>
      %ne3A_253 = arith.xori %lt3A_248, %ne3A_252 : vector<16xi1>
      %and3A_254 = arith.andi %ne3A_253, %ne3A_245 : vector<16xi1>
      %add3A_255 = vector.broadcast %select_n3A_240 : i32 to vector<16xi32>
      %add3A_256 = arith.addi %rem3A_242, %add3A_255 : vector<16xi32>
      %select_n3A_257 = arith.select %and3A_254, %add3A_256, %rem3A_242 : vector<16xi1>, vector<16xi32>
      tpu.vector_store_idx %arg5[%select_n3A_235, %select_n3A_257], %get3A_200 masked %ge3A_202 : memref<224x128xi32, #tpu.memory_space<vmem>>[vector<16xi32>, vector<16xi32>], vector<16xi32>, vector<16xi1>
      %add3A_258 = arith.constant 50 : i32
      %add3A_259 = arith.addi %mul3A_18, %add3A_258 : i32
      %add3A_260 = arith.constant 50 : i32
      %add3A_261 = arith.addi %mul3A_18, %add3A_260 : i32
      %add3A_262 = vector.broadcast %add3A_261 : i32 to vector<16xi32>
      %add3A_263 = arith.addi %iota3A, %add3A_262 : vector<16xi32>
      %lt3A_264 = arith.constant 6 : i32
      %lt3A_265 = vector.broadcast %lt3A_264 : i32 to vector<16xi32>
      %lt3A_266 = arith.cmpi slt, %iota3A, %lt3A_265 : vector<16xi32>
      %add3A_267 = vector.broadcast %add3A_259 : i32 to vector<16xi32>
      %add3A_268 = arith.addi %iota3A, %add3A_267 : vector<16xi32>
      %jit3A_269 = arith.constant 128 : i32
      %div3A_270 = vector.broadcast %jit3A_269 : i32 to vector<16xi32>
      %div3A_271 = arith.divsi %add3A_268, %div3A_270 : vector<16xi32>
      %sign3A_272 = arith.constant 0 : i32
      %sign3A_273 = vector.broadcast %sign3A_272 : i32 to vector<16xi32>
      %sign3A_274 = arith.cmpi sgt, %add3A_268, %sign3A_273 : vector<16xi32>
      %sign3A_275 = arith.extui %sign3A_274 : vector<16xi1> to vector<16xi32>
      %sign3A_276 = arith.constant 0 : i32
      %sign3A_277 = vector.broadcast %sign3A_276 : i32 to vector<16xi32>
      %sign3A_278 = arith.cmpi slt, %add3A_268, %sign3A_277 : vector<16xi32>
      %sign3A_279 = arith.extui %sign3A_278 : vector<16xi1> to vector<16xi32>
      %sign3A_280 = arith.subi %sign3A_275, %sign3A_279 : vector<16xi32>
      %sign3A_281 = arith.constant 0 : i32
      %sign3A_282 = arith.cmpi sgt, %jit3A_269, %sign3A_281 : i32
      %sign3A_283 = arith.extui %sign3A_282 : i1 to i32
      %sign3A_284 = arith.constant 0 : i32
      %sign3A_285 = arith.cmpi slt, %jit3A_269, %sign3A_284 : i32
      %sign3A_286 = arith.extui %sign3A_285 : i1 to i32
      %sign3A_287 = arith.subi %sign3A_283, %sign3A_286 : i32
      %ne3A_288 = vector.broadcast %sign3A_287 : i32 to vector<16xi32>
      %ne3A_289 = arith.cmpi ne, %sign3A_280, %ne3A_288 : vector<16xi32>
      %rem3A_290 = vector.broadcast %jit3A_269 : i32 to vector<16xi32>
      %rem3A_291 = arith.remsi %add3A_268, %rem3A_290 : vector<16xi32>
      %ne3A_292 = arith.constant 0 : i32
      %ne3A_293 = vector.broadcast %ne3A_292 : i32 to vector<16xi32>
      %ne3A_294 = arith.cmpi ne, %rem3A_291, %ne3A_293 : vector<16xi32>
      %and3A_295 = arith.andi %ne3A_289, %ne3A_294 : vector<16xi1>
      %sub3A_296 = arith.constant 1 : i32
      %sub3A_297 = vector.broadcast %sub3A_296 : i32 to vector<16xi32>
      %sub3A_298 = arith.subi %div3A_271, %sub3A_297 : vector<16xi32>
      %select_n3A_299 = arith.select %and3A_295, %sub3A_298, %div3A_271 : vector<16xi1>, vector<16xi32>
      %jit3A_300 = arith.constant 128 : i32
      %eq3A_301 = arith.constant 0 : i32
      %eq3A_302 = arith.cmpi eq, %jit3A_300, %eq3A_301 : i32
      %jit3A_303 = arith.constant 1 : i32
      %select_n3A_304 = arith.select %eq3A_302, %jit3A_303, %jit3A_300 : i32
      %rem3A_305 = vector.broadcast %select_n3A_304 : i32 to vector<16xi32>
      %rem3A_306 = arith.remsi %add3A_268, %rem3A_305 : vector<16xi32>
      %ne3A_307 = arith.constant 0 : i32
      %ne3A_308 = vector.broadcast %ne3A_307 : i32 to vector<16xi32>
      %ne3A_309 = arith.cmpi ne, %rem3A_306, %ne3A_308 : vector<16xi32>
      %lt3A_310 = arith.constant 0 : i32
      %lt3A_311 = vector.broadcast %lt3A_310 : i32 to vector<16xi32>
      %lt3A_312 = arith.cmpi slt, %rem3A_306, %lt3A_311 : vector<16xi32>
      %lt3A_313 = arith.constant 0 : i32
      %lt3A_314 = arith.cmpi slt, %select_n3A_304, %lt3A_313 : i32
      %ne3A_315 = vector.broadcast %lt3A_314 : i1 to vector<16xi1>
      %ne3A_316 = vector.broadcast %ne3A_315 : vector<16xi1> to vector<16xi1>
      %ne3A_317 = arith.xori %lt3A_312, %ne3A_316 : vector<16xi1>
      %and3A_318 = arith.andi %ne3A_317, %ne3A_309 : vector<16xi1>
      %add3A_319 = vector.broadcast %select_n3A_304 : i32 to vector<16xi32>
      %add3A_320 = arith.addi %rem3A_306, %add3A_319 : vector<16xi32>
      %select_n3A_321 = arith.select %and3A_318, %add3A_320, %rem3A_306 : vector<16xi1>, vector<16xi32>
      tpu.vector_store_idx %arg5[%select_n3A_299, %select_n3A_321], %add3A_263 masked %lt3A_266 : memref<224x128xi32, #tpu.memory_space<vmem>>[vector<16xi32>, vector<16xi32>], vector<16xi32>, vector<16xi1>
      %mul3A_322 = arith.constant 8 : i32
      %mul3A_323 = arith.muli %scan3A_11, %mul3A_322 : i32
      %add3A_324 = arith.constant 1 : i32
      %add3A_325 = arith.addi %mul3A_323, %add3A_324 : i32
      %mul3A_326 = arith.constant 56 : i32
      %mul3A_327 = arith.muli %add3A_325, %mul3A_326 : i32
      %add3A_328 = arith.constant 0 : i32
      %add3A_329 = arith.addi %mul3A_327, %add3A_328 : i32
      %get3A_330 = arith.constant 1 : i32
      %get3A_331 = arith.index_cast %scan3A_11 : i32 to index
      %get3A_332 = arith.index_cast %get3A_330 : i32 to index
      %get3A_333 = arith.constant 0 : index
      %get3A_334 = tpu.vector_load %arg4[%get3A_331, %get3A_332, %get3A_333] {strides = array<i32>} : memref<64x8x50xi32, #tpu.memory_space<vmem>>, vector<16xi32>,
      %add3A_335 = vector.broadcast %add3A_329 : i32 to vector<16xi32>
      %add3A_336 = arith.addi %iota3A, %add3A_335 : vector<16xi32>
      %jit3A_337 = arith.constant 128 : i32
      %div3A_338 = vector.broadcast %jit3A_337 : i32 to vector<16xi32>
      %div3A_339 = arith.divsi %add3A_336, %div3A_338 : vector<16xi32>
      %sign3A_340 = arith.constant 0 : i32
      %sign3A_341 = vector.broadcast %sign3A_340 : i32 to vector<16xi32>
      %sign3A_342 = arith.cmpi sgt, %add3A_336, %sign3A_341 : vector<16xi32>
      %sign3A_343 = arith.extui %sign3A_342 : vector<16xi1> to vector<16xi32>
      %sign3A_344 = arith.constant 0 : i32
      %sign3A_345 = vector.broadcast %sign3A_344 : i32 to vector<16xi32>
      %sign3A_346 = arith.cmpi slt, %add3A_336, %sign3A_345 : vector<16xi32>
      %sign3A_347 = arith.extui %sign3A_346 : vector<16xi1> to vector<16xi32>
      %sign3A_348 = arith.subi %sign3A_343, %sign3A_347 : vector<16xi32>
      %sign3A_349 = arith.constant 0 : i32
      %sign3A_350 = arith.cmpi sgt, %jit3A_337, %sign3A_349 : i32
      %sign3A_351 = arith.extui %sign3A_350 : i1 to i32
      %sign3A_352 = arith.constant 0 : i32
      %sign3A_353 = arith.cmpi slt, %jit3A_337, %sign3A_352 : i32
      %sign3A_354 = arith.extui %sign3A_353 : i1 to i32
      %sign3A_355 = arith.subi %sign3A_351, %sign3A_354 : i32
      %ne3A_356 = vector.broadcast %sign3A_355 : i32 to vector<16xi32>
      %ne3A_357 = arith.cmpi ne, %sign3A_348, %ne3A_356 : vector<16xi32>
      %rem3A_358 = vector.broadcast %jit3A_337 : i32 to vector<16xi32>
      %rem3A_359 = arith.remsi %add3A_336, %rem3A_358 : vector<16xi32>
      %ne3A_360 = arith.constant 0 : i32
      %ne3A_361 = vector.broadcast %ne3A_360 : i32 to vector<16xi32>
      %ne3A_362 = arith.cmpi ne, %rem3A_359, %ne3A_361 : vector<16xi32>
      %and3A_363 = arith.andi %ne3A_357, %ne3A_362 : vector<16xi1>
      %sub3A_364 = arith.constant 1 : i32
      %sub3A_365 = vector.broadcast %sub3A_364 : i32 to vector<16xi32>
      %sub3A_366 = arith.subi %div3A_339, %sub3A_365 : vector<16xi32>
      %select_n3A_367 = arith.select %and3A_363, %sub3A_366, %div3A_339 : vector<16xi1>, vector<16xi32>
      %jit3A_368 = arith.constant 128 : i32
      %eq3A_369 = arith.constant 0 : i32
      %eq3A_370 = arith.cmpi eq, %jit3A_368, %eq3A_369 : i32
      %jit3A_371 = arith.constant 1 : i32
      %select_n3A_372 = arith.select %eq3A_370, %jit3A_371, %jit3A_368 : i32
      %rem3A_373 = vector.broadcast %select_n3A_372 : i32 to vector<16xi32>
      %rem3A_374 = arith.remsi %add3A_336, %rem3A_373 : vector<16xi32>
      %ne3A_375 = arith.constant 0 : i32
      %ne3A_376 = vector.broadcast %ne3A_375 : i32 to vector<16xi32>
      %ne3A_377 = arith.cmpi ne, %rem3A_374, %ne3A_376 : vector<16xi32>
      %lt3A_378 = arith.constant 0 : i32
      %lt3A_379 = vector.broadcast %lt3A_378 : i32 to vector<16xi32>
      %lt3A_380 = arith.cmpi slt, %rem3A_374, %lt3A_379 : vector<16xi32>
      %lt3A_381 = arith.constant 0 : i32
      %lt3A_382 = arith.cmpi slt, %select_n3A_372, %lt3A_381 : i32
      %ne3A_383 = vector.broadcast %lt3A_382 : i1 to vector<16xi1>
      %ne3A_384 = vector.broadcast %ne3A_383 : vector<16xi1> to vector<16xi1>
      %ne3A_385 = arith.xori %lt3A_380, %ne3A_384 : vector<16xi1>
      %and3A_386 = arith.andi %ne3A_385, %ne3A_377 : vector<16xi1>
      %add3A_387 = vector.broadcast %select_n3A_372 : i32 to vector<16xi32>
      %add3A_388 = arith.addi %rem3A_374, %add3A_387 : vector<16xi32>
      %select_n3A_389 = arith.select %and3A_386, %add3A_388, %rem3A_374 : vector<16xi1>, vector<16xi32>
      tpu.vector_store_idx %arg5[%select_n3A_367, %select_n3A_389], %get3A_334 : memref<224x128xi32, #tpu.memory_space<vmem>>[vector<16xi32>, vector<16xi32>], vector<16xi32>,
      %add3A_390 = arith.constant 16 : i32
      %add3A_391 = arith.addi %mul3A_327, %add3A_390 : i32
      %get3A_392 = arith.constant 1 : i32
      %get3A_393 = arith.index_cast %scan3A_11 : i32 to index
      %get3A_394 = arith.index_cast %get3A_392 : i32 to index
      %get3A_395 = arith.constant 16 : index
      %get3A_396 = tpu.vector_load %arg4[%get3A_393, %get3A_394, %get3A_395] {strides = array<i32>} : memref<64x8x50xi32, #tpu.memory_space<vmem>>, vector<16xi32>,
      %add3A_397 = vector.broadcast %add3A_391 : i32 to vector<16xi32>
      %add3A_398 = arith.addi %iota3A, %add3A_397 : vector<16xi32>
      %jit3A_399 = arith.constant 128 : i32
      %div3A_400 = vector.broadcast %jit3A_399 : i32 to vector<16xi32>
      %div3A_401 = arith.divsi %add3A_398, %div3A_400 : vector<16xi32>
      %sign3A_402 = arith.constant 0 : i32
      %sign3A_403 = vector.broadcast %sign3A_402 : i32 to vector<16xi32>
      %sign3A_404 = arith.cmpi sgt, %add3A_398, %sign3A_403 : vector<16xi32>
      %sign3A_405 = arith.extui %sign3A_404 : vector<16xi1> to vector<16xi32>
      %sign3A_406 = arith.constant 0 : i32
      %sign3A_407 = vector.broadcast %sign3A_406 : i32 to vector<16xi32>
      %sign3A_408 = arith.cmpi slt, %add3A_398, %sign3A_407 : vector<16xi32>
      %sign3A_409 = arith.extui %sign3A_408 : vector<16xi1> to vector<16xi32>
      %sign3A_410 = arith.subi %sign3A_405, %sign3A_409 : vector<16xi32>
      %sign3A_411 = arith.constant 0 : i32
      %sign3A_412 = arith.cmpi sgt, %jit3A_399, %sign3A_411 : i32
      %sign3A_413 = arith.extui %sign3A_412 : i1 to i32
      %sign3A_414 = arith.constant 0 : i32
      %sign3A_415 = arith.cmpi slt, %jit3A_399, %sign3A_414 : i32
      %sign3A_416 = arith.extui %sign3A_415 : i1 to i32
      %sign3A_417 = arith.subi %sign3A_413, %sign3A_416 : i32
      %ne3A_418 = vector.broadcast %sign3A_417 : i32 to vector<16xi32>
      %ne3A_419 = arith.cmpi ne, %sign3A_410, %ne3A_418 : vector<16xi32>
      %rem3A_420 = vector.broadcast %jit3A_399 : i32 to vector<16xi32>
      %rem3A_421 = arith.remsi %add3A_398, %rem3A_420 : vector<16xi32>
      %ne3A_422 = arith.constant 0 : i32
      %ne3A_423 = vector.broadcast %ne3A_422 : i32 to vector<16xi32>
      %ne3A_424 = arith.cmpi ne, %rem3A_421, %ne3A_423 : vector<16xi32>
      %and3A_425 = arith.andi %ne3A_419, %ne3A_424 : vector<16xi1>
      %sub3A_426 = arith.constant 1 : i32
      %sub3A_427 = vector.broadcast %sub3A_426 : i32 to vector<16xi32>
      %sub3A_428 = arith.subi %div3A_401, %sub3A_427 : vector<16xi32>
      %select_n3A_429 = arith.select %and3A_425, %sub3A_428, %div3A_401 : vector<16xi1>, vector<16xi32>
      %jit3A_430 = arith.constant 128 : i32
      %eq3A_431 = arith.constant 0 : i32
      %eq3A_432 = arith.cmpi eq, %jit3A_430, %eq3A_431 : i32
      %jit3A_433 = arith.constant 1 : i32
      %select_n3A_434 = arith.select %eq3A_432, %jit3A_433, %jit3A_430 : i32
      %rem3A_435 = vector.broadcast %select_n3A_434 : i32 to vector<16xi32>
      %rem3A_436 = arith.remsi %add3A_398, %rem3A_435 : vector<16xi32>
      %ne3A_437 = arith.constant 0 : i32
      %ne3A_438 = vector.broadcast %ne3A_437 : i32 to vector<16xi32>
      %ne3A_439 = arith.cmpi ne, %rem3A_436, %ne3A_438 : vector<16xi32>
      %lt3A_440 = arith.constant 0 : i32
      %lt3A_441 = vector.broadcast %lt3A_440 : i32 to vector<16xi32>
      %lt3A_442 = arith.cmpi slt, %rem3A_436, %lt3A_441 : vector<16xi32>
      %lt3A_443 = arith.constant 0 : i32
      %lt3A_444 = arith.cmpi slt, %select_n3A_434, %lt3A_443 : i32
      %ne3A_445 = vector.broadcast %lt3A_444 : i1 to vector<16xi1>
      %ne3A_446 = vector.broadcast %ne3A_445 : vector<16xi1> to vector<16xi1>
      %ne3A_447 = arith.xori %lt3A_442, %ne3A_446 : vector<16xi1>
      %and3A_448 = arith.andi %ne3A_447, %ne3A_439 : vector<16xi1>
      %add3A_449 = vector.broadcast %select_n3A_434 : i32 to vector<16xi32>
      %add3A_450 = arith.addi %rem3A_436, %add3A_449 : vector<16xi32>
      %select_n3A_451 = arith.select %and3A_448, %add3A_450, %rem3A_436 : vector<16xi1>, vector<16xi32>
      tpu.vector_store_idx %arg5[%select_n3A_429, %select_n3A_451], %get3A_396 : memref<224x128xi32, #tpu.memory_space<vmem>>[vector<16xi32>, vector<16xi32>], vector<16xi32>,
      %add3A_452 = arith.constant 32 : i32
      %add3A_453 = arith.addi %mul3A_327, %add3A_452 : i32
      %get3A_454 = arith.constant 1 : i32
      %get3A_455 = arith.index_cast %scan3A_11 : i32 to index
      %get3A_456 = arith.index_cast %get3A_454 : i32 to index
      %get3A_457 = arith.constant 32 : index
      %get3A_458 = tpu.vector_load %arg4[%get3A_455, %get3A_456, %get3A_457] {strides = array<i32>} : memref<64x8x50xi32, #tpu.memory_space<vmem>>, vector<16xi32>,
      %add3A_459 = vector.broadcast %add3A_453 : i32 to vector<16xi32>
      %add3A_460 = arith.addi %iota3A, %add3A_459 : vector<16xi32>
      %jit3A_461 = arith.constant 128 : i32
      %div3A_462 = vector.broadcast %jit3A_461 : i32 to vector<16xi32>
      %div3A_463 = arith.divsi %add3A_460, %div3A_462 : vector<16xi32>
      %sign3A_464 = arith.constant 0 : i32
      %sign3A_465 = vector.broadcast %sign3A_464 : i32 to vector<16xi32>
      %sign3A_466 = arith.cmpi sgt, %add3A_460, %sign3A_465 : vector<16xi32>
      %sign3A_467 = arith.extui %sign3A_466 : vector<16xi1> to vector<16xi32>
      %sign3A_468 = arith.constant 0 : i32
      %sign3A_469 = vector.broadcast %sign3A_468 : i32 to vector<16xi32>
      %sign3A_470 = arith.cmpi slt, %add3A_460, %sign3A_469 : vector<16xi32>
      %sign3A_471 = arith.extui %sign3A_470 : vector<16xi1> to vector<16xi32>
      %sign3A_472 = arith.subi %sign3A_467, %sign3A_471 : vector<16xi32>
      %sign3A_473 = arith.constant 0 : i32
      %sign3A_474 = arith.cmpi sgt, %jit3A_461, %sign3A_473 : i32
      %sign3A_475 = arith.extui %sign3A_474 : i1 to i32
      %sign3A_476 = arith.constant 0 : i32
      %sign3A_477 = arith.cmpi slt, %jit3A_461, %sign3A_476 : i32
      %sign3A_478 = arith.extui %sign3A_477 : i1 to i32
      %sign3A_479 = arith.subi %sign3A_475, %sign3A_478 : i32
      %ne3A_480 = vector.broadcast %sign3A_479 : i32 to vector<16xi32>
      %ne3A_481 = arith.cmpi ne, %sign3A_472, %ne3A_480 : vector<16xi32>
      %rem3A_482 = vector.broadcast %jit3A_461 : i32 to vector<16xi32>
      %rem3A_483 = arith.remsi %add3A_460, %rem3A_482 : vector<16xi32>
      %ne3A_484 = arith.constant 0 : i32
      %ne3A_485 = vector.broadcast %ne3A_484 : i32 to vector<16xi32>
      %ne3A_486 = arith.cmpi ne, %rem3A_483, %ne3A_485 : vector<16xi32>
      %and3A_487 = arith.andi %ne3A_481, %ne3A_486 : vector<16xi1>
      %sub3A_488 = arith.constant 1 : i32
      %sub3A_489 = vector.broadcast %sub3A_488 : i32 to vector<16xi32>
      %sub3A_490 = arith.subi %div3A_463, %sub3A_489 : vector<16xi32>
      %select_n3A_491 = arith.select %and3A_487, %sub3A_490, %div3A_463 : vector<16xi1>, vector<16xi32>
      %jit3A_492 = arith.constant 128 : i32
      %eq3A_493 = arith.constant 0 : i32
      %eq3A_494 = arith.cmpi eq, %jit3A_492, %eq3A_493 : i32
      %jit3A_495 = arith.constant 1 : i32
      %select_n3A_496 = arith.select %eq3A_494, %jit3A_495, %jit3A_492 : i32
      %rem3A_497 = vector.broadcast %select_n3A_496 : i32 to vector<16xi32>
      %rem3A_498 = arith.remsi %add3A_460, %rem3A_497 : vector<16xi32>
      %ne3A_499 = arith.constant 0 : i32
      %ne3A_500 = vector.broadcast %ne3A_499 : i32 to vector<16xi32>
      %ne3A_501 = arith.cmpi ne, %rem3A_498, %ne3A_500 : vector<16xi32>
      %lt3A_502 = arith.constant 0 : i32
      %lt3A_503 = vector.broadcast %lt3A_502 : i32 to vector<16xi32>
      %lt3A_504 = arith.cmpi slt, %rem3A_498, %lt3A_503 : vector<16xi32>
      %lt3A_505 = arith.constant 0 : i32
      %lt3A_506 = arith.cmpi slt, %select_n3A_496, %lt3A_505 : i32
      %ne3A_507 = vector.broadcast %lt3A_506 : i1 to vector<16xi1>
      %ne3A_508 = vector.broadcast %ne3A_507 : vector<16xi1> to vector<16xi1>
      %ne3A_509 = arith.xori %lt3A_504, %ne3A_508 : vector<16xi1>
      %and3A_510 = arith.andi %ne3A_509, %ne3A_501 : vector<16xi1>
      %add3A_511 = vector.broadcast %select_n3A_496 : i32 to vector<16xi32>
      %add3A_512 = arith.addi %rem3A_498, %add3A_511 : vector<16xi32>
      %select_n3A_513 = arith.select %and3A_510, %add3A_512, %rem3A_498 : vector<16xi1>, vector<16xi32>
      tpu.vector_store_idx %arg5[%select_n3A_491, %select_n3A_513], %get3A_458 : memref<224x128xi32, #tpu.memory_space<vmem>>[vector<16xi32>, vector<16xi32>], vector<16xi32>,
      %add3A_514 = arith.constant 34 : i32
      %add3A_515 = arith.addi %mul3A_327, %add3A_514 : i32
      %get3A_516 = arith.constant 1 : i32
      %get3A_517 = arith.index_cast %scan3A_11 : i32 to index
      %get3A_518 = arith.index_cast %get3A_516 : i32 to index
      %get3A_519 = arith.constant 34 : index
      %get3A_520 = tpu.vector_load %arg4[%get3A_517, %get3A_518, %get3A_519] {strides = array<i32>} : memref<64x8x50xi32, #tpu.memory_space<vmem>>, vector<16xi32>,
      %ge3A_521 = arith.constant 14 : i32
      %ge3A_522 = vector.broadcast %ge3A_521 : i32 to vector<16xi32>
      %ge3A_523 = arith.cmpi sge, %iota3A, %ge3A_522 : vector<16xi32>
      %add3A_524 = vector.broadcast %add3A_515 : i32 to vector<16xi32>
      %add3A_525 = arith.addi %iota3A, %add3A_524 : vector<16xi32>
      %jit3A_526 = arith.constant 128 : i32
      %div3A_527 = vector.broadcast %jit3A_526 : i32 to vector<16xi32>
      %div3A_528 = arith.divsi %add3A_525, %div3A_527 : vector<16xi32>
      %sign3A_529 = arith.constant 0 : i32
      %sign3A_530 = vector.broadcast %sign3A_529 : i32 to vector<16xi32>
      %sign3A_531 = arith.cmpi sgt, %add3A_525, %sign3A_530 : vector<16xi32>
      %sign3A_532 = arith.extui %sign3A_531 : vector<16xi1> to vector<16xi32>
      %sign3A_533 = arith.constant 0 : i32
      %sign3A_534 = vector.broadcast %sign3A_533 : i32 to vector<16xi32>
      %sign3A_535 = arith.cmpi slt, %add3A_525, %sign3A_534 : vector<16xi32>
      %sign3A_536 = arith.extui %sign3A_535 : vector<16xi1> to vector<16xi32>
      %sign3A_537 = arith.subi %sign3A_532, %sign3A_536 : vector<16xi32>
      %sign3A_538 = arith.constant 0 : i32
      %sign3A_539 = arith.cmpi sgt, %jit3A_526, %sign3A_538 : i32
      %sign3A_540 = arith.extui %sign3A_539 : i1 to i32
      %sign3A_541 = arith.constant 0 : i32
      %sign3A_542 = arith.cmpi slt, %jit3A_526, %sign3A_541 : i32
      %sign3A_543 = arith.extui %sign3A_542 : i1 to i32
      %sign3A_544 = arith.subi %sign3A_540, %sign3A_543 : i32
      %ne3A_545 = vector.broadcast %sign3A_544 : i32 to vector<16xi32>
      %ne3A_546 = arith.cmpi ne, %sign3A_537, %ne3A_545 : vector<16xi32>
      %rem3A_547 = vector.broadcast %jit3A_526 : i32 to vector<16xi32>
      %rem3A_548 = arith.remsi %add3A_525, %rem3A_547 : vector<16xi32>
      %ne3A_549 = arith.constant 0 : i32
      %ne3A_550 = vector.broadcast %ne3A_549 : i32 to vector<16xi32>
      %ne3A_551 = arith.cmpi ne, %rem3A_548, %ne3A_550 : vector<16xi32>
      %and3A_552 = arith.andi %ne3A_546, %ne3A_551 : vector<16xi1>
      %sub3A_553 = arith.constant 1 : i32
      %sub3A_554 = vector.broadcast %sub3A_553 : i32 to vector<16xi32>
      %sub3A_555 = arith.subi %div3A_528, %sub3A_554 : vector<16xi32>
      %select_n3A_556 = arith.select %and3A_552, %sub3A_555, %div3A_528 : vector<16xi1>, vector<16xi32>
      %jit3A_557 = arith.constant 128 : i32
      %eq3A_558 = arith.constant 0 : i32
      %eq3A_559 = arith.cmpi eq, %jit3A_557, %eq3A_558 : i32
      %jit3A_560 = arith.constant 1 : i32
      %select_n3A_561 = arith.select %eq3A_559, %jit3A_560, %jit3A_557 : i32
      %rem3A_562 = vector.broadcast %select_n3A_561 : i32 to vector<16xi32>
      %rem3A_563 = arith.remsi %add3A_525, %rem3A_562 : vector<16xi32>
      %ne3A_564 = arith.constant 0 : i32
      %ne3A_565 = vector.broadcast %ne3A_564 : i32 to vector<16xi32>
      %ne3A_566 = arith.cmpi ne, %rem3A_563, %ne3A_565 : vector<16xi32>
      %lt3A_567 = arith.constant 0 : i32
      %lt3A_568 = vector.broadcast %lt3A_567 : i32 to vector<16xi32>
      %lt3A_569 = arith.cmpi slt, %rem3A_563, %lt3A_568 : vector<16xi32>
      %lt3A_570 = arith.constant 0 : i32
      %lt3A_571 = arith.cmpi slt, %select_n3A_561, %lt3A_570 : i32
      %ne3A_572 = vector.broadcast %lt3A_571 : i1 to vector<16xi1>
      %ne3A_573 = vector.broadcast %ne3A_572 : vector<16xi1> to vector<16xi1>
      %ne3A_574 = arith.xori %lt3A_569, %ne3A_573 : vector<16xi1>
      %and3A_575 = arith.andi %ne3A_574, %ne3A_566 : vector<16xi1>
      %add3A_576 = vector.broadcast %select_n3A_561 : i32 to vector<16xi32>
      %add3A_577 = arith.addi %rem3A_563, %add3A_576 : vector<16xi32>
      %select_n3A_578 = arith.select %and3A_575, %add3A_577, %rem3A_563 : vector<16xi1>, vector<16xi32>
      tpu.vector_store_idx %arg5[%select_n3A_556, %select_n3A_578], %get3A_520 masked %ge3A_523 : memref<224x128xi32, #tpu.memory_space<vmem>>[vector<16xi32>, vector<16xi32>], vector<16xi32>, vector<16xi1>
      %add3A_579 = arith.constant 50 : i32
      %add3A_580 = arith.addi %mul3A_327, %add3A_579 : i32
      %add3A_581 = arith.constant 50 : i32
      %add3A_582 = arith.addi %mul3A_327, %add3A_581 : i32
      %add3A_583 = vector.broadcast %add3A_582 : i32 to vector<16xi32>
      %add3A_584 = arith.addi %iota3A, %add3A_583 : vector<16xi32>
      %lt3A_585 = arith.constant 6 : i32
      %lt3A_586 = vector.broadcast %lt3A_585 : i32 to vector<16xi32>
      %lt3A_587 = arith.cmpi slt, %iota3A, %lt3A_586 : vector<16xi32>
      %add3A_588 = vector.broadcast %add3A_580 : i32 to vector<16xi32>
      %add3A_589 = arith.addi %iota3A, %add3A_588 : vector<16xi32>
      %jit3A_590 = arith.constant 128 : i32
      %div3A_591 = vector.broadcast %jit3A_590 : i32 to vector<16xi32>
      %div3A_592 = arith.divsi %add3A_589, %div3A_591 : vector<16xi32>
      %sign3A_593 = arith.constant 0 : i32
      %sign3A_594 = vector.broadcast %sign3A_593 : i32 to vector<16xi32>
      %sign3A_595 = arith.cmpi sgt, %add3A_589, %sign3A_594 : vector<16xi32>
      %sign3A_596 = arith.extui %sign3A_595 : vector<16xi1> to vector<16xi32>
      %sign3A_597 = arith.constant 0 : i32
      %sign3A_598 = vector.broadcast %sign3A_597 : i32 to vector<16xi32>
      %sign3A_599 = arith.cmpi slt, %add3A_589, %sign3A_598 : vector<16xi32>
      %sign3A_600 = arith.extui %sign3A_599 : vector<16xi1> to vector<16xi32>
      %sign3A_601 = arith.subi %sign3A_596, %sign3A_600 : vector<16xi32>
      %sign3A_602 = arith.constant 0 : i32
      %sign3A_603 = arith.cmpi sgt, %jit3A_590, %sign3A_602 : i32
      %sign3A_604 = arith.extui %sign3A_603 : i1 to i32
      %sign3A_605 = arith.constant 0 : i32
      %sign3A_606 = arith.cmpi slt, %jit3A_590, %sign3A_605 : i32
      %sign3A_607 = arith.extui %sign3A_606 : i1 to i32
      %sign3A_608 = arith.subi %sign3A_604, %sign3A_607 : i32
      %ne3A_609 = vector.broadcast %sign3A_608 : i32 to vector<16xi32>
      %ne3A_610 = arith.cmpi ne, %sign3A_601, %ne3A_609 : vector<16xi32>
      %rem3A_611 = vector.broadcast %jit3A_590 : i32 to vector<16xi32>
      %rem3A_612 = arith.remsi %add3A_589, %rem3A_611 : vector<16xi32>
      %ne3A_613 = arith.constant 0 : i32
      %ne3A_614 = vector.broadcast %ne3A_613 : i32 to vector<16xi32>
      %ne3A_615 = arith.cmpi ne, %rem3A_612, %ne3A_614 : vector<16xi32>
      %and3A_616 = arith.andi %ne3A_610, %ne3A_615 : vector<16xi1>
      %sub3A_617 = arith.constant 1 : i32
      %sub3A_618 = vector.broadcast %sub3A_617 : i32 to vector<16xi32>
      %sub3A_619 = arith.subi %div3A_592, %sub3A_618 : vector<16xi32>
      %select_n3A_620 = arith.select %and3A_616, %sub3A_619, %div3A_592 : vector<16xi1>, vector<16xi32>
      %jit3A_621 = arith.constant 128 : i32
      %eq3A_622 = arith.constant 0 : i32
      %eq3A_623 = arith.cmpi eq, %jit3A_621, %eq3A_622 : i32
      %jit3A_624 = arith.constant 1 : i32
      %select_n3A_625 = arith.select %eq3A_623, %jit3A_624, %jit3A_621 : i32
      %rem3A_626 = vector.broadcast %select_n3A_625 : i32 to vector<16xi32>
      %rem3A_627 = arith.remsi %add3A_589, %rem3A_626 : vector<16xi32>
      %ne3A_628 = arith.constant 0 : i32
      %ne3A_629 = vector.broadcast %ne3A_628 : i32 to vector<16xi32>
      %ne3A_630 = arith.cmpi ne, %rem3A_627, %ne3A_629 : vector<16xi32>
      %lt3A_631 = arith.constant 0 : i32
      %lt3A_632 = vector.broadcast %lt3A_631 : i32 to vector<16xi32>
      %lt3A_633 = arith.cmpi slt, %rem3A_627, %lt3A_632 : vector<16xi32>
      %lt3A_634 = arith.constant 0 : i32
      %lt3A_635 = arith.cmpi slt, %select_n3A_625, %lt3A_634 : i32
      %ne3A_636 = vector.broadcast %lt3A_635 : i1 to vector<16xi1>
      %ne3A_637 = vector.broadcast %ne3A_636 : vector<16xi1> to vector<16xi1>
      %ne3A_638 = arith.xori %lt3A_633, %ne3A_637 : vector<16xi1>
      %and3A_639 = arith.andi %ne3A_638, %ne3A_630 : vector<16xi1>
      %add3A_640 = vector.broadcast %select_n3A_625 : i32 to vector<16xi32>
      %add3A_641 = arith.addi %rem3A_627, %add3A_640 : vector<16xi32>
      %select_n3A_642 = arith.select %and3A_639, %add3A_641, %rem3A_627 : vector<16xi1>, vector<16xi32>
      tpu.vector_store_idx %arg5[%select_n3A_620, %select_n3A_642], %add3A_584 masked %lt3A_587 : memref<224x128xi32, #tpu.memory_space<vmem>>[vector<16xi32>, vector<16xi32>], vector<16xi32>, vector<16xi1>
      %mul3A_643 = arith.constant 8 : i32
      %mul3A_644 = arith.muli %scan3A_11, %mul3A_643 : i32
      %add3A_645 = arith.constant 2 : i32
      %add3A_646 = arith.addi %mul3A_644, %add3A_645 : i32
      %mul3A_647 = arith.constant 56 : i32
      %mul3A_648 = arith.muli %add3A_646, %mul3A_647 : i32
      %add3A_649 = arith.constant 0 : i32
      %add3A_650 = arith.addi %mul3A_648, %add3A_649 : i32
      %get3A_651 = arith.constant 2 : i32
      %get3A_652 = arith.index_cast %scan3A_11 : i32 to index
      %get3A_653 = arith.index_cast %get3A_651 : i32 to index
      %get3A_654 = arith.constant 0 : index
      %get3A_655 = tpu.vector_load %arg4[%get3A_652, %get3A_653, %get3A_654] {strides = array<i32>} : memref<64x8x50xi32, #tpu.memory_space<vmem>>, vector<16xi32>,
      %add3A_656 = vector.broadcast %add3A_650 : i32 to vector<16xi32>
      %add3A_657 = arith.addi %iota3A, %add3A_656 : vector<16xi32>
      %jit3A_658 = arith.constant 128 : i32
      %div3A_659 = vector.broadcast %jit3A_658 : i32 to vector<16xi32>
      %div3A_660 = arith.divsi %add3A_657, %div3A_659 : vector<16xi32>
      %sign3A_661 = arith.constant 0 : i32
      %sign3A_662 = vector.broadcast %sign3A_661 : i32 to vector<16xi32>
      %sign3A_663 = arith.cmpi sgt, %add3A_657, %sign3A_662 : vector<16xi32>
      %sign3A_664 = arith.extui %sign3A_663 : vector<16xi1> to vector<16xi32>
      %sign3A_665 = arith.constant 0 : i32
      %sign3A_666 = vector.broadcast %sign3A_665 : i32 to vector<16xi32>
      %sign3A_667 = arith.cmpi slt, %add3A_657, %sign3A_666 : vector<16xi32>
      %sign3A_668 = arith.extui %sign3A_667 : vector<16xi1> to vector<16xi32>
      %sign3A_669 = arith.subi %sign3A_664, %sign3A_668 : vector<16xi32>
      %sign3A_670 = arith.constant 0 : i32
      %sign3A_671 = arith.cmpi sgt, %jit3A_658, %sign3A_670 : i32
      %sign3A_672 = arith.extui %sign3A_671 : i1 to i32
      %sign3A_673 = arith.constant 0 : i32
      %sign3A_674 = arith.cmpi slt, %jit3A_658, %sign3A_673 : i32
      %sign3A_675 = arith.extui %sign3A_674 : i1 to i32
      %sign3A_676 = arith.subi %sign3A_672, %sign3A_675 : i32
      %ne3A_677 = vector.broadcast %sign3A_676 : i32 to vector<16xi32>
      %ne3A_678 = arith.cmpi ne, %sign3A_669, %ne3A_677 : vector<16xi32>
      %rem3A_679 = vector.broadcast %jit3A_658 : i32 to vector<16xi32>
      %rem3A_680 = arith.remsi %add3A_657, %rem3A_679 : vector<16xi32>
      %ne3A_681 = arith.constant 0 : i32
      %ne3A_682 = vector.broadcast %ne3A_681 : i32 to vector<16xi32>
      %ne3A_683 = arith.cmpi ne, %rem3A_680, %ne3A_682 : vector<16xi32>
      %and3A_684 = arith.andi %ne3A_678, %ne3A_683 : vector<16xi1>
      %sub3A_685 = arith.constant 1 : i32
      %sub3A_686 = vector.broadcast %sub3A_685 : i32 to vector<16xi32>
      %sub3A_687 = arith.subi %div3A_660, %sub3A_686 : vector<16xi32>
      %select_n3A_688 = arith.select %and3A_684, %sub3A_687, %div3A_660 : vector<16xi1>, vector<16xi32>
      %jit3A_689 = arith.constant 128 : i32
      %eq3A_690 = arith.constant 0 : i32
      %eq3A_691 = arith.cmpi eq, %jit3A_689, %eq3A_690 : i32
      %jit3A_692 = arith.constant 1 : i32
      %select_n3A_693 = arith.select %eq3A_691, %jit3A_692, %jit3A_689 : i32
      %rem3A_694 = vector.broadcast %select_n3A_693 : i32 to vector<16xi32>
      %rem3A_695 = arith.remsi %add3A_657, %rem3A_694 : vector<16xi32>
      %ne3A_696 = arith.constant 0 : i32
      %ne3A_697 = vector.broadcast %ne3A_696 : i32 to vector<16xi32>
      %ne3A_698 = arith.cmpi ne, %rem3A_695, %ne3A_697 : vector<16xi32>
      %lt3A_699 = arith.constant 0 : i32
      %lt3A_700 = vector.broadcast %lt3A_699 : i32 to vector<16xi32>
      %lt3A_701 = arith.cmpi slt, %rem3A_695, %lt3A_700 : vector<16xi32>
      %lt3A_702 = arith.constant 0 : i32
      %lt3A_703 = arith.cmpi slt, %select_n3A_693, %lt3A_702 : i32
      %ne3A_704 = vector.broadcast %lt3A_703 : i1 to vector<16xi1>
      %ne3A_705 = vector.broadcast %ne3A_704 : vector<16xi1> to vector<16xi1>
      %ne3A_706 = arith.xori %lt3A_701, %ne3A_705 : vector<16xi1>
      %and3A_707 = arith.andi %ne3A_706, %ne3A_698 : vector<16xi1>
      %add3A_708 = vector.broadcast %select_n3A_693 : i32 to vector<16xi32>
      %add3A_709 = arith.addi %rem3A_695, %add3A_708 : vector<16xi32>
      %select_n3A_710 = arith.select %and3A_707, %add3A_709, %rem3A_695 : vector<16xi1>, vector<16xi32>
      tpu.vector_store_idx %arg5[%select_n3A_688, %select_n3A_710], %get3A_655 : memref<224x128xi32, #tpu.memory_space<vmem>>[vector<16xi32>, vector<16xi32>], vector<16xi32>,
      %add3A_711 = arith.constant 16 : i32
      %add3A_712 = arith.addi %mul3A_648, %add3A_711 : i32
      %get3A_713 = arith.constant 2 : i32
      %get3A_714 = arith.index_cast %scan3A_11 : i32 to index
      %get3A_715 = arith.index_cast %get3A_713 : i32 to index
      %get3A_716 = arith.constant 16 : index
      %get3A_717 = tpu.vector_load %arg4[%get3A_714, %get3A_715, %get3A_716] {strides = array<i32>} : memref<64x8x50xi32, #tpu.memory_space<vmem>>, vector<16xi32>,
      %add3A_718 = vector.broadcast %add3A_712 : i32 to vector<16xi32>
      %add3A_719 = arith.addi %iota3A, %add3A_718 : vector<16xi32>
      %jit3A_720 = arith.constant 128 : i32
      %div3A_721 = vector.broadcast %jit3A_720 : i32 to vector<16xi32>
      %div3A_722 = arith.divsi %add3A_719, %div3A_721 : vector<16xi32>
      %sign3A_723 = arith.constant 0 : i32
      %sign3A_724 = vector.broadcast %sign3A_723 : i32 to vector<16xi32>
      %sign3A_725 = arith.cmpi sgt, %add3A_719, %sign3A_724 : vector<16xi32>
      %sign3A_726 = arith.extui %sign3A_725 : vector<16xi1> to vector<16xi32>
      %sign3A_727 = arith.constant 0 : i32
      %sign3A_728 = vector.broadcast %sign3A_727 : i32 to vector<16xi32>
      %sign3A_729 = arith.cmpi slt, %add3A_719, %sign3A_728 : vector<16xi32>
      %sign3A_730 = arith.extui %sign3A_729 : vector<16xi1> to vector<16xi32>
      %sign3A_731 = arith.subi %sign3A_726, %sign3A_730 : vector<16xi32>
      %sign3A_732 = arith.constant 0 : i32
      %sign3A_733 = arith.cmpi sgt, %jit3A_720, %sign3A_732 : i32
      %sign3A_734 = arith.extui %sign3A_733 : i1 to i32
      %sign3A_735 = arith.constant 0 : i32
      %sign3A_736 = arith.cmpi slt, %jit3A_720, %sign3A_735 : i32
      %sign3A_737 = arith.extui %sign3A_736 : i1 to i32
      %sign3A_738 = arith.subi %sign3A_734, %sign3A_737 : i32
      %ne3A_739 = vector.broadcast %sign3A_738 : i32 to vector<16xi32>
      %ne3A_740 = arith.cmpi ne, %sign3A_731, %ne3A_739 : vector<16xi32>
      %rem3A_741 = vector.broadcast %jit3A_720 : i32 to vector<16xi32>
      %rem3A_742 = arith.remsi %add3A_719, %rem3A_741 : vector<16xi32>
      %ne3A_743 = arith.constant 0 : i32
      %ne3A_744 = vector.broadcast %ne3A_743 : i32 to vector<16xi32>
      %ne3A_745 = arith.cmpi ne, %rem3A_742, %ne3A_744 : vector<16xi32>
      %and3A_746 = arith.andi %ne3A_740, %ne3A_745 : vector<16xi1>
      %sub3A_747 = arith.constant 1 : i32
      %sub3A_748 = vector.broadcast %sub3A_747 : i32 to vector<16xi32>
      %sub3A_749 = arith.subi %div3A_722, %sub3A_748 : vector<16xi32>
      %select_n3A_750 = arith.select %and3A_746, %sub3A_749, %div3A_722 : vector<16xi1>, vector<16xi32>
      %jit3A_751 = arith.constant 128 : i32
      %eq3A_752 = arith.constant 0 : i32
      %eq3A_753 = arith.cmpi eq, %jit3A_751, %eq3A_752 : i32
      %jit3A_754 = arith.constant 1 : i32
      %select_n3A_755 = arith.select %eq3A_753, %jit3A_754, %jit3A_751 : i32
      %rem3A_756 = vector.broadcast %select_n3A_755 : i32 to vector<16xi32>
      %rem3A_757 = arith.remsi %add3A_719, %rem3A_756 : vector<16xi32>
      %ne3A_758 = arith.constant 0 : i32
      %ne3A_759 = vector.broadcast %ne3A_758 : i32 to vector<16xi32>
      %ne3A_760 = arith.cmpi ne, %rem3A_757, %ne3A_759 : vector<16xi32>
      %lt3A_761 = arith.constant 0 : i32
      %lt3A_762 = vector.broadcast %lt3A_761 : i32 to vector<16xi32>
      %lt3A_763 = arith.cmpi slt, %rem3A_757, %lt3A_762 : vector<16xi32>
      %lt3A_764 = arith.constant 0 : i32
      %lt3A_765 = arith.cmpi slt, %select_n3A_755, %lt3A_764 : i32
      %ne3A_766 = vector.broadcast %lt3A_765 : i1 to vector<16xi1>
      %ne3A_767 = vector.broadcast %ne3A_766 : vector<16xi1> to vector<16xi1>
      %ne3A_768 = arith.xori %lt3A_763, %ne3A_767 : vector<16xi1>
      %and3A_769 = arith.andi %ne3A_768, %ne3A_760 : vector<16xi1>
      %add3A_770 = vector.broadcast %select_n3A_755 : i32 to vector<16xi32>
      %add3A_771 = arith.addi %rem3A_757, %add3A_770 : vector<16xi32>
      %select_n3A_772 = arith.select %and3A_769, %add3A_771, %rem3A_757 : vector<16xi1>, vector<16xi32>
      tpu.vector_store_idx %arg5[%select_n3A_750, %select_n3A_772], %get3A_717 : memref<224x128xi32, #tpu.memory_space<vmem>>[vector<16xi32>, vector<16xi32>], vector<16xi32>,
      %add3A_773 = arith.constant 32 : i32
      %add3A_774 = arith.addi %mul3A_648, %add3A_773 : i32
      %get3A_775 = arith.constant 2 : i32
      %get3A_776 = arith.index_cast %scan3A_11 : i32 to index
      %get3A_777 = arith.index_cast %get3A_775 : i32 to index
      %get3A_778 = arith.constant 32 : index
      %get3A_779 = tpu.vector_load %arg4[%get3A_776, %get3A_777, %get3A_778] {strides = array<i32>} : memref<64x8x50xi32, #tpu.memory_space<vmem>>, vector<16xi32>,
      %add3A_780 = vector.broadcast %add3A_774 : i32 to vector<16xi32>
      %add3A_781 = arith.addi %iota3A, %add3A_780 : vector<16xi32>
      %jit3A_782 = arith.constant 128 : i32
      %div3A_783 = vector.broadcast %jit3A_782 : i32 to vector<16xi32>
      %div3A_784 = arith.divsi %add3A_781, %div3A_783 : vector<16xi32>
      %sign3A_785 = arith.constant 0 : i32
      %sign3A_786 = vector.broadcast %sign3A_785 : i32 to vector<16xi32>
      %sign3A_787 = arith.cmpi sgt, %add3A_781, %sign3A_786 : vector<16xi32>
      %sign3A_788 = arith.extui %sign3A_787 : vector<16xi1> to vector<16xi32>
      %sign3A_789 = arith.constant 0 : i32
      %sign3A_790 = vector.broadcast %sign3A_789 : i32 to vector<16xi32>
      %sign3A_791 = arith.cmpi slt, %add3A_781, %sign3A_790 : vector<16xi32>
      %sign3A_792 = arith.extui %sign3A_791 : vector<16xi1> to vector<16xi32>
      %sign3A_793 = arith.subi %sign3A_788, %sign3A_792 : vector<16xi32>
      %sign3A_794 = arith.constant 0 : i32
      %sign3A_795 = arith.cmpi sgt, %jit3A_782, %sign3A_794 : i32
      %sign3A_796 = arith.extui %sign3A_795 : i1 to i32
      %sign3A_797 = arith.constant 0 : i32
      %sign3A_798 = arith.cmpi slt, %jit3A_782, %sign3A_797 : i32
      %sign3A_799 = arith.extui %sign3A_798 : i1 to i32
      %sign3A_800 = arith.subi %sign3A_796, %sign3A_799 : i32
      %ne3A_801 = vector.broadcast %sign3A_800 : i32 to vector<16xi32>
      %ne3A_802 = arith.cmpi ne, %sign3A_793, %ne3A_801 : vector<16xi32>
      %rem3A_803 = vector.broadcast %jit3A_782 : i32 to vector<16xi32>
      %rem3A_804 = arith.remsi %add3A_781, %rem3A_803 : vector<16xi32>
      %ne3A_805 = arith.constant 0 : i32
      %ne3A_806 = vector.broadcast %ne3A_805 : i32 to vector<16xi32>
      %ne3A_807 = arith.cmpi ne, %rem3A_804, %ne3A_806 : vector<16xi32>
      %and3A_808 = arith.andi %ne3A_802, %ne3A_807 : vector<16xi1>
      %sub3A_809 = arith.constant 1 : i32
      %sub3A_810 = vector.broadcast %sub3A_809 : i32 to vector<16xi32>
      %sub3A_811 = arith.subi %div3A_784, %sub3A_810 : vector<16xi32>
      %select_n3A_812 = arith.select %and3A_808, %sub3A_811, %div3A_784 : vector<16xi1>, vector<16xi32>
      %jit3A_813 = arith.constant 128 : i32
      %eq3A_814 = arith.constant 0 : i32
      %eq3A_815 = arith.cmpi eq, %jit3A_813, %eq3A_814 : i32
      %jit3A_816 = arith.constant 1 : i32
      %select_n3A_817 = arith.select %eq3A_815, %jit3A_816, %jit3A_813 : i32
      %rem3A_818 = vector.broadcast %select_n3A_817 : i32 to vector<16xi32>
      %rem3A_819 = arith.remsi %add3A_781, %rem3A_818 : vector<16xi32>
      %ne3A_820 = arith.constant 0 : i32
      %ne3A_821 = vector.broadcast %ne3A_820 : i32 to vector<16xi32>
      %ne3A_822 = arith.cmpi ne, %rem3A_819, %ne3A_821 : vector<16xi32>
      %lt3A_823 = arith.constant 0 : i32
      %lt3A_824 = vector.broadcast %lt3A_823 : i32 to vector<16xi32>
      %lt3A_825 = arith.cmpi slt, %rem3A_819, %lt3A_824 : vector<16xi32>
      %lt3A_826 = arith.constant 0 : i32
      %lt3A_827 = arith.cmpi slt, %select_n3A_817, %lt3A_826 : i32
      %ne3A_828 = vector.broadcast %lt3A_827 : i1 to vector<16xi1>
      %ne3A_829 = vector.broadcast %ne3A_828 : vector<16xi1> to vector<16xi1>
      %ne3A_830 = arith.xori %lt3A_825, %ne3A_829 : vector<16xi1>
      %and3A_831 = arith.andi %ne3A_830, %ne3A_822 : vector<16xi1>
      %add3A_832 = vector.broadcast %select_n3A_817 : i32 to vector<16xi32>
      %add3A_833 = arith.addi %rem3A_819, %add3A_832 : vector<16xi32>
      %select_n3A_834 = arith.select %and3A_831, %add3A_833, %rem3A_819 : vector<16xi1>, vector<16xi32>
      tpu.vector_store_idx %arg5[%select_n3A_812, %select_n3A_834], %get3A_779 : memref<224x128xi32, #tpu.memory_space<vmem>>[vector<16xi32>, vector<16xi32>], vector<16xi32>,
      %add3A_835 = arith.constant 34 : i32
      %add3A_836 = arith.addi %mul3A_648, %add3A_835 : i32
      %get3A_837 = arith.constant 2 : i32
      %get3A_838 = arith.index_cast %scan3A_11 : i32 to index
      %get3A_839 = arith.index_cast %get3A_837 : i32 to index
      %get3A_840 = arith.constant 34 : index
      %get3A_841 = tpu.vector_load %arg4[%get3A_838, %get3A_839, %get3A_840] {strides = array<i32>} : memref<64x8x50xi32, #tpu.memory_space<vmem>>, vector<16xi32>,
      %ge3A_842 = arith.constant 14 : i32
      %ge3A_843 = vector.broadcast %ge3A_842 : i32 to vector<16xi32>
      %ge3A_844 = arith.cmpi sge, %iota3A, %ge3A_843 : vector<16xi32>
      %add3A_845 = vector.broadcast %add3A_836 : i32 to vector<16xi32>
      %add3A_846 = arith.addi %iota3A, %add3A_845 : vector<16xi32>
      %jit3A_847 = arith.constant 128 : i32
      %div3A_848 = vector.broadcast %jit3A_847 : i32 to vector<16xi32>
      %div3A_849 = arith.divsi %add3A_846, %div3A_848 : vector<16xi32>
      %sign3A_850 = arith.constant 0 : i32
      %sign3A_851 = vector.broadcast %sign3A_850 : i32 to vector<16xi32>
      %sign3A_852 = arith.cmpi sgt, %add3A_846, %sign3A_851 : vector<16xi32>
      %sign3A_853 = arith.extui %sign3A_852 : vector<16xi1> to vector<16xi32>
      %sign3A_854 = arith.constant 0 : i32
      %sign3A_855 = vector.broadcast %sign3A_854 : i32 to vector<16xi32>
      %sign3A_856 = arith.cmpi slt, %add3A_846, %sign3A_855 : vector<16xi32>
      %sign3A_857 = arith.extui %sign3A_856 : vector<16xi1> to vector<16xi32>
      %sign3A_858 = arith.subi %sign3A_853, %sign3A_857 : vector<16xi32>
      %sign3A_859 = arith.constant 0 : i32
      %sign3A_860 = arith.cmpi sgt, %jit3A_847, %sign3A_859 : i32
      %sign3A_861 = arith.extui %sign3A_860 : i1 to i32
      %sign3A_862 = arith.constant 0 : i32
      %sign3A_863 = arith.cmpi slt, %jit3A_847, %sign3A_862 : i32
      %sign3A_864 = arith.extui %sign3A_863 : i1 to i32
      %sign3A_865 = arith.subi %sign3A_861, %sign3A_864 : i32
      %ne3A_866 = vector.broadcast %sign3A_865 : i32 to vector<16xi32>
      %ne3A_867 = arith.cmpi ne, %sign3A_858, %ne3A_866 : vector<16xi32>
      %rem3A_868 = vector.broadcast %jit3A_847 : i32 to vector<16xi32>
      %rem3A_869 = arith.remsi %add3A_846, %rem3A_868 : vector<16xi32>
      %ne3A_870 = arith.constant 0 : i32
      %ne3A_871 = vector.broadcast %ne3A_870 : i32 to vector<16xi32>
      %ne3A_872 = arith.cmpi ne, %rem3A_869, %ne3A_871 : vector<16xi32>
      %and3A_873 = arith.andi %ne3A_867, %ne3A_872 : vector<16xi1>
      %sub3A_874 = arith.constant 1 : i32
      %sub3A_875 = vector.broadcast %sub3A_874 : i32 to vector<16xi32>
      %sub3A_876 = arith.subi %div3A_849, %sub3A_875 : vector<16xi32>
      %select_n3A_877 = arith.select %and3A_873, %sub3A_876, %div3A_849 : vector<16xi1>, vector<16xi32>
      %jit3A_878 = arith.constant 128 : i32
      %eq3A_879 = arith.constant 0 : i32
      %eq3A_880 = arith.cmpi eq, %jit3A_878, %eq3A_879 : i32
      %jit3A_881 = arith.constant 1 : i32
      %select_n3A_882 = arith.select %eq3A_880, %jit3A_881, %jit3A_878 : i32
      %rem3A_883 = vector.broadcast %select_n3A_882 : i32 to vector<16xi32>
      %rem3A_884 = arith.remsi %add3A_846, %rem3A_883 : vector<16xi32>
      %ne3A_885 = arith.constant 0 : i32
      %ne3A_886 = vector.broadcast %ne3A_885 : i32 to vector<16xi32>
      %ne3A_887 = arith.cmpi ne, %rem3A_884, %ne3A_886 : vector<16xi32>
      %lt3A_888 = arith.constant 0 : i32
      %lt3A_889 = vector.broadcast %lt3A_888 : i32 to vector<16xi32>
      %lt3A_890 = arith.cmpi slt, %rem3A_884, %lt3A_889 : vector<16xi32>
      %lt3A_891 = arith.constant 0 : i32
      %lt3A_892 = arith.cmpi slt, %select_n3A_882, %lt3A_891 : i32
      %ne3A_893 = vector.broadcast %lt3A_892 : i1 to vector<16xi1>
      %ne3A_894 = vector.broadcast %ne3A_893 : vector<16xi1> to vector<16xi1>
      %ne3A_895 = arith.xori %lt3A_890, %ne3A_894 : vector<16xi1>
      %and3A_896 = arith.andi %ne3A_895, %ne3A_887 : vector<16xi1>
      %add3A_897 = vector.broadcast %select_n3A_882 : i32 to vector<16xi32>
      %add3A_898 = arith.addi %rem3A_884, %add3A_897 : vector<16xi32>
      %select_n3A_899 = arith.select %and3A_896, %add3A_898, %rem3A_884 : vector<16xi1>, vector<16xi32>
      tpu.vector_store_idx %arg5[%select_n3A_877, %select_n3A_899], %get3A_841 masked %ge3A_844 : memref<224x128xi32, #tpu.memory_space<vmem>>[vector<16xi32>, vector<16xi32>], vector<16xi32>, vector<16xi1>
      %add3A_900 = arith.constant 50 : i32
      %add3A_901 = arith.addi %mul3A_648, %add3A_900 : i32
      %add3A_902 = arith.constant 50 : i32
      %add3A_903 = arith.addi %mul3A_648, %add3A_902 : i32
      %add3A_904 = vector.broadcast %add3A_903 : i32 to vector<16xi32>
      %add3A_905 = arith.addi %iota3A, %add3A_904 : vector<16xi32>
      %lt3A_906 = arith.constant 6 : i32
      %lt3A_907 = vector.broadcast %lt3A_906 : i32 to vector<16xi32>
      %lt3A_908 = arith.cmpi slt, %iota3A, %lt3A_907 : vector<16xi32>
      %add3A_909 = vector.broadcast %add3A_901 : i32 to vector<16xi32>
      %add3A_910 = arith.addi %iota3A, %add3A_909 : vector<16xi32>
      %jit3A_911 = arith.constant 128 : i32
      %div3A_912 = vector.broadcast %jit3A_911 : i32 to vector<16xi32>
      %div3A_913 = arith.divsi %add3A_910, %div3A_912 : vector<16xi32>
      %sign3A_914 = arith.constant 0 : i32
      %sign3A_915 = vector.broadcast %sign3A_914 : i32 to vector<16xi32>
      %sign3A_916 = arith.cmpi sgt, %add3A_910, %sign3A_915 : vector<16xi32>
      %sign3A_917 = arith.extui %sign3A_916 : vector<16xi1> to vector<16xi32>
      %sign3A_918 = arith.constant 0 : i32
      %sign3A_919 = vector.broadcast %sign3A_918 : i32 to vector<16xi32>
      %sign3A_920 = arith.cmpi slt, %add3A_910, %sign3A_919 : vector<16xi32>
      %sign3A_921 = arith.extui %sign3A_920 : vector<16xi1> to vector<16xi32>
      %sign3A_922 = arith.subi %sign3A_917, %sign3A_921 : vector<16xi32>
      %sign3A_923 = arith.constant 0 : i32
      %sign3A_924 = arith.cmpi sgt, %jit3A_911, %sign3A_923 : i32
      %sign3A_925 = arith.extui %sign3A_924 : i1 to i32
      %sign3A_926 = arith.constant 0 : i32
      %sign3A_927 = arith.cmpi slt, %jit3A_911, %sign3A_926 : i32
      %sign3A_928 = arith.extui %sign3A_927 : i1 to i32
      %sign3A_929 = arith.subi %sign3A_925, %sign3A_928 : i32
      %ne3A_930 = vector.broadcast %sign3A_929 : i32 to vector<16xi32>
      %ne3A_931 = arith.cmpi ne, %sign3A_922, %ne3A_930 : vector<16xi32>
      %rem3A_932 = vector.broadcast %jit3A_911 : i32 to vector<16xi32>
      %rem3A_933 = arith.remsi %add3A_910, %rem3A_932 : vector<16xi32>
      %ne3A_934 = arith.constant 0 : i32
      %ne3A_935 = vector.broadcast %ne3A_934 : i32 to vector<16xi32>
      %ne3A_936 = arith.cmpi ne, %rem3A_933, %ne3A_935 : vector<16xi32>
      %and3A_937 = arith.andi %ne3A_931, %ne3A_936 : vector<16xi1>
      %sub3A_938 = arith.constant 1 : i32
      %sub3A_939 = vector.broadcast %sub3A_938 : i32 to vector<16xi32>
      %sub3A_940 = arith.subi %div3A_913, %sub3A_939 : vector<16xi32>
      %select_n3A_941 = arith.select %and3A_937, %sub3A_940, %div3A_913 : vector<16xi1>, vector<16xi32>
      %jit3A_942 = arith.constant 128 : i32
      %eq3A_943 = arith.constant 0 : i32
      %eq3A_944 = arith.cmpi eq, %jit3A_942, %eq3A_943 : i32
      %jit3A_945 = arith.constant 1 : i32
      %select_n3A_946 = arith.select %eq3A_944, %jit3A_945, %jit3A_942 : i32
      %rem3A_947 = vector.broadcast %select_n3A_946 : i32 to vector<16xi32>
      %rem3A_948 = arith.remsi %add3A_910, %rem3A_947 : vector<16xi32>
      %ne3A_949 = arith.constant 0 : i32
      %ne3A_950 = vector.broadcast %ne3A_949 : i32 to vector<16xi32>
      %ne3A_951 = arith.cmpi ne, %rem3A_948, %ne3A_950 : vector<16xi32>
      %lt3A_952 = arith.constant 0 : i32
      %lt3A_953 = vector.broadcast %lt3A_952 : i32 to vector<16xi32>
      %lt3A_954 = arith.cmpi slt, %rem3A_948, %lt3A_953 : vector<16xi32>
      %lt3A_955 = arith.constant 0 : i32
      %lt3A_956 = arith.cmpi slt, %select_n3A_946, %lt3A_955 : i32
      %ne3A_957 = vector.broadcast %lt3A_956 : i1 to vector<16xi1>
      %ne3A_958 = vector.broadcast %ne3A_957 : vector<16xi1> to vector<16xi1>
      %ne3A_959 = arith.xori %lt3A_954, %ne3A_958 : vector<16xi1>
      %and3A_960 = arith.andi %ne3A_959, %ne3A_951 : vector<16xi1>
      %add3A_961 = vector.broadcast %select_n3A_946 : i32 to vector<16xi32>
      %add3A_962 = arith.addi %rem3A_948, %add3A_961 : vector<16xi32>
      %select_n3A_963 = arith.select %and3A_960, %add3A_962, %rem3A_948 : vector<16xi1>, vector<16xi32>
      tpu.vector_store_idx %arg5[%select_n3A_941, %select_n3A_963], %add3A_905 masked %lt3A_908 : memref<224x128xi32, #tpu.memory_space<vmem>>[vector<16xi32>, vector<16xi32>], vector<16xi32>, vector<16xi1>
      %mul3A_964 = arith.constant 8 : i32
      %mul3A_965 = arith.muli %scan3A_11, %mul3A_964 : i32
      %add3A_966 = arith.constant 3 : i32
      %add3A_967 = arith.addi %mul3A_965, %add3A_966 : i32
      %mul3A_968 = arith.constant 56 : i32
      %mul3A_969 = arith.muli %add3A_967, %mul3A_968 : i32
      %add3A_970 = arith.constant 0 : i32
      %add3A_971 = arith.addi %mul3A_969, %add3A_970 : i32
      %get3A_972 = arith.constant 3 : i32
      %get3A_973 = arith.index_cast %scan3A_11 : i32 to index
      %get3A_974 = arith.index_cast %get3A_972 : i32 to index
      %get3A_975 = arith.constant 0 : index
      %get3A_976 = tpu.vector_load %arg4[%get3A_973, %get3A_974, %get3A_975] {strides = array<i32>} : memref<64x8x50xi32, #tpu.memory_space<vmem>>, vector<16xi32>,
      %add3A_977 = vector.broadcast %add3A_971 : i32 to vector<16xi32>
      %add3A_978 = arith.addi %iota3A, %add3A_977 : vector<16xi32>
      %jit3A_979 = arith.constant 128 : i32
      %div3A_980 = vector.broadcast %jit3A_979 : i32 to vector<16xi32>
      %div3A_981 = arith.divsi %add3A_978, %div3A_980 : vector<16xi32>
      %sign3A_982 = arith.constant 0 : i32
      %sign3A_983 = vector.broadcast %sign3A_982 : i32 to vector<16xi32>
      %sign3A_984 = arith.cmpi sgt, %add3A_978, %sign3A_983 : vector<16xi32>
      %sign3A_985 = arith.extui %sign3A_984 : vector<16xi1> to vector<16xi32>
      %sign3A_986 = arith.constant 0 : i32
      %sign3A_987 = vector.broadcast %sign3A_986 : i32 to vector<16xi32>
      %sign3A_988 = arith.cmpi slt, %add3A_978, %sign3A_987 : vector<16xi32>
      %sign3A_989 = arith.extui %sign3A_988 : vector<16xi1> to vector<16xi32>
      %sign3A_990 = arith.subi %sign3A_985, %sign3A_989 : vector<16xi32>
      %sign3A_991 = arith.constant 0 : i32
      %sign3A_992 = arith.cmpi sgt, %jit3A_979, %sign3A_991 : i32
      %sign3A_993 = arith.extui %sign3A_992 : i1 to i32
      %sign3A_994 = arith.constant 0 : i32
      %sign3A_995 = arith.cmpi slt, %jit3A_979, %sign3A_994 : i32
      %sign3A_996 = arith.extui %sign3A_995 : i1 to i32
      %sign3A_997 = arith.subi %sign3A_993, %sign3A_996 : i32
      %ne3A_998 = vector.broadcast %sign3A_997 : i32 to vector<16xi32>
      %ne3A_999 = arith.cmpi ne, %sign3A_990, %ne3A_998 : vector<16xi32>
      %rem3A_1000 = vector.broadcast %jit3A_979 : i32 to vector<16xi32>
      %rem3A_1001 = arith.remsi %add3A_978, %rem3A_1000 : vector<16xi32>
      %ne3A_1002 = arith.constant 0 : i32
      %ne3A_1003 = vector.broadcast %ne3A_1002 : i32 to vector<16xi32>
      %ne3A_1004 = arith.cmpi ne, %rem3A_1001, %ne3A_1003 : vector<16xi32>
      %and3A_1005 = arith.andi %ne3A_999, %ne3A_1004 : vector<16xi1>
      %sub3A_1006 = arith.constant 1 : i32
      %sub3A_1007 = vector.broadcast %sub3A_1006 : i32 to vector<16xi32>
      %sub3A_1008 = arith.subi %div3A_981, %sub3A_1007 : vector<16xi32>
      %select_n3A_1009 = arith.select %and3A_1005, %sub3A_1008, %div3A_981 : vector<16xi1>, vector<16xi32>
      %jit3A_1010 = arith.constant 128 : i32
      %eq3A_1011 = arith.constant 0 : i32
      %eq3A_1012 = arith.cmpi eq, %jit3A_1010, %eq3A_1011 : i32
      %jit3A_1013 = arith.constant 1 : i32
      %select_n3A_1014 = arith.select %eq3A_1012, %jit3A_1013, %jit3A_1010 : i32
      %rem3A_1015 = vector.broadcast %select_n3A_1014 : i32 to vector<16xi32>
      %rem3A_1016 = arith.remsi %add3A_978, %rem3A_1015 : vector<16xi32>
      %ne3A_1017 = arith.constant 0 : i32
      %ne3A_1018 = vector.broadcast %ne3A_1017 : i32 to vector<16xi32>
      %ne3A_1019 = arith.cmpi ne, %rem3A_1016, %ne3A_1018 : vector<16xi32>
      %lt3A_1020 = arith.constant 0 : i32
      %lt3A_1021 = vector.broadcast %lt3A_1020 : i32 to vector<16xi32>
      %lt3A_1022 = arith.cmpi slt, %rem3A_1016, %lt3A_1021 : vector<16xi32>
      %lt3A_1023 = arith.constant 0 : i32
      %lt3A_1024 = arith.cmpi slt, %select_n3A_1014, %lt3A_1023 : i32
      %ne3A_1025 = vector.broadcast %lt3A_1024 : i1 to vector<16xi1>
      %ne3A_1026 = vector.broadcast %ne3A_1025 : vector<16xi1> to vector<16xi1>
      %ne3A_1027 = arith.xori %lt3A_1022, %ne3A_1026 : vector<16xi1>
      %and3A_1028 = arith.andi %ne3A_1027, %ne3A_1019 : vector<16xi1>
      %add3A_1029 = vector.broadcast %select_n3A_1014 : i32 to vector<16xi32>
      %add3A_1030 = arith.addi %rem3A_1016, %add3A_1029 : vector<16xi32>
      %select_n3A_1031 = arith.select %and3A_1028, %add3A_1030, %rem3A_1016 : vector<16xi1>, vector<16xi32>
      tpu.vector_store_idx %arg5[%select_n3A_1009, %select_n3A_1031], %get3A_976 : memref<224x128xi32, #tpu.memory_space<vmem>>[vector<16xi32>, vector<16xi32>], vector<16xi32>,
      %add3A_1032 = arith.constant 16 : i32
      %add3A_1033 = arith.addi %mul3A_969, %add3A_1032 : i32
      %get3A_1034 = arith.constant 3 : i32
      %get3A_1035 = arith.index_cast %scan3A_11 : i32 to index
      %get3A_1036 = arith.index_cast %get3A_1034 : i32 to index
      %get3A_1037 = arith.constant 16 : index
      %get3A_1038 = tpu.vector_load %arg4[%get3A_1035, %get3A_1036, %get3A_1037] {strides = array<i32>} : memref<64x8x50xi32, #tpu.memory_space<vmem>>, vector<16xi32>,
      %add3A_1039 = vector.broadcast %add3A_1033 : i32 to vector<16xi32>
      %add3A_1040 = arith.addi %iota3A, %add3A_1039 : vector<16xi32>
      %jit3A_1041 = arith.constant 128 : i32
      %div3A_1042 = vector.broadcast %jit3A_1041 : i32 to vector<16xi32>
      %div3A_1043 = arith.divsi %add3A_1040, %div3A_1042 : vector<16xi32>
      %sign3A_1044 = arith.constant 0 : i32
      %sign3A_1045 = vector.broadcast %sign3A_1044 : i32 to vector<16xi32>
      %sign3A_1046 = arith.cmpi sgt, %add3A_1040, %sign3A_1045 : vector<16xi32>
      %sign3A_1047 = arith.extui %sign3A_1046 : vector<16xi1> to vector<16xi32>
      %sign3A_1048 = arith.constant 0 : i32
      %sign3A_1049 = vector.broadcast %sign3A_1048 : i32 to vector<16xi32>
      %sign3A_1050 = arith.cmpi slt, %add3A_1040, %sign3A_1049 : vector<16xi32>
      %sign3A_1051 = arith.extui %sign3A_1050 : vector<16xi1> to vector<16xi32>
      %sign3A_1052 = arith.subi %sign3A_1047, %sign3A_1051 : vector<16xi32>
      %sign3A_1053 = arith.constant 0 : i32
      %sign3A_1054 = arith.cmpi sgt, %jit3A_1041, %sign3A_1053 : i32
      %sign3A_1055 = arith.extui %sign3A_1054 : i1 to i32
      %sign3A_1056 = arith.constant 0 : i32
      %sign3A_1057 = arith.cmpi slt, %jit3A_1041, %sign3A_1056 : i32
      %sign3A_1058 = arith.extui %sign3A_1057 : i1 to i32
      %sign3A_1059 = arith.subi %sign3A_1055, %sign3A_1058 : i32
      %ne3A_1060 = vector.broadcast %sign3A_1059 : i32 to vector<16xi32>
      %ne3A_1061 = arith.cmpi ne, %sign3A_1052, %ne3A_1060 : vector<16xi32>
      %rem3A_1062 = vector.broadcast %jit3A_1041 : i32 to vector<16xi32>
      %rem3A_1063 = arith.remsi %add3A_1040, %rem3A_1062 : vector<16xi32>
      %ne3A_1064 = arith.constant 0 : i32
      %ne3A_1065 = vector.broadcast %ne3A_1064 : i32 to vector<16xi32>
      %ne3A_1066 = arith.cmpi ne, %rem3A_1063, %ne3A_1065 : vector<16xi32>
      %and3A_1067 = arith.andi %ne3A_1061, %ne3A_1066 : vector<16xi1>
      %sub3A_1068 = arith.constant 1 : i32
      %sub3A_1069 = vector.broadcast %sub3A_1068 : i32 to vector<16xi32>
      %sub3A_1070 = arith.subi %div3A_1043, %sub3A_1069 : vector<16xi32>
      %select_n3A_1071 = arith.select %and3A_1067, %sub3A_1070, %div3A_1043 : vector<16xi1>, vector<16xi32>
      %jit3A_1072 = arith.constant 128 : i32
      %eq3A_1073 = arith.constant 0 : i32
      %eq3A_1074 = arith.cmpi eq, %jit3A_1072, %eq3A_1073 : i32
      %jit3A_1075 = arith.constant 1 : i32
      %select_n3A_1076 = arith.select %eq3A_1074, %jit3A_1075, %jit3A_1072 : i32
      %rem3A_1077 = vector.broadcast %select_n3A_1076 : i32 to vector<16xi32>
      %rem3A_1078 = arith.remsi %add3A_1040, %rem3A_1077 : vector<16xi32>
      %ne3A_1079 = arith.constant 0 : i32
      %ne3A_1080 = vector.broadcast %ne3A_1079 : i32 to vector<16xi32>
      %ne3A_1081 = arith.cmpi ne, %rem3A_1078, %ne3A_1080 : vector<16xi32>
      %lt3A_1082 = arith.constant 0 : i32
      %lt3A_1083 = vector.broadcast %lt3A_1082 : i32 to vector<16xi32>
      %lt3A_1084 = arith.cmpi slt, %rem3A_1078, %lt3A_1083 : vector<16xi32>
      %lt3A_1085 = arith.constant 0 : i32
      %lt3A_1086 = arith.cmpi slt, %select_n3A_1076, %lt3A_1085 : i32
      %ne3A_1087 = vector.broadcast %lt3A_1086 : i1 to vector<16xi1>
      %ne3A_1088 = vector.broadcast %ne3A_1087 : vector<16xi1> to vector<16xi1>
      %ne3A_1089 = arith.xori %lt3A_1084, %ne3A_1088 : vector<16xi1>
      %and3A_1090 = arith.andi %ne3A_1089, %ne3A_1081 : vector<16xi1>
      %add3A_1091 = vector.broadcast %select_n3A_1076 : i32 to vector<16xi32>
      %add3A_1092 = arith.addi %rem3A_1078, %add3A_1091 : vector<16xi32>
      %select_n3A_1093 = arith.select %and3A_1090, %add3A_1092, %rem3A_1078 : vector<16xi1>, vector<16xi32>
      tpu.vector_store_idx %arg5[%select_n3A_1071, %select_n3A_1093], %get3A_1038 : memref<224x128xi32, #tpu.memory_space<vmem>>[vector<16xi32>, vector<16xi32>], vector<16xi32>,
      %add3A_1094 = arith.constant 32 : i32
      %add3A_1095 = arith.addi %mul3A_969, %add3A_1094 : i32
      %get3A_1096 = arith.constant 3 : i32
      %get3A_1097 = arith.index_cast %scan3A_11 : i32 to index
      %get3A_1098 = arith.index_cast %get3A_1096 : i32 to index
      %get3A_1099 = arith.constant 32 : index
      %get3A_1100 = tpu.vector_load %arg4[%get3A_1097, %get3A_1098, %get3A_1099] {strides = array<i32>} : memref<64x8x50xi32, #tpu.memory_space<vmem>>, vector<16xi32>,
      %add3A_1101 = vector.broadcast %add3A_1095 : i32 to vector<16xi32>
      %add3A_1102 = arith.addi %iota3A, %add3A_1101 : vector<16xi32>
      %jit3A_1103 = arith.constant 128 : i32
      %div3A_1104 = vector.broadcast %jit3A_1103 : i32 to vector<16xi32>
      %div3A_1105 = arith.divsi %add3A_1102, %div3A_1104 : vector<16xi32>
      %sign3A_1106 = arith.constant 0 : i32
      %sign3A_1107 = vector.broadcast %sign3A_1106 : i32 to vector<16xi32>
      %sign3A_1108 = arith.cmpi sgt, %add3A_1102, %sign3A_1107 : vector<16xi32>
      %sign3A_1109 = arith.extui %sign3A_1108 : vector<16xi1> to vector<16xi32>
      %sign3A_1110 = arith.constant 0 : i32
      %sign3A_1111 = vector.broadcast %sign3A_1110 : i32 to vector<16xi32>
      %sign3A_1112 = arith.cmpi slt, %add3A_1102, %sign3A_1111 : vector<16xi32>
      %sign3A_1113 = arith.extui %sign3A_1112 : vector<16xi1> to vector<16xi32>
      %sign3A_1114 = arith.subi %sign3A_1109, %sign3A_1113 : vector<16xi32>
      %sign3A_1115 = arith.constant 0 : i32
      %sign3A_1116 = arith.cmpi sgt, %jit3A_1103, %sign3A_1115 : i32
      %sign3A_1117 = arith.extui %sign3A_1116 : i1 to i32
      %sign3A_1118 = arith.constant 0 : i32
      %sign3A_1119 = arith.cmpi slt, %jit3A_1103, %sign3A_1118 : i32
      %sign3A_1120 = arith.extui %sign3A_1119 : i1 to i32
      %sign3A_1121 = arith.subi %sign3A_1117, %sign3A_1120 : i32
      %ne3A_1122 = vector.broadcast %sign3A_1121 : i32 to vector<16xi32>
      %ne3A_1123 = arith.cmpi ne, %sign3A_1114, %ne3A_1122 : vector<16xi32>
      %rem3A_1124 = vector.broadcast %jit3A_1103 : i32 to vector<16xi32>
      %rem3A_1125 = arith.remsi %add3A_1102, %rem3A_1124 : vector<16xi32>
      %ne3A_1126 = arith.constant 0 : i32
      %ne3A_1127 = vector.broadcast %ne3A_1126 : i32 to vector<16xi32>
      %ne3A_1128 = arith.cmpi ne, %rem3A_1125, %ne3A_1127 : vector<16xi32>
      %and3A_1129 = arith.andi %ne3A_1123, %ne3A_1128 : vector<16xi1>
      %sub3A_1130 = arith.constant 1 : i32
      %sub3A_1131 = vector.broadcast %sub3A_1130 : i32 to vector<16xi32>
      %sub3A_1132 = arith.subi %div3A_1105, %sub3A_1131 : vector<16xi32>
      %select_n3A_1133 = arith.select %and3A_1129, %sub3A_1132, %div3A_1105 : vector<16xi1>, vector<16xi32>
      %jit3A_1134 = arith.constant 128 : i32
      %eq3A_1135 = arith.constant 0 : i32
      %eq3A_1136 = arith.cmpi eq, %jit3A_1134, %eq3A_1135 : i32
      %jit3A_1137 = arith.constant 1 : i32
      %select_n3A_1138 = arith.select %eq3A_1136, %jit3A_1137, %jit3A_1134 : i32
      %rem3A_1139 = vector.broadcast %select_n3A_1138 : i32 to vector<16xi32>
      %rem3A_1140 = arith.remsi %add3A_1102, %rem3A_1139 : vector<16xi32>
      %ne3A_1141 = arith.constant 0 : i32
      %ne3A_1142 = vector.broadcast %ne3A_1141 : i32 to vector<16xi32>
      %ne3A_1143 = arith.cmpi ne, %rem3A_1140, %ne3A_1142 : vector<16xi32>
      %lt3A_1144 = arith.constant 0 : i32
      %lt3A_1145 = vector.broadcast %lt3A_1144 : i32 to vector<16xi32>
      %lt3A_1146 = arith.cmpi slt, %rem3A_1140, %lt3A_1145 : vector<16xi32>
      %lt3A_1147 = arith.constant 0 : i32
      %lt3A_1148 = arith.cmpi slt, %select_n3A_1138, %lt3A_1147 : i32
      %ne3A_1149 = vector.broadcast %lt3A_1148 : i1 to vector<16xi1>
      %ne3A_1150 = vector.broadcast %ne3A_1149 : vector<16xi1> to vector<16xi1>
      %ne3A_1151 = arith.xori %lt3A_1146, %ne3A_1150 : vector<16xi1>
      %and3A_1152 = arith.andi %ne3A_1151, %ne3A_1143 : vector<16xi1>
      %add3A_1153 = vector.broadcast %select_n3A_1138 : i32 to vector<16xi32>
      %add3A_1154 = arith.addi %rem3A_1140, %add3A_1153 : vector<16xi32>
      %select_n3A_1155 = arith.select %and3A_1152, %add3A_1154, %rem3A_1140 : vector<16xi1>, vector<16xi32>
      tpu.vector_store_idx %arg5[%select_n3A_1133, %select_n3A_1155], %get3A_1100 : memref<224x128xi32, #tpu.memory_space<vmem>>[vector<16xi32>, vector<16xi32>], vector<16xi32>,
      %add3A_1156 = arith.constant 34 : i32
      %add3A_1157 = arith.addi %mul3A_969, %add3A_1156 : i32
      %get3A_1158 = arith.constant 3 : i32
      %get3A_1159 = arith.index_cast %scan3A_11 : i32 to index
      %get3A_1160 = arith.index_cast %get3A_1158 : i32 to index
      %get3A_1161 = arith.constant 34 : index
      %get3A_1162 = tpu.vector_load %arg4[%get3A_1159, %get3A_1160, %get3A_1161] {strides = array<i32>} : memref<64x8x50xi32, #tpu.memory_space<vmem>>, vector<16xi32>,
      %ge3A_1163 = arith.constant 14 : i32
      %ge3A_1164 = vector.broadcast %ge3A_1163 : i32 to vector<16xi32>
      %ge3A_1165 = arith.cmpi sge, %iota3A, %ge3A_1164 : vector<16xi32>
      %add3A_1166 = vector.broadcast %add3A_1157 : i32 to vector<16xi32>
      %add3A_1167 = arith.addi %iota3A, %add3A_1166 : vector<16xi32>
      %jit3A_1168 = arith.constant 128 : i32
      %div3A_1169 = vector.broadcast %jit3A_1168 : i32 to vector<16xi32>
      %div3A_1170 = arith.divsi %add3A_1167, %div3A_1169 : vector<16xi32>
      %sign3A_1171 = arith.constant 0 : i32
      %sign3A_1172 = vector.broadcast %sign3A_1171 : i32 to vector<16xi32>
      %sign3A_1173 = arith.cmpi sgt, %add3A_1167, %sign3A_1172 : vector<16xi32>
      %sign3A_1174 = arith.extui %sign3A_1173 : vector<16xi1> to vector<16xi32>
      %sign3A_1175 = arith.constant 0 : i32
      %sign3A_1176 = vector.broadcast %sign3A_1175 : i32 to vector<16xi32>
      %sign3A_1177 = arith.cmpi slt, %add3A_1167, %sign3A_1176 : vector<16xi32>
      %sign3A_1178 = arith.extui %sign3A_1177 : vector<16xi1> to vector<16xi32>
      %sign3A_1179 = arith.subi %sign3A_1174, %sign3A_1178 : vector<16xi32>
      %sign3A_1180 = arith.constant 0 : i32
      %sign3A_1181 = arith.cmpi sgt, %jit3A_1168, %sign3A_1180 : i32
      %sign3A_1182 = arith.extui %sign3A_1181 : i1 to i32
      %sign3A_1183 = arith.constant 0 : i32
      %sign3A_1184 = arith.cmpi slt, %jit3A_1168, %sign3A_1183 : i32
      %sign3A_1185 = arith.extui %sign3A_1184 : i1 to i32
      %sign3A_1186 = arith.subi %sign3A_1182, %sign3A_1185 : i32
      %ne3A_1187 = vector.broadcast %sign3A_1186 : i32 to vector<16xi32>
      %ne3A_1188 = arith.cmpi ne, %sign3A_1179, %ne3A_1187 : vector<16xi32>
      %rem3A_1189 = vector.broadcast %jit3A_1168 : i32 to vector<16xi32>
      %rem3A_1190 = arith.remsi %add3A_1167, %rem3A_1189 : vector<16xi32>
      %ne3A_1191 = arith.constant 0 : i32
      %ne3A_1192 = vector.broadcast %ne3A_1191 : i32 to vector<16xi32>
      %ne3A_1193 = arith.cmpi ne, %rem3A_1190, %ne3A_1192 : vector<16xi32>
      %and3A_1194 = arith.andi %ne3A_1188, %ne3A_1193 : vector<16xi1>
      %sub3A_1195 = arith.constant 1 : i32
      %sub3A_1196 = vector.broadcast %sub3A_1195 : i32 to vector<16xi32>
      %sub3A_1197 = arith.subi %div3A_1170, %sub3A_1196 : vector<16xi32>
      %select_n3A_1198 = arith.select %and3A_1194, %sub3A_1197, %div3A_1170 : vector<16xi1>, vector<16xi32>
      %jit3A_1199 = arith.constant 128 : i32
      %eq3A_1200 = arith.constant 0 : i32
      %eq3A_1201 = arith.cmpi eq, %jit3A_1199, %eq3A_1200 : i32
      %jit3A_1202 = arith.constant 1 : i32
      %select_n3A_1203 = arith.select %eq3A_1201, %jit3A_1202, %jit3A_1199 : i32
      %rem3A_1204 = vector.broadcast %select_n3A_1203 : i32 to vector<16xi32>
      %rem3A_1205 = arith.remsi %add3A_1167, %rem3A_1204 : vector<16xi32>
      %ne3A_1206 = arith.constant 0 : i32
      %ne3A_1207 = vector.broadcast %ne3A_1206 : i32 to vector<16xi32>
      %ne3A_1208 = arith.cmpi ne, %rem3A_1205, %ne3A_1207 : vector<16xi32>
      %lt3A_1209 = arith.constant 0 : i32
      %lt3A_1210 = vector.broadcast %lt3A_1209 : i32 to vector<16xi32>
      %lt3A_1211 = arith.cmpi slt, %rem3A_1205, %lt3A_1210 : vector<16xi32>
      %lt3A_1212 = arith.constant 0 : i32
      %lt3A_1213 = arith.cmpi slt, %select_n3A_1203, %lt3A_1212 : i32
      %ne3A_1214 = vector.broadcast %lt3A_1213 : i1 to vector<16xi1>
      %ne3A_1215 = vector.broadcast %ne3A_1214 : vector<16xi1> to vector<16xi1>
      %ne3A_1216 = arith.xori %lt3A_1211, %ne3A_1215 : vector<16xi1>
      %and3A_1217 = arith.andi %ne3A_1216, %ne3A_1208 : vector<16xi1>
      %add3A_1218 = vector.broadcast %select_n3A_1203 : i32 to vector<16xi32>
      %add3A_1219 = arith.addi %rem3A_1205, %add3A_1218 : vector<16xi32>
      %select_n3A_1220 = arith.select %and3A_1217, %add3A_1219, %rem3A_1205 : vector<16xi1>, vector<16xi32>
      tpu.vector_store_idx %arg5[%select_n3A_1198, %select_n3A_1220], %get3A_1162 masked %ge3A_1165 : memref<224x128xi32, #tpu.memory_space<vmem>>[vector<16xi32>, vector<16xi32>], vector<16xi32>, vector<16xi1>
      %add3A_1221 = arith.constant 50 : i32
      %add3A_1222 = arith.addi %mul3A_969, %add3A_1221 : i32
      %add3A_1223 = arith.constant 50 : i32
      %add3A_1224 = arith.addi %mul3A_969, %add3A_1223 : i32
      %add3A_1225 = vector.broadcast %add3A_1224 : i32 to vector<16xi32>
      %add3A_1226 = arith.addi %iota3A, %add3A_1225 : vector<16xi32>
      %lt3A_1227 = arith.constant 6 : i32
      %lt3A_1228 = vector.broadcast %lt3A_1227 : i32 to vector<16xi32>
      %lt3A_1229 = arith.cmpi slt, %iota3A, %lt3A_1228 : vector<16xi32>
      %add3A_1230 = vector.broadcast %add3A_1222 : i32 to vector<16xi32>
      %add3A_1231 = arith.addi %iota3A, %add3A_1230 : vector<16xi32>
      %jit3A_1232 = arith.constant 128 : i32
      %div3A_1233 = vector.broadcast %jit3A_1232 : i32 to vector<16xi32>
      %div3A_1234 = arith.divsi %add3A_1231, %div3A_1233 : vector<16xi32>
      %sign3A_1235 = arith.constant 0 : i32
      %sign3A_1236 = vector.broadcast %sign3A_1235 : i32 to vector<16xi32>
      %sign3A_1237 = arith.cmpi sgt, %add3A_1231, %sign3A_1236 : vector<16xi32>
      %sign3A_1238 = arith.extui %sign3A_1237 : vector<16xi1> to vector<16xi32>
      %sign3A_1239 = arith.constant 0 : i32
      %sign3A_1240 = vector.broadcast %sign3A_1239 : i32 to vector<16xi32>
      %sign3A_1241 = arith.cmpi slt, %add3A_1231, %sign3A_1240 : vector<16xi32>
      %sign3A_1242 = arith.extui %sign3A_1241 : vector<16xi1> to vector<16xi32>
      %sign3A_1243 = arith.subi %sign3A_1238, %sign3A_1242 : vector<16xi32>
      %sign3A_1244 = arith.constant 0 : i32
      %sign3A_1245 = arith.cmpi sgt, %jit3A_1232, %sign3A_1244 : i32
      %sign3A_1246 = arith.extui %sign3A_1245 : i1 to i32
      %sign3A_1247 = arith.constant 0 : i32
      %sign3A_1248 = arith.cmpi slt, %jit3A_1232, %sign3A_1247 : i32
      %sign3A_1249 = arith.extui %sign3A_1248 : i1 to i32
      %sign3A_1250 = arith.subi %sign3A_1246, %sign3A_1249 : i32
      %ne3A_1251 = vector.broadcast %sign3A_1250 : i32 to vector<16xi32>
      %ne3A_1252 = arith.cmpi ne, %sign3A_1243, %ne3A_1251 : vector<16xi32>
      %rem3A_1253 = vector.broadcast %jit3A_1232 : i32 to vector<16xi32>
      %rem3A_1254 = arith.remsi %add3A_1231, %rem3A_1253 : vector<16xi32>
      %ne3A_1255 = arith.constant 0 : i32
      %ne3A_1256 = vector.broadcast %ne3A_1255 : i32 to vector<16xi32>
      %ne3A_1257 = arith.cmpi ne, %rem3A_1254, %ne3A_1256 : vector<16xi32>
      %and3A_1258 = arith.andi %ne3A_1252, %ne3A_1257 : vector<16xi1>
      %sub3A_1259 = arith.constant 1 : i32
      %sub3A_1260 = vector.broadcast %sub3A_1259 : i32 to vector<16xi32>
      %sub3A_1261 = arith.subi %div3A_1234, %sub3A_1260 : vector<16xi32>
      %select_n3A_1262 = arith.select %and3A_1258, %sub3A_1261, %div3A_1234 : vector<16xi1>, vector<16xi32>
      %jit3A_1263 = arith.constant 128 : i32
      %eq3A_1264 = arith.constant 0 : i32
      %eq3A_1265 = arith.cmpi eq, %jit3A_1263, %eq3A_1264 : i32
      %jit3A_1266 = arith.constant 1 : i32
      %select_n3A_1267 = arith.select %eq3A_1265, %jit3A_1266, %jit3A_1263 : i32
      %rem3A_1268 = vector.broadcast %select_n3A_1267 : i32 to vector<16xi32>
      %rem3A_1269 = arith.remsi %add3A_1231, %rem3A_1268 : vector<16xi32>
      %ne3A_1270 = arith.constant 0 : i32
      %ne3A_1271 = vector.broadcast %ne3A_1270 : i32 to vector<16xi32>
      %ne3A_1272 = arith.cmpi ne, %rem3A_1269, %ne3A_1271 : vector<16xi32>
      %lt3A_1273 = arith.constant 0 : i32
      %lt3A_1274 = vector.broadcast %lt3A_1273 : i32 to vector<16xi32>
      %lt3A_1275 = arith.cmpi slt, %rem3A_1269, %lt3A_1274 : vector<16xi32>
      %lt3A_1276 = arith.constant 0 : i32
      %lt3A_1277 = arith.cmpi slt, %select_n3A_1267, %lt3A_1276 : i32
      %ne3A_1278 = vector.broadcast %lt3A_1277 : i1 to vector<16xi1>
      %ne3A_1279 = vector.broadcast %ne3A_1278 : vector<16xi1> to vector<16xi1>
      %ne3A_1280 = arith.xori %lt3A_1275, %ne3A_1279 : vector<16xi1>
      %and3A_1281 = arith.andi %ne3A_1280, %ne3A_1272 : vector<16xi1>
      %add3A_1282 = vector.broadcast %select_n3A_1267 : i32 to vector<16xi32>
      %add3A_1283 = arith.addi %rem3A_1269, %add3A_1282 : vector<16xi32>
      %select_n3A_1284 = arith.select %and3A_1281, %add3A_1283, %rem3A_1269 : vector<16xi1>, vector<16xi32>
      tpu.vector_store_idx %arg5[%select_n3A_1262, %select_n3A_1284], %add3A_1226 masked %lt3A_1229 : memref<224x128xi32, #tpu.memory_space<vmem>>[vector<16xi32>, vector<16xi32>], vector<16xi32>, vector<16xi1>
      %mul3A_1285 = arith.constant 8 : i32
      %mul3A_1286 = arith.muli %scan3A_11, %mul3A_1285 : i32
      %add3A_1287 = arith.constant 4 : i32
      %add3A_1288 = arith.addi %mul3A_1286, %add3A_1287 : i32
      %mul3A_1289 = arith.constant 56 : i32
      %mul3A_1290 = arith.muli %add3A_1288, %mul3A_1289 : i32
      %add3A_1291 = arith.constant 0 : i32
      %add3A_1292 = arith.addi %mul3A_1290, %add3A_1291 : i32
      %get3A_1293 = arith.constant 4 : i32
      %get3A_1294 = arith.index_cast %scan3A_11 : i32 to index
      %get3A_1295 = arith.index_cast %get3A_1293 : i32 to index
      %get3A_1296 = arith.constant 0 : index
      %get3A_1297 = tpu.vector_load %arg4[%get3A_1294, %get3A_1295, %get3A_1296] {strides = array<i32>} : memref<64x8x50xi32, #tpu.memory_space<vmem>>, vector<16xi32>,
      %add3A_1298 = vector.broadcast %add3A_1292 : i32 to vector<16xi32>
      %add3A_1299 = arith.addi %iota3A, %add3A_1298 : vector<16xi32>
      %jit3A_1300 = arith.constant 128 : i32
      %div3A_1301 = vector.broadcast %jit3A_1300 : i32 to vector<16xi32>
      %div3A_1302 = arith.divsi %add3A_1299, %div3A_1301 : vector<16xi32>
      %sign3A_1303 = arith.constant 0 : i32
      %sign3A_1304 = vector.broadcast %sign3A_1303 : i32 to vector<16xi32>
      %sign3A_1305 = arith.cmpi sgt, %add3A_1299, %sign3A_1304 : vector<16xi32>
      %sign3A_1306 = arith.extui %sign3A_1305 : vector<16xi1> to vector<16xi32>
      %sign3A_1307 = arith.constant 0 : i32
      %sign3A_1308 = vector.broadcast %sign3A_1307 : i32 to vector<16xi32>
      %sign3A_1309 = arith.cmpi slt, %add3A_1299, %sign3A_1308 : vector<16xi32>
      %sign3A_1310 = arith.extui %sign3A_1309 : vector<16xi1> to vector<16xi32>
      %sign3A_1311 = arith.subi %sign3A_1306, %sign3A_1310 : vector<16xi32>
      %sign3A_1312 = arith.constant 0 : i32
      %sign3A_1313 = arith.cmpi sgt, %jit3A_1300, %sign3A_1312 : i32
      %sign3A_1314 = arith.extui %sign3A_1313 : i1 to i32
      %sign3A_1315 = arith.constant 0 : i32
      %sign3A_1316 = arith.cmpi slt, %jit3A_1300, %sign3A_1315 : i32
      %sign3A_1317 = arith.extui %sign3A_1316 : i1 to i32
      %sign3A_1318 = arith.subi %sign3A_1314, %sign3A_1317 : i32
      %ne3A_1319 = vector.broadcast %sign3A_1318 : i32 to vector<16xi32>
      %ne3A_1320 = arith.cmpi ne, %sign3A_1311, %ne3A_1319 : vector<16xi32>
      %rem3A_1321 = vector.broadcast %jit3A_1300 : i32 to vector<16xi32>
      %rem3A_1322 = arith.remsi %add3A_1299, %rem3A_1321 : vector<16xi32>
      %ne3A_1323 = arith.constant 0 : i32
      %ne3A_1324 = vector.broadcast %ne3A_1323 : i32 to vector<16xi32>
      %ne3A_1325 = arith.cmpi ne, %rem3A_1322, %ne3A_1324 : vector<16xi32>
      %and3A_1326 = arith.andi %ne3A_1320, %ne3A_1325 : vector<16xi1>
      %sub3A_1327 = arith.constant 1 : i32
      %sub3A_1328 = vector.broadcast %sub3A_1327 : i32 to vector<16xi32>
      %sub3A_1329 = arith.subi %div3A_1302, %sub3A_1328 : vector<16xi32>
      %select_n3A_1330 = arith.select %and3A_1326, %sub3A_1329, %div3A_1302 : vector<16xi1>, vector<16xi32>
      %jit3A_1331 = arith.constant 128 : i32
      %eq3A_1332 = arith.constant 0 : i32
      %eq3A_1333 = arith.cmpi eq, %jit3A_1331, %eq3A_1332 : i32
      %jit3A_1334 = arith.constant 1 : i32
      %select_n3A_1335 = arith.select %eq3A_1333, %jit3A_1334, %jit3A_1331 : i32
      %rem3A_1336 = vector.broadcast %select_n3A_1335 : i32 to vector<16xi32>
      %rem3A_1337 = arith.remsi %add3A_1299, %rem3A_1336 : vector<16xi32>
      %ne3A_1338 = arith.constant 0 : i32
      %ne3A_1339 = vector.broadcast %ne3A_1338 : i32 to vector<16xi32>
      %ne3A_1340 = arith.cmpi ne, %rem3A_1337, %ne3A_1339 : vector<16xi32>
      %lt3A_1341 = arith.constant 0 : i32
      %lt3A_1342 = vector.broadcast %lt3A_1341 : i32 to vector<16xi32>
      %lt3A_1343 = arith.cmpi slt, %rem3A_1337, %lt3A_1342 : vector<16xi32>
      %lt3A_1344 = arith.constant 0 : i32
      %lt3A_1345 = arith.cmpi slt, %select_n3A_1335, %lt3A_1344 : i32
      %ne3A_1346 = vector.broadcast %lt3A_1345 : i1 to vector<16xi1>
      %ne3A_1347 = vector.broadcast %ne3A_1346 : vector<16xi1> to vector<16xi1>
      %ne3A_1348 = arith.xori %lt3A_1343, %ne3A_1347 : vector<16xi1>
      %and3A_1349 = arith.andi %ne3A_1348, %ne3A_1340 : vector<16xi1>
      %add3A_1350 = vector.broadcast %select_n3A_1335 : i32 to vector<16xi32>
      %add3A_1351 = arith.addi %rem3A_1337, %add3A_1350 : vector<16xi32>
      %select_n3A_1352 = arith.select %and3A_1349, %add3A_1351, %rem3A_1337 : vector<16xi1>, vector<16xi32>
      tpu.vector_store_idx %arg5[%select_n3A_1330, %select_n3A_1352], %get3A_1297 : memref<224x128xi32, #tpu.memory_space<vmem>>[vector<16xi32>, vector<16xi32>], vector<16xi32>,
      %add3A_1353 = arith.constant 16 : i32
      %add3A_1354 = arith.addi %mul3A_1290, %add3A_1353 : i32
      %get3A_1355 = arith.constant 4 : i32
      %get3A_1356 = arith.index_cast %scan3A_11 : i32 to index
      %get3A_1357 = arith.index_cast %get3A_1355 : i32 to index
      %get3A_1358 = arith.constant 16 : index
      %get3A_1359 = tpu.vector_load %arg4[%get3A_1356, %get3A_1357, %get3A_1358] {strides = array<i32>} : memref<64x8x50xi32, #tpu.memory_space<vmem>>, vector<16xi32>,
      %add3A_1360 = vector.broadcast %add3A_1354 : i32 to vector<16xi32>
      %add3A_1361 = arith.addi %iota3A, %add3A_1360 : vector<16xi32>
      %jit3A_1362 = arith.constant 128 : i32
      %div3A_1363 = vector.broadcast %jit3A_1362 : i32 to vector<16xi32>
      %div3A_1364 = arith.divsi %add3A_1361, %div3A_1363 : vector<16xi32>
      %sign3A_1365 = arith.constant 0 : i32
      %sign3A_1366 = vector.broadcast %sign3A_1365 : i32 to vector<16xi32>
      %sign3A_1367 = arith.cmpi sgt, %add3A_1361, %sign3A_1366 : vector<16xi32>
      %sign3A_1368 = arith.extui %sign3A_1367 : vector<16xi1> to vector<16xi32>
      %sign3A_1369 = arith.constant 0 : i32
      %sign3A_1370 = vector.broadcast %sign3A_1369 : i32 to vector<16xi32>
      %sign3A_1371 = arith.cmpi slt, %add3A_1361, %sign3A_1370 : vector<16xi32>
      %sign3A_1372 = arith.extui %sign3A_1371 : vector<16xi1> to vector<16xi32>
      %sign3A_1373 = arith.subi %sign3A_1368, %sign3A_1372 : vector<16xi32>
      %sign3A_1374 = arith.constant 0 : i32
      %sign3A_1375 = arith.cmpi sgt, %jit3A_1362, %sign3A_1374 : i32
      %sign3A_1376 = arith.extui %sign3A_1375 : i1 to i32
      %sign3A_1377 = arith.constant 0 : i32
      %sign3A_1378 = arith.cmpi slt, %jit3A_1362, %sign3A_1377 : i32
      %sign3A_1379 = arith.extui %sign3A_1378 : i1 to i32
      %sign3A_1380 = arith.subi %sign3A_1376, %sign3A_1379 : i32
      %ne3A_1381 = vector.broadcast %sign3A_1380 : i32 to vector<16xi32>
      %ne3A_1382 = arith.cmpi ne, %sign3A_1373, %ne3A_1381 : vector<16xi32>
      %rem3A_1383 = vector.broadcast %jit3A_1362 : i32 to vector<16xi32>
      %rem3A_1384 = arith.remsi %add3A_1361, %rem3A_1383 : vector<16xi32>
      %ne3A_1385 = arith.constant 0 : i32
      %ne3A_1386 = vector.broadcast %ne3A_1385 : i32 to vector<16xi32>
      %ne3A_1387 = arith.cmpi ne, %rem3A_1384, %ne3A_1386 : vector<16xi32>
      %and3A_1388 = arith.andi %ne3A_1382, %ne3A_1387 : vector<16xi1>
      %sub3A_1389 = arith.constant 1 : i32
      %sub3A_1390 = vector.broadcast %sub3A_1389 : i32 to vector<16xi32>
      %sub3A_1391 = arith.subi %div3A_1364, %sub3A_1390 : vector<16xi32>
      %select_n3A_1392 = arith.select %and3A_1388, %sub3A_1391, %div3A_1364 : vector<16xi1>, vector<16xi32>
      %jit3A_1393 = arith.constant 128 : i32
      %eq3A_1394 = arith.constant 0 : i32
      %eq3A_1395 = arith.cmpi eq, %jit3A_1393, %eq3A_1394 : i32
      %jit3A_1396 = arith.constant 1 : i32
      %select_n3A_1397 = arith.select %eq3A_1395, %jit3A_1396, %jit3A_1393 : i32
      %rem3A_1398 = vector.broadcast %select_n3A_1397 : i32 to vector<16xi32>
      %rem3A_1399 = arith.remsi %add3A_1361, %rem3A_1398 : vector<16xi32>
      %ne3A_1400 = arith.constant 0 : i32
      %ne3A_1401 = vector.broadcast %ne3A_1400 : i32 to vector<16xi32>
      %ne3A_1402 = arith.cmpi ne, %rem3A_1399, %ne3A_1401 : vector<16xi32>
      %lt3A_1403 = arith.constant 0 : i32
      %lt3A_1404 = vector.broadcast %lt3A_1403 : i32 to vector<16xi32>
      %lt3A_1405 = arith.cmpi slt, %rem3A_1399, %lt3A_1404 : vector<16xi32>
      %lt3A_1406 = arith.constant 0 : i32
      %lt3A_1407 = arith.cmpi slt, %select_n3A_1397, %lt3A_1406 : i32
      %ne3A_1408 = vector.broadcast %lt3A_1407 : i1 to vector<16xi1>
      %ne3A_1409 = vector.broadcast %ne3A_1408 : vector<16xi1> to vector<16xi1>
      %ne3A_1410 = arith.xori %lt3A_1405, %ne3A_1409 : vector<16xi1>
      %and3A_1411 = arith.andi %ne3A_1410, %ne3A_1402 : vector<16xi1>
      %add3A_1412 = vector.broadcast %select_n3A_1397 : i32 to vector<16xi32>
      %add3A_1413 = arith.addi %rem3A_1399, %add3A_1412 : vector<16xi32>
      %select_n3A_1414 = arith.select %and3A_1411, %add3A_1413, %rem3A_1399 : vector<16xi1>, vector<16xi32>
      tpu.vector_store_idx %arg5[%select_n3A_1392, %select_n3A_1414], %get3A_1359 : memref<224x128xi32, #tpu.memory_space<vmem>>[vector<16xi32>, vector<16xi32>], vector<16xi32>,
      %add3A_1415 = arith.constant 32 : i32
      %add3A_1416 = arith.addi %mul3A_1290, %add3A_1415 : i32
      %get3A_1417 = arith.constant 4 : i32
      %get3A_1418 = arith.index_cast %scan3A_11 : i32 to index
      %get3A_1419 = arith.index_cast %get3A_1417 : i32 to index
      %get3A_1420 = arith.constant 32 : index
      %get3A_1421 = tpu.vector_load %arg4[%get3A_1418, %get3A_1419, %get3A_1420] {strides = array<i32>} : memref<64x8x50xi32, #tpu.memory_space<vmem>>, vector<16xi32>,
      %add3A_1422 = vector.broadcast %add3A_1416 : i32 to vector<16xi32>
      %add3A_1423 = arith.addi %iota3A, %add3A_1422 : vector<16xi32>
      %jit3A_1424 = arith.constant 128 : i32
      %div3A_1425 = vector.broadcast %jit3A_1424 : i32 to vector<16xi32>
      %div3A_1426 = arith.divsi %add3A_1423, %div3A_1425 : vector<16xi32>
      %sign3A_1427 = arith.constant 0 : i32
      %sign3A_1428 = vector.broadcast %sign3A_1427 : i32 to vector<16xi32>
      %sign3A_1429 = arith.cmpi sgt, %add3A_1423, %sign3A_1428 : vector<16xi32>
      %sign3A_1430 = arith.extui %sign3A_1429 : vector<16xi1> to vector<16xi32>
      %sign3A_1431 = arith.constant 0 : i32
      %sign3A_1432 = vector.broadcast %sign3A_1431 : i32 to vector<16xi32>
      %sign3A_1433 = arith.cmpi slt, %add3A_1423, %sign3A_1432 : vector<16xi32>
      %sign3A_1434 = arith.extui %sign3A_1433 : vector<16xi1> to vector<16xi32>
      %sign3A_1435 = arith.subi %sign3A_1430, %sign3A_1434 : vector<16xi32>
      %sign3A_1436 = arith.constant 0 : i32
      %sign3A_1437 = arith.cmpi sgt, %jit3A_1424, %sign3A_1436 : i32
      %sign3A_1438 = arith.extui %sign3A_1437 : i1 to i32
      %sign3A_1439 = arith.constant 0 : i32
      %sign3A_1440 = arith.cmpi slt, %jit3A_1424, %sign3A_1439 : i32
      %sign3A_1441 = arith.extui %sign3A_1440 : i1 to i32
      %sign3A_1442 = arith.subi %sign3A_1438, %sign3A_1441 : i32
      %ne3A_1443 = vector.broadcast %sign3A_1442 : i32 to vector<16xi32>
      %ne3A_1444 = arith.cmpi ne, %sign3A_1435, %ne3A_1443 : vector<16xi32>
      %rem3A_1445 = vector.broadcast %jit3A_1424 : i32 to vector<16xi32>
      %rem3A_1446 = arith.remsi %add3A_1423, %rem3A_1445 : vector<16xi32>
      %ne3A_1447 = arith.constant 0 : i32
      %ne3A_1448 = vector.broadcast %ne3A_1447 : i32 to vector<16xi32>
      %ne3A_1449 = arith.cmpi ne, %rem3A_1446, %ne3A_1448 : vector<16xi32>
      %and3A_1450 = arith.andi %ne3A_1444, %ne3A_1449 : vector<16xi1>
      %sub3A_1451 = arith.constant 1 : i32
      %sub3A_1452 = vector.broadcast %sub3A_1451 : i32 to vector<16xi32>
      %sub3A_1453 = arith.subi %div3A_1426, %sub3A_1452 : vector<16xi32>
      %select_n3A_1454 = arith.select %and3A_1450, %sub3A_1453, %div3A_1426 : vector<16xi1>, vector<16xi32>
      %jit3A_1455 = arith.constant 128 : i32
      %eq3A_1456 = arith.constant 0 : i32
      %eq3A_1457 = arith.cmpi eq, %jit3A_1455, %eq3A_1456 : i32
      %jit3A_1458 = arith.constant 1 : i32
      %select_n3A_1459 = arith.select %eq3A_1457, %jit3A_1458, %jit3A_1455 : i32
      %rem3A_1460 = vector.broadcast %select_n3A_1459 : i32 to vector<16xi32>
      %rem3A_1461 = arith.remsi %add3A_1423, %rem3A_1460 : vector<16xi32>
      %ne3A_1462 = arith.constant 0 : i32
      %ne3A_1463 = vector.broadcast %ne3A_1462 : i32 to vector<16xi32>
      %ne3A_1464 = arith.cmpi ne, %rem3A_1461, %ne3A_1463 : vector<16xi32>
      %lt3A_1465 = arith.constant 0 : i32
      %lt3A_1466 = vector.broadcast %lt3A_1465 : i32 to vector<16xi32>
      %lt3A_1467 = arith.cmpi slt, %rem3A_1461, %lt3A_1466 : vector<16xi32>
      %lt3A_1468 = arith.constant 0 : i32
      %lt3A_1469 = arith.cmpi slt, %select_n3A_1459, %lt3A_1468 : i32
      %ne3A_1470 = vector.broadcast %lt3A_1469 : i1 to vector<16xi1>
      %ne3A_1471 = vector.broadcast %ne3A_1470 : vector<16xi1> to vector<16xi1>
      %ne3A_1472 = arith.xori %lt3A_1467, %ne3A_1471 : vector<16xi1>
      %and3A_1473 = arith.andi %ne3A_1472, %ne3A_1464 : vector<16xi1>
      %add3A_1474 = vector.broadcast %select_n3A_1459 : i32 to vector<16xi32>
      %add3A_1475 = arith.addi %rem3A_1461, %add3A_1474 : vector<16xi32>
      %select_n3A_1476 = arith.select %and3A_1473, %add3A_1475, %rem3A_1461 : vector<16xi1>, vector<16xi32>
      tpu.vector_store_idx %arg5[%select_n3A_1454, %select_n3A_1476], %get3A_1421 : memref<224x128xi32, #tpu.memory_space<vmem>>[vector<16xi32>, vector<16xi32>], vector<16xi32>,
      %add3A_1477 = arith.constant 34 : i32
      %add3A_1478 = arith.addi %mul3A_1290, %add3A_1477 : i32
      %get3A_1479 = arith.constant 4 : i32
      %get3A_1480 = arith.index_cast %scan3A_11 : i32 to index
      %get3A_1481 = arith.index_cast %get3A_1479 : i32 to index
      %get3A_1482 = arith.constant 34 : index
      %get3A_1483 = tpu.vector_load %arg4[%get3A_1480, %get3A_1481, %get3A_1482] {strides = array<i32>} : memref<64x8x50xi32, #tpu.memory_space<vmem>>, vector<16xi32>,
      %ge3A_1484 = arith.constant 14 : i32
      %ge3A_1485 = vector.broadcast %ge3A_1484 : i32 to vector<16xi32>
      %ge3A_1486 = arith.cmpi sge, %iota3A, %ge3A_1485 : vector<16xi32>
      %add3A_1487 = vector.broadcast %add3A_1478 : i32 to vector<16xi32>
      %add3A_1488 = arith.addi %iota3A, %add3A_1487 : vector<16xi32>
      %jit3A_1489 = arith.constant 128 : i32
      %div3A_1490 = vector.broadcast %jit3A_1489 : i32 to vector<16xi32>
      %div3A_1491 = arith.divsi %add3A_1488, %div3A_1490 : vector<16xi32>
      %sign3A_1492 = arith.constant 0 : i32
      %sign3A_1493 = vector.broadcast %sign3A_1492 : i32 to vector<16xi32>
      %sign3A_1494 = arith.cmpi sgt, %add3A_1488, %sign3A_1493 : vector<16xi32>
      %sign3A_1495 = arith.extui %sign3A_1494 : vector<16xi1> to vector<16xi32>
      %sign3A_1496 = arith.constant 0 : i32
      %sign3A_1497 = vector.broadcast %sign3A_1496 : i32 to vector<16xi32>
      %sign3A_1498 = arith.cmpi slt, %add3A_1488, %sign3A_1497 : vector<16xi32>
      %sign3A_1499 = arith.extui %sign3A_1498 : vector<16xi1> to vector<16xi32>
      %sign3A_1500 = arith.subi %sign3A_1495, %sign3A_1499 : vector<16xi32>
      %sign3A_1501 = arith.constant 0 : i32
      %sign3A_1502 = arith.cmpi sgt, %jit3A_1489, %sign3A_1501 : i32
      %sign3A_1503 = arith.extui %sign3A_1502 : i1 to i32
      %sign3A_1504 = arith.constant 0 : i32
      %sign3A_1505 = arith.cmpi slt, %jit3A_1489, %sign3A_1504 : i32
      %sign3A_1506 = arith.extui %sign3A_1505 : i1 to i32
      %sign3A_1507 = arith.subi %sign3A_1503, %sign3A_1506 : i32
      %ne3A_1508 = vector.broadcast %sign3A_1507 : i32 to vector<16xi32>
      %ne3A_1509 = arith.cmpi ne, %sign3A_1500, %ne3A_1508 : vector<16xi32>
      %rem3A_1510 = vector.broadcast %jit3A_1489 : i32 to vector<16xi32>
      %rem3A_1511 = arith.remsi %add3A_1488, %rem3A_1510 : vector<16xi32>
      %ne3A_1512 = arith.constant 0 : i32
      %ne3A_1513 = vector.broadcast %ne3A_1512 : i32 to vector<16xi32>
      %ne3A_1514 = arith.cmpi ne, %rem3A_1511, %ne3A_1513 : vector<16xi32>
      %and3A_1515 = arith.andi %ne3A_1509, %ne3A_1514 : vector<16xi1>
      %sub3A_1516 = arith.constant 1 : i32
      %sub3A_1517 = vector.broadcast %sub3A_1516 : i32 to vector<16xi32>
      %sub3A_1518 = arith.subi %div3A_1491, %sub3A_1517 : vector<16xi32>
      %select_n3A_1519 = arith.select %and3A_1515, %sub3A_1518, %div3A_1491 : vector<16xi1>, vector<16xi32>
      %jit3A_1520 = arith.constant 128 : i32
      %eq3A_1521 = arith.constant 0 : i32
      %eq3A_1522 = arith.cmpi eq, %jit3A_1520, %eq3A_1521 : i32
      %jit3A_1523 = arith.constant 1 : i32
      %select_n3A_1524 = arith.select %eq3A_1522, %jit3A_1523, %jit3A_1520 : i32
      %rem3A_1525 = vector.broadcast %select_n3A_1524 : i32 to vector<16xi32>
      %rem3A_1526 = arith.remsi %add3A_1488, %rem3A_1525 : vector<16xi32>
      %ne3A_1527 = arith.constant 0 : i32
      %ne3A_1528 = vector.broadcast %ne3A_1527 : i32 to vector<16xi32>
      %ne3A_1529 = arith.cmpi ne, %rem3A_1526, %ne3A_1528 : vector<16xi32>
      %lt3A_1530 = arith.constant 0 : i32
      %lt3A_1531 = vector.broadcast %lt3A_1530 : i32 to vector<16xi32>
      %lt3A_1532 = arith.cmpi slt, %rem3A_1526, %lt3A_1531 : vector<16xi32>
      %lt3A_1533 = arith.constant 0 : i32
      %lt3A_1534 = arith.cmpi slt, %select_n3A_1524, %lt3A_1533 : i32
      %ne3A_1535 = vector.broadcast %lt3A_1534 : i1 to vector<16xi1>
      %ne3A_1536 = vector.broadcast %ne3A_1535 : vector<16xi1> to vector<16xi1>
      %ne3A_1537 = arith.xori %lt3A_1532, %ne3A_1536 : vector<16xi1>
      %and3A_1538 = arith.andi %ne3A_1537, %ne3A_1529 : vector<16xi1>
      %add3A_1539 = vector.broadcast %select_n3A_1524 : i32 to vector<16xi32>
      %add3A_1540 = arith.addi %rem3A_1526, %add3A_1539 : vector<16xi32>
      %select_n3A_1541 = arith.select %and3A_1538, %add3A_1540, %rem3A_1526 : vector<16xi1>, vector<16xi32>
      tpu.vector_store_idx %arg5[%select_n3A_1519, %select_n3A_1541], %get3A_1483 masked %ge3A_1486 : memref<224x128xi32, #tpu.memory_space<vmem>>[vector<16xi32>, vector<16xi32>], vector<16xi32>, vector<16xi1>
      %add3A_1542 = arith.constant 50 : i32
      %add3A_1543 = arith.addi %mul3A_1290, %add3A_1542 : i32
      %add3A_1544 = arith.constant 50 : i32
      %add3A_1545 = arith.addi %mul3A_1290, %add3A_1544 : i32
      %add3A_1546 = vector.broadcast %add3A_1545 : i32 to vector<16xi32>
      %add3A_1547 = arith.addi %iota3A, %add3A_1546 : vector<16xi32>
      %lt3A_1548 = arith.constant 6 : i32
      %lt3A_1549 = vector.broadcast %lt3A_1548 : i32 to vector<16xi32>
      %lt3A_1550 = arith.cmpi slt, %iota3A, %lt3A_1549 : vector<16xi32>
      %add3A_1551 = vector.broadcast %add3A_1543 : i32 to vector<16xi32>
      %add3A_1552 = arith.addi %iota3A, %add3A_1551 : vector<16xi32>
      %jit3A_1553 = arith.constant 128 : i32
      %div3A_1554 = vector.broadcast %jit3A_1553 : i32 to vector<16xi32>
      %div3A_1555 = arith.divsi %add3A_1552, %div3A_1554 : vector<16xi32>
      %sign3A_1556 = arith.constant 0 : i32
      %sign3A_1557 = vector.broadcast %sign3A_1556 : i32 to vector<16xi32>
      %sign3A_1558 = arith.cmpi sgt, %add3A_1552, %sign3A_1557 : vector<16xi32>
      %sign3A_1559 = arith.extui %sign3A_1558 : vector<16xi1> to vector<16xi32>
      %sign3A_1560 = arith.constant 0 : i32
      %sign3A_1561 = vector.broadcast %sign3A_1560 : i32 to vector<16xi32>
      %sign3A_1562 = arith.cmpi slt, %add3A_1552, %sign3A_1561 : vector<16xi32>
      %sign3A_1563 = arith.extui %sign3A_1562 : vector<16xi1> to vector<16xi32>
      %sign3A_1564 = arith.subi %sign3A_1559, %sign3A_1563 : vector<16xi32>
      %sign3A_1565 = arith.constant 0 : i32
      %sign3A_1566 = arith.cmpi sgt, %jit3A_1553, %sign3A_1565 : i32
      %sign3A_1567 = arith.extui %sign3A_1566 : i1 to i32
      %sign3A_1568 = arith.constant 0 : i32
      %sign3A_1569 = arith.cmpi slt, %jit3A_1553, %sign3A_1568 : i32
      %sign3A_1570 = arith.extui %sign3A_1569 : i1 to i32
      %sign3A_1571 = arith.subi %sign3A_1567, %sign3A_1570 : i32
      %ne3A_1572 = vector.broadcast %sign3A_1571 : i32 to vector<16xi32>
      %ne3A_1573 = arith.cmpi ne, %sign3A_1564, %ne3A_1572 : vector<16xi32>
      %rem3A_1574 = vector.broadcast %jit3A_1553 : i32 to vector<16xi32>
      %rem3A_1575 = arith.remsi %add3A_1552, %rem3A_1574 : vector<16xi32>
      %ne3A_1576 = arith.constant 0 : i32
      %ne3A_1577 = vector.broadcast %ne3A_1576 : i32 to vector<16xi32>
      %ne3A_1578 = arith.cmpi ne, %rem3A_1575, %ne3A_1577 : vector<16xi32>
      %and3A_1579 = arith.andi %ne3A_1573, %ne3A_1578 : vector<16xi1>
      %sub3A_1580 = arith.constant 1 : i32
      %sub3A_1581 = vector.broadcast %sub3A_1580 : i32 to vector<16xi32>
      %sub3A_1582 = arith.subi %div3A_1555, %sub3A_1581 : vector<16xi32>
      %select_n3A_1583 = arith.select %and3A_1579, %sub3A_1582, %div3A_1555 : vector<16xi1>, vector<16xi32>
      %jit3A_1584 = arith.constant 128 : i32
      %eq3A_1585 = arith.constant 0 : i32
      %eq3A_1586 = arith.cmpi eq, %jit3A_1584, %eq3A_1585 : i32
      %jit3A_1587 = arith.constant 1 : i32
      %select_n3A_1588 = arith.select %eq3A_1586, %jit3A_1587, %jit3A_1584 : i32
      %rem3A_1589 = vector.broadcast %select_n3A_1588 : i32 to vector<16xi32>
      %rem3A_1590 = arith.remsi %add3A_1552, %rem3A_1589 : vector<16xi32>
      %ne3A_1591 = arith.constant 0 : i32
      %ne3A_1592 = vector.broadcast %ne3A_1591 : i32 to vector<16xi32>
      %ne3A_1593 = arith.cmpi ne, %rem3A_1590, %ne3A_1592 : vector<16xi32>
      %lt3A_1594 = arith.constant 0 : i32
      %lt3A_1595 = vector.broadcast %lt3A_1594 : i32 to vector<16xi32>
      %lt3A_1596 = arith.cmpi slt, %rem3A_1590, %lt3A_1595 : vector<16xi32>
      %lt3A_1597 = arith.constant 0 : i32
      %lt3A_1598 = arith.cmpi slt, %select_n3A_1588, %lt3A_1597 : i32
      %ne3A_1599 = vector.broadcast %lt3A_1598 : i1 to vector<16xi1>
      %ne3A_1600 = vector.broadcast %ne3A_1599 : vector<16xi1> to vector<16xi1>
      %ne3A_1601 = arith.xori %lt3A_1596, %ne3A_1600 : vector<16xi1>
      %and3A_1602 = arith.andi %ne3A_1601, %ne3A_1593 : vector<16xi1>
      %add3A_1603 = vector.broadcast %select_n3A_1588 : i32 to vector<16xi32>
      %add3A_1604 = arith.addi %rem3A_1590, %add3A_1603 : vector<16xi32>
      %select_n3A_1605 = arith.select %and3A_1602, %add3A_1604, %rem3A_1590 : vector<16xi1>, vector<16xi32>
      tpu.vector_store_idx %arg5[%select_n3A_1583, %select_n3A_1605], %add3A_1547 masked %lt3A_1550 : memref<224x128xi32, #tpu.memory_space<vmem>>[vector<16xi32>, vector<16xi32>], vector<16xi32>, vector<16xi1>
      %mul3A_1606 = arith.constant 8 : i32
      %mul3A_1607 = arith.muli %scan3A_11, %mul3A_1606 : i32
      %add3A_1608 = arith.constant 5 : i32
      %add3A_1609 = arith.addi %mul3A_1607, %add3A_1608 : i32
      %mul3A_1610 = arith.constant 56 : i32
      %mul3A_1611 = arith.muli %add3A_1609, %mul3A_1610 : i32
      %add3A_1612 = arith.constant 0 : i32
      %add3A_1613 = arith.addi %mul3A_1611, %add3A_1612 : i32
      %get3A_1614 = arith.constant 5 : i32
      %get3A_1615 = arith.index_cast %scan3A_11 : i32 to index
      %get3A_1616 = arith.index_cast %get3A_1614 : i32 to index
      %get3A_1617 = arith.constant 0 : index
      %get3A_1618 = tpu.vector_load %arg4[%get3A_1615, %get3A_1616, %get3A_1617] {strides = array<i32>} : memref<64x8x50xi32, #tpu.memory_space<vmem>>, vector<16xi32>,
      %add3A_1619 = vector.broadcast %add3A_1613 : i32 to vector<16xi32>
      %add3A_1620 = arith.addi %iota3A, %add3A_1619 : vector<16xi32>
      %jit3A_1621 = arith.constant 128 : i32
      %div3A_1622 = vector.broadcast %jit3A_1621 : i32 to vector<16xi32>
      %div3A_1623 = arith.divsi %add3A_1620, %div3A_1622 : vector<16xi32>
      %sign3A_1624 = arith.constant 0 : i32
      %sign3A_1625 = vector.broadcast %sign3A_1624 : i32 to vector<16xi32>
      %sign3A_1626 = arith.cmpi sgt, %add3A_1620, %sign3A_1625 : vector<16xi32>
      %sign3A_1627 = arith.extui %sign3A_1626 : vector<16xi1> to vector<16xi32>
      %sign3A_1628 = arith.constant 0 : i32
      %sign3A_1629 = vector.broadcast %sign3A_1628 : i32 to vector<16xi32>
      %sign3A_1630 = arith.cmpi slt, %add3A_1620, %sign3A_1629 : vector<16xi32>
      %sign3A_1631 = arith.extui %sign3A_1630 : vector<16xi1> to vector<16xi32>
      %sign3A_1632 = arith.subi %sign3A_1627, %sign3A_1631 : vector<16xi32>
      %sign3A_1633 = arith.constant 0 : i32
      %sign3A_1634 = arith.cmpi sgt, %jit3A_1621, %sign3A_1633 : i32
      %sign3A_1635 = arith.extui %sign3A_1634 : i1 to i32
      %sign3A_1636 = arith.constant 0 : i32
      %sign3A_1637 = arith.cmpi slt, %jit3A_1621, %sign3A_1636 : i32
      %sign3A_1638 = arith.extui %sign3A_1637 : i1 to i32
      %sign3A_1639 = arith.subi %sign3A_1635, %sign3A_1638 : i32
      %ne3A_1640 = vector.broadcast %sign3A_1639 : i32 to vector<16xi32>
      %ne3A_1641 = arith.cmpi ne, %sign3A_1632, %ne3A_1640 : vector<16xi32>
      %rem3A_1642 = vector.broadcast %jit3A_1621 : i32 to vector<16xi32>
      %rem3A_1643 = arith.remsi %add3A_1620, %rem3A_1642 : vector<16xi32>
      %ne3A_1644 = arith.constant 0 : i32
      %ne3A_1645 = vector.broadcast %ne3A_1644 : i32 to vector<16xi32>
      %ne3A_1646 = arith.cmpi ne, %rem3A_1643, %ne3A_1645 : vector<16xi32>
      %and3A_1647 = arith.andi %ne3A_1641, %ne3A_1646 : vector<16xi1>
      %sub3A_1648 = arith.constant 1 : i32
      %sub3A_1649 = vector.broadcast %sub3A_1648 : i32 to vector<16xi32>
      %sub3A_1650 = arith.subi %div3A_1623, %sub3A_1649 : vector<16xi32>
      %select_n3A_1651 = arith.select %and3A_1647, %sub3A_1650, %div3A_1623 : vector<16xi1>, vector<16xi32>
      %jit3A_1652 = arith.constant 128 : i32
      %eq3A_1653 = arith.constant 0 : i32
      %eq3A_1654 = arith.cmpi eq, %jit3A_1652, %eq3A_1653 : i32
      %jit3A_1655 = arith.constant 1 : i32
      %select_n3A_1656 = arith.select %eq3A_1654, %jit3A_1655, %jit3A_1652 : i32
      %rem3A_1657 = vector.broadcast %select_n3A_1656 : i32 to vector<16xi32>
      %rem3A_1658 = arith.remsi %add3A_1620, %rem3A_1657 : vector<16xi32>
      %ne3A_1659 = arith.constant 0 : i32
      %ne3A_1660 = vector.broadcast %ne3A_1659 : i32 to vector<16xi32>
      %ne3A_1661 = arith.cmpi ne, %rem3A_1658, %ne3A_1660 : vector<16xi32>
      %lt3A_1662 = arith.constant 0 : i32
      %lt3A_1663 = vector.broadcast %lt3A_1662 : i32 to vector<16xi32>
      %lt3A_1664 = arith.cmpi slt, %rem3A_1658, %lt3A_1663 : vector<16xi32>
      %lt3A_1665 = arith.constant 0 : i32
      %lt3A_1666 = arith.cmpi slt, %select_n3A_1656, %lt3A_1665 : i32
      %ne3A_1667 = vector.broadcast %lt3A_1666 : i1 to vector<16xi1>
      %ne3A_1668 = vector.broadcast %ne3A_1667 : vector<16xi1> to vector<16xi1>
      %ne3A_1669 = arith.xori %lt3A_1664, %ne3A_1668 : vector<16xi1>
      %and3A_1670 = arith.andi %ne3A_1669, %ne3A_1661 : vector<16xi1>
      %add3A_1671 = vector.broadcast %select_n3A_1656 : i32 to vector<16xi32>
      %add3A_1672 = arith.addi %rem3A_1658, %add3A_1671 : vector<16xi32>
      %select_n3A_1673 = arith.select %and3A_1670, %add3A_1672, %rem3A_1658 : vector<16xi1>, vector<16xi32>
      tpu.vector_store_idx %arg5[%select_n3A_1651, %select_n3A_1673], %get3A_1618 : memref<224x128xi32, #tpu.memory_space<vmem>>[vector<16xi32>, vector<16xi32>], vector<16xi32>,
      %add3A_1674 = arith.constant 16 : i32
      %add3A_1675 = arith.addi %mul3A_1611, %add3A_1674 : i32
      %get3A_1676 = arith.constant 5 : i32
      %get3A_1677 = arith.index_cast %scan3A_11 : i32 to index
      %get3A_1678 = arith.index_cast %get3A_1676 : i32 to index
      %get3A_1679 = arith.constant 16 : index
      %get3A_1680 = tpu.vector_load %arg4[%get3A_1677, %get3A_1678, %get3A_1679] {strides = array<i32>} : memref<64x8x50xi32, #tpu.memory_space<vmem>>, vector<16xi32>,
      %add3A_1681 = vector.broadcast %add3A_1675 : i32 to vector<16xi32>
      %add3A_1682 = arith.addi %iota3A, %add3A_1681 : vector<16xi32>
      %jit3A_1683 = arith.constant 128 : i32
      %div3A_1684 = vector.broadcast %jit3A_1683 : i32 to vector<16xi32>
      %div3A_1685 = arith.divsi %add3A_1682, %div3A_1684 : vector<16xi32>
      %sign3A_1686 = arith.constant 0 : i32
      %sign3A_1687 = vector.broadcast %sign3A_1686 : i32 to vector<16xi32>
      %sign3A_1688 = arith.cmpi sgt, %add3A_1682, %sign3A_1687 : vector<16xi32>
      %sign3A_1689 = arith.extui %sign3A_1688 : vector<16xi1> to vector<16xi32>
      %sign3A_1690 = arith.constant 0 : i32
      %sign3A_1691 = vector.broadcast %sign3A_1690 : i32 to vector<16xi32>
      %sign3A_1692 = arith.cmpi slt, %add3A_1682, %sign3A_1691 : vector<16xi32>
      %sign3A_1693 = arith.extui %sign3A_1692 : vector<16xi1> to vector<16xi32>
      %sign3A_1694 = arith.subi %sign3A_1689, %sign3A_1693 : vector<16xi32>
      %sign3A_1695 = arith.constant 0 : i32
      %sign3A_1696 = arith.cmpi sgt, %jit3A_1683, %sign3A_1695 : i32
      %sign3A_1697 = arith.extui %sign3A_1696 : i1 to i32
      %sign3A_1698 = arith.constant 0 : i32
      %sign3A_1699 = arith.cmpi slt, %jit3A_1683, %sign3A_1698 : i32
      %sign3A_1700 = arith.extui %sign3A_1699 : i1 to i32
      %sign3A_1701 = arith.subi %sign3A_1697, %sign3A_1700 : i32
      %ne3A_1702 = vector.broadcast %sign3A_1701 : i32 to vector<16xi32>
      %ne3A_1703 = arith.cmpi ne, %sign3A_1694, %ne3A_1702 : vector<16xi32>
      %rem3A_1704 = vector.broadcast %jit3A_1683 : i32 to vector<16xi32>
      %rem3A_1705 = arith.remsi %add3A_1682, %rem3A_1704 : vector<16xi32>
      %ne3A_1706 = arith.constant 0 : i32
      %ne3A_1707 = vector.broadcast %ne3A_1706 : i32 to vector<16xi32>
      %ne3A_1708 = arith.cmpi ne, %rem3A_1705, %ne3A_1707 : vector<16xi32>
      %and3A_1709 = arith.andi %ne3A_1703, %ne3A_1708 : vector<16xi1>
      %sub3A_1710 = arith.constant 1 : i32
      %sub3A_1711 = vector.broadcast %sub3A_1710 : i32 to vector<16xi32>
      %sub3A_1712 = arith.subi %div3A_1685, %sub3A_1711 : vector<16xi32>
      %select_n3A_1713 = arith.select %and3A_1709, %sub3A_1712, %div3A_1685 : vector<16xi1>, vector<16xi32>
      %jit3A_1714 = arith.constant 128 : i32
      %eq3A_1715 = arith.constant 0 : i32
      %eq3A_1716 = arith.cmpi eq, %jit3A_1714, %eq3A_1715 : i32
      %jit3A_1717 = arith.constant 1 : i32
      %select_n3A_1718 = arith.select %eq3A_1716, %jit3A_1717, %jit3A_1714 : i32
      %rem3A_1719 = vector.broadcast %select_n3A_1718 : i32 to vector<16xi32>
      %rem3A_1720 = arith.remsi %add3A_1682, %rem3A_1719 : vector<16xi32>
      %ne3A_1721 = arith.constant 0 : i32
      %ne3A_1722 = vector.broadcast %ne3A_1721 : i32 to vector<16xi32>
      %ne3A_1723 = arith.cmpi ne, %rem3A_1720, %ne3A_1722 : vector<16xi32>
      %lt3A_1724 = arith.constant 0 : i32
      %lt3A_1725 = vector.broadcast %lt3A_1724 : i32 to vector<16xi32>
      %lt3A_1726 = arith.cmpi slt, %rem3A_1720, %lt3A_1725 : vector<16xi32>
      %lt3A_1727 = arith.constant 0 : i32
      %lt3A_1728 = arith.cmpi slt, %select_n3A_1718, %lt3A_1727 : i32
      %ne3A_1729 = vector.broadcast %lt3A_1728 : i1 to vector<16xi1>
      %ne3A_1730 = vector.broadcast %ne3A_1729 : vector<16xi1> to vector<16xi1>
      %ne3A_1731 = arith.xori %lt3A_1726, %ne3A_1730 : vector<16xi1>
      %and3A_1732 = arith.andi %ne3A_1731, %ne3A_1723 : vector<16xi1>
      %add3A_1733 = vector.broadcast %select_n3A_1718 : i32 to vector<16xi32>
      %add3A_1734 = arith.addi %rem3A_1720, %add3A_1733 : vector<16xi32>
      %select_n3A_1735 = arith.select %and3A_1732, %add3A_1734, %rem3A_1720 : vector<16xi1>, vector<16xi32>
      tpu.vector_store_idx %arg5[%select_n3A_1713, %select_n3A_1735], %get3A_1680 : memref<224x128xi32, #tpu.memory_space<vmem>>[vector<16xi32>, vector<16xi32>], vector<16xi32>,
      %add3A_1736 = arith.constant 32 : i32
      %add3A_1737 = arith.addi %mul3A_1611, %add3A_1736 : i32
      %get3A_1738 = arith.constant 5 : i32
      %get3A_1739 = arith.index_cast %scan3A_11 : i32 to index
      %get3A_1740 = arith.index_cast %get3A_1738 : i32 to index
      %get3A_1741 = arith.constant 32 : index
      %get3A_1742 = tpu.vector_load %arg4[%get3A_1739, %get3A_1740, %get3A_1741] {strides = array<i32>} : memref<64x8x50xi32, #tpu.memory_space<vmem>>, vector<16xi32>,
      %add3A_1743 = vector.broadcast %add3A_1737 : i32 to vector<16xi32>
      %add3A_1744 = arith.addi %iota3A, %add3A_1743 : vector<16xi32>
      %jit3A_1745 = arith.constant 128 : i32
      %div3A_1746 = vector.broadcast %jit3A_1745 : i32 to vector<16xi32>
      %div3A_1747 = arith.divsi %add3A_1744, %div3A_1746 : vector<16xi32>
      %sign3A_1748 = arith.constant 0 : i32
      %sign3A_1749 = vector.broadcast %sign3A_1748 : i32 to vector<16xi32>
      %sign3A_1750 = arith.cmpi sgt, %add3A_1744, %sign3A_1749 : vector<16xi32>
      %sign3A_1751 = arith.extui %sign3A_1750 : vector<16xi1> to vector<16xi32>
      %sign3A_1752 = arith.constant 0 : i32
      %sign3A_1753 = vector.broadcast %sign3A_1752 : i32 to vector<16xi32>
      %sign3A_1754 = arith.cmpi slt, %add3A_1744, %sign3A_1753 : vector<16xi32>
      %sign3A_1755 = arith.extui %sign3A_1754 : vector<16xi1> to vector<16xi32>
      %sign3A_1756 = arith.subi %sign3A_1751, %sign3A_1755 : vector<16xi32>
      %sign3A_1757 = arith.constant 0 : i32
      %sign3A_1758 = arith.cmpi sgt, %jit3A_1745, %sign3A_1757 : i32
      %sign3A_1759 = arith.extui %sign3A_1758 : i1 to i32
      %sign3A_1760 = arith.constant 0 : i32
      %sign3A_1761 = arith.cmpi slt, %jit3A_1745, %sign3A_1760 : i32
      %sign3A_1762 = arith.extui %sign3A_1761 : i1 to i32
      %sign3A_1763 = arith.subi %sign3A_1759, %sign3A_1762 : i32
      %ne3A_1764 = vector.broadcast %sign3A_1763 : i32 to vector<16xi32>
      %ne3A_1765 = arith.cmpi ne, %sign3A_1756, %ne3A_1764 : vector<16xi32>
      %rem3A_1766 = vector.broadcast %jit3A_1745 : i32 to vector<16xi32>
      %rem3A_1767 = arith.remsi %add3A_1744, %rem3A_1766 : vector<16xi32>
      %ne3A_1768 = arith.constant 0 : i32
      %ne3A_1769 = vector.broadcast %ne3A_1768 : i32 to vector<16xi32>
      %ne3A_1770 = arith.cmpi ne, %rem3A_1767, %ne3A_1769 : vector<16xi32>
      %and3A_1771 = arith.andi %ne3A_1765, %ne3A_1770 : vector<16xi1>
      %sub3A_1772 = arith.constant 1 : i32
      %sub3A_1773 = vector.broadcast %sub3A_1772 : i32 to vector<16xi32>
      %sub3A_1774 = arith.subi %div3A_1747, %sub3A_1773 : vector<16xi32>
      %select_n3A_1775 = arith.select %and3A_1771, %sub3A_1774, %div3A_1747 : vector<16xi1>, vector<16xi32>
      %jit3A_1776 = arith.constant 128 : i32
      %eq3A_1777 = arith.constant 0 : i32
      %eq3A_1778 = arith.cmpi eq, %jit3A_1776, %eq3A_1777 : i32
      %jit3A_1779 = arith.constant 1 : i32
      %select_n3A_1780 = arith.select %eq3A_1778, %jit3A_1779, %jit3A_1776 : i32
      %rem3A_1781 = vector.broadcast %select_n3A_1780 : i32 to vector<16xi32>
      %rem3A_1782 = arith.remsi %add3A_1744, %rem3A_1781 : vector<16xi32>
      %ne3A_1783 = arith.constant 0 : i32
      %ne3A_1784 = vector.broadcast %ne3A_1783 : i32 to vector<16xi32>
      %ne3A_1785 = arith.cmpi ne, %rem3A_1782, %ne3A_1784 : vector<16xi32>
      %lt3A_1786 = arith.constant 0 : i32
      %lt3A_1787 = vector.broadcast %lt3A_1786 : i32 to vector<16xi32>
      %lt3A_1788 = arith.cmpi slt, %rem3A_1782, %lt3A_1787 : vector<16xi32>
      %lt3A_1789 = arith.constant 0 : i32
      %lt3A_1790 = arith.cmpi slt, %select_n3A_1780, %lt3A_1789 : i32
      %ne3A_1791 = vector.broadcast %lt3A_1790 : i1 to vector<16xi1>
      %ne3A_1792 = vector.broadcast %ne3A_1791 : vector<16xi1> to vector<16xi1>
      %ne3A_1793 = arith.xori %lt3A_1788, %ne3A_1792 : vector<16xi1>
      %and3A_1794 = arith.andi %ne3A_1793, %ne3A_1785 : vector<16xi1>
      %add3A_1795 = vector.broadcast %select_n3A_1780 : i32 to vector<16xi32>
      %add3A_1796 = arith.addi %rem3A_1782, %add3A_1795 : vector<16xi32>
      %select_n3A_1797 = arith.select %and3A_1794, %add3A_1796, %rem3A_1782 : vector<16xi1>, vector<16xi32>
      tpu.vector_store_idx %arg5[%select_n3A_1775, %select_n3A_1797], %get3A_1742 : memref<224x128xi32, #tpu.memory_space<vmem>>[vector<16xi32>, vector<16xi32>], vector<16xi32>,
      %add3A_1798 = arith.constant 34 : i32
      %add3A_1799 = arith.addi %mul3A_1611, %add3A_1798 : i32
      %get3A_1800 = arith.constant 5 : i32
      %get3A_1801 = arith.index_cast %scan3A_11 : i32 to index
      %get3A_1802 = arith.index_cast %get3A_1800 : i32 to index
      %get3A_1803 = arith.constant 34 : index
      %get3A_1804 = tpu.vector_load %arg4[%get3A_1801, %get3A_1802, %get3A_1803] {strides = array<i32>} : memref<64x8x50xi32, #tpu.memory_space<vmem>>, vector<16xi32>,
      %ge3A_1805 = arith.constant 14 : i32
      %ge3A_1806 = vector.broadcast %ge3A_1805 : i32 to vector<16xi32>
      %ge3A_1807 = arith.cmpi sge, %iota3A, %ge3A_1806 : vector<16xi32>
      %add3A_1808 = vector.broadcast %add3A_1799 : i32 to vector<16xi32>
      %add3A_1809 = arith.addi %iota3A, %add3A_1808 : vector<16xi32>
      %jit3A_1810 = arith.constant 128 : i32
      %div3A_1811 = vector.broadcast %jit3A_1810 : i32 to vector<16xi32>
      %div3A_1812 = arith.divsi %add3A_1809, %div3A_1811 : vector<16xi32>
      %sign3A_1813 = arith.constant 0 : i32
      %sign3A_1814 = vector.broadcast %sign3A_1813 : i32 to vector<16xi32>
      %sign3A_1815 = arith.cmpi sgt, %add3A_1809, %sign3A_1814 : vector<16xi32>
      %sign3A_1816 = arith.extui %sign3A_1815 : vector<16xi1> to vector<16xi32>
      %sign3A_1817 = arith.constant 0 : i32
      %sign3A_1818 = vector.broadcast %sign3A_1817 : i32 to vector<16xi32>
      %sign3A_1819 = arith.cmpi slt, %add3A_1809, %sign3A_1818 : vector<16xi32>
      %sign3A_1820 = arith.extui %sign3A_1819 : vector<16xi1> to vector<16xi32>
      %sign3A_1821 = arith.subi %sign3A_1816, %sign3A_1820 : vector<16xi32>
      %sign3A_1822 = arith.constant 0 : i32
      %sign3A_1823 = arith.cmpi sgt, %jit3A_1810, %sign3A_1822 : i32
      %sign3A_1824 = arith.extui %sign3A_1823 : i1 to i32
      %sign3A_1825 = arith.constant 0 : i32
      %sign3A_1826 = arith.cmpi slt, %jit3A_1810, %sign3A_1825 : i32
      %sign3A_1827 = arith.extui %sign3A_1826 : i1 to i32
      %sign3A_1828 = arith.subi %sign3A_1824, %sign3A_1827 : i32
      %ne3A_1829 = vector.broadcast %sign3A_1828 : i32 to vector<16xi32>
      %ne3A_1830 = arith.cmpi ne, %sign3A_1821, %ne3A_1829 : vector<16xi32>
      %rem3A_1831 = vector.broadcast %jit3A_1810 : i32 to vector<16xi32>
      %rem3A_1832 = arith.remsi %add3A_1809, %rem3A_1831 : vector<16xi32>
      %ne3A_1833 = arith.constant 0 : i32
      %ne3A_1834 = vector.broadcast %ne3A_1833 : i32 to vector<16xi32>
      %ne3A_1835 = arith.cmpi ne, %rem3A_1832, %ne3A_1834 : vector<16xi32>
      %and3A_1836 = arith.andi %ne3A_1830, %ne3A_1835 : vector<16xi1>
      %sub3A_1837 = arith.constant 1 : i32
      %sub3A_1838 = vector.broadcast %sub3A_1837 : i32 to vector<16xi32>
      %sub3A_1839 = arith.subi %div3A_1812, %sub3A_1838 : vector<16xi32>
      %select_n3A_1840 = arith.select %and3A_1836, %sub3A_1839, %div3A_1812 : vector<16xi1>, vector<16xi32>
      %jit3A_1841 = arith.constant 128 : i32
      %eq3A_1842 = arith.constant 0 : i32
      %eq3A_1843 = arith.cmpi eq, %jit3A_1841, %eq3A_1842 : i32
      %jit3A_1844 = arith.constant 1 : i32
      %select_n3A_1845 = arith.select %eq3A_1843, %jit3A_1844, %jit3A_1841 : i32
      %rem3A_1846 = vector.broadcast %select_n3A_1845 : i32 to vector<16xi32>
      %rem3A_1847 = arith.remsi %add3A_1809, %rem3A_1846 : vector<16xi32>
      %ne3A_1848 = arith.constant 0 : i32
      %ne3A_1849 = vector.broadcast %ne3A_1848 : i32 to vector<16xi32>
      %ne3A_1850 = arith.cmpi ne, %rem3A_1847, %ne3A_1849 : vector<16xi32>
      %lt3A_1851 = arith.constant 0 : i32
      %lt3A_1852 = vector.broadcast %lt3A_1851 : i32 to vector<16xi32>
      %lt3A_1853 = arith.cmpi slt, %rem3A_1847, %lt3A_1852 : vector<16xi32>
      %lt3A_1854 = arith.constant 0 : i32
      %lt3A_1855 = arith.cmpi slt, %select_n3A_1845, %lt3A_1854 : i32
      %ne3A_1856 = vector.broadcast %lt3A_1855 : i1 to vector<16xi1>
      %ne3A_1857 = vector.broadcast %ne3A_1856 : vector<16xi1> to vector<16xi1>
      %ne3A_1858 = arith.xori %lt3A_1853, %ne3A_1857 : vector<16xi1>
      %and3A_1859 = arith.andi %ne3A_1858, %ne3A_1850 : vector<16xi1>
      %add3A_1860 = vector.broadcast %select_n3A_1845 : i32 to vector<16xi32>
      %add3A_1861 = arith.addi %rem3A_1847, %add3A_1860 : vector<16xi32>
      %select_n3A_1862 = arith.select %and3A_1859, %add3A_1861, %rem3A_1847 : vector<16xi1>, vector<16xi32>
      tpu.vector_store_idx %arg5[%select_n3A_1840, %select_n3A_1862], %get3A_1804 masked %ge3A_1807 : memref<224x128xi32, #tpu.memory_space<vmem>>[vector<16xi32>, vector<16xi32>], vector<16xi32>, vector<16xi1>
      %add3A_1863 = arith.constant 50 : i32
      %add3A_1864 = arith.addi %mul3A_1611, %add3A_1863 : i32
      %add3A_1865 = arith.constant 50 : i32
      %add3A_1866 = arith.addi %mul3A_1611, %add3A_1865 : i32
      %add3A_1867 = vector.broadcast %add3A_1866 : i32 to vector<16xi32>
      %add3A_1868 = arith.addi %iota3A, %add3A_1867 : vector<16xi32>
      %lt3A_1869 = arith.constant 6 : i32
      %lt3A_1870 = vector.broadcast %lt3A_1869 : i32 to vector<16xi32>
      %lt3A_1871 = arith.cmpi slt, %iota3A, %lt3A_1870 : vector<16xi32>
      %add3A_1872 = vector.broadcast %add3A_1864 : i32 to vector<16xi32>
      %add3A_1873 = arith.addi %iota3A, %add3A_1872 : vector<16xi32>
      %jit3A_1874 = arith.constant 128 : i32
      %div3A_1875 = vector.broadcast %jit3A_1874 : i32 to vector<16xi32>
      %div3A_1876 = arith.divsi %add3A_1873, %div3A_1875 : vector<16xi32>
      %sign3A_1877 = arith.constant 0 : i32
      %sign3A_1878 = vector.broadcast %sign3A_1877 : i32 to vector<16xi32>
      %sign3A_1879 = arith.cmpi sgt, %add3A_1873, %sign3A_1878 : vector<16xi32>
      %sign3A_1880 = arith.extui %sign3A_1879 : vector<16xi1> to vector<16xi32>
      %sign3A_1881 = arith.constant 0 : i32
      %sign3A_1882 = vector.broadcast %sign3A_1881 : i32 to vector<16xi32>
      %sign3A_1883 = arith.cmpi slt, %add3A_1873, %sign3A_1882 : vector<16xi32>
      %sign3A_1884 = arith.extui %sign3A_1883 : vector<16xi1> to vector<16xi32>
      %sign3A_1885 = arith.subi %sign3A_1880, %sign3A_1884 : vector<16xi32>
      %sign3A_1886 = arith.constant 0 : i32
      %sign3A_1887 = arith.cmpi sgt, %jit3A_1874, %sign3A_1886 : i32
      %sign3A_1888 = arith.extui %sign3A_1887 : i1 to i32
      %sign3A_1889 = arith.constant 0 : i32
      %sign3A_1890 = arith.cmpi slt, %jit3A_1874, %sign3A_1889 : i32
      %sign3A_1891 = arith.extui %sign3A_1890 : i1 to i32
      %sign3A_1892 = arith.subi %sign3A_1888, %sign3A_1891 : i32
      %ne3A_1893 = vector.broadcast %sign3A_1892 : i32 to vector<16xi32>
      %ne3A_1894 = arith.cmpi ne, %sign3A_1885, %ne3A_1893 : vector<16xi32>
      %rem3A_1895 = vector.broadcast %jit3A_1874 : i32 to vector<16xi32>
      %rem3A_1896 = arith.remsi %add3A_1873, %rem3A_1895 : vector<16xi32>
      %ne3A_1897 = arith.constant 0 : i32
      %ne3A_1898 = vector.broadcast %ne3A_1897 : i32 to vector<16xi32>
      %ne3A_1899 = arith.cmpi ne, %rem3A_1896, %ne3A_1898 : vector<16xi32>
      %and3A_1900 = arith.andi %ne3A_1894, %ne3A_1899 : vector<16xi1>
      %sub3A_1901 = arith.constant 1 : i32
      %sub3A_1902 = vector.broadcast %sub3A_1901 : i32 to vector<16xi32>
      %sub3A_1903 = arith.subi %div3A_1876, %sub3A_1902 : vector<16xi32>
      %select_n3A_1904 = arith.select %and3A_1900, %sub3A_1903, %div3A_1876 : vector<16xi1>, vector<16xi32>
      %jit3A_1905 = arith.constant 128 : i32
      %eq3A_1906 = arith.constant 0 : i32
      %eq3A_1907 = arith.cmpi eq, %jit3A_1905, %eq3A_1906 : i32
      %jit3A_1908 = arith.constant 1 : i32
      %select_n3A_1909 = arith.select %eq3A_1907, %jit3A_1908, %jit3A_1905 : i32
      %rem3A_1910 = vector.broadcast %select_n3A_1909 : i32 to vector<16xi32>
      %rem3A_1911 = arith.remsi %add3A_1873, %rem3A_1910 : vector<16xi32>
      %ne3A_1912 = arith.constant 0 : i32
      %ne3A_1913 = vector.broadcast %ne3A_1912 : i32 to vector<16xi32>
      %ne3A_1914 = arith.cmpi ne, %rem3A_1911, %ne3A_1913 : vector<16xi32>
      %lt3A_1915 = arith.constant 0 : i32
      %lt3A_1916 = vector.broadcast %lt3A_1915 : i32 to vector<16xi32>
      %lt3A_1917 = arith.cmpi slt, %rem3A_1911, %lt3A_1916 : vector<16xi32>
      %lt3A_1918 = arith.constant 0 : i32
      %lt3A_1919 = arith.cmpi slt, %select_n3A_1909, %lt3A_1918 : i32
      %ne3A_1920 = vector.broadcast %lt3A_1919 : i1 to vector<16xi1>
      %ne3A_1921 = vector.broadcast %ne3A_1920 : vector<16xi1> to vector<16xi1>
      %ne3A_1922 = arith.xori %lt3A_1917, %ne3A_1921 : vector<16xi1>
      %and3A_1923 = arith.andi %ne3A_1922, %ne3A_1914 : vector<16xi1>
      %add3A_1924 = vector.broadcast %select_n3A_1909 : i32 to vector<16xi32>
      %add3A_1925 = arith.addi %rem3A_1911, %add3A_1924 : vector<16xi32>
      %select_n3A_1926 = arith.select %and3A_1923, %add3A_1925, %rem3A_1911 : vector<16xi1>, vector<16xi32>
      tpu.vector_store_idx %arg5[%select_n3A_1904, %select_n3A_1926], %add3A_1868 masked %lt3A_1871 : memref<224x128xi32, #tpu.memory_space<vmem>>[vector<16xi32>, vector<16xi32>], vector<16xi32>, vector<16xi1>
      %mul3A_1927 = arith.constant 8 : i32
      %mul3A_1928 = arith.muli %scan3A_11, %mul3A_1927 : i32
      %add3A_1929 = arith.constant 6 : i32
      %add3A_1930 = arith.addi %mul3A_1928, %add3A_1929 : i32
      %mul3A_1931 = arith.constant 56 : i32
      %mul3A_1932 = arith.muli %add3A_1930, %mul3A_1931 : i32
      %add3A_1933 = arith.constant 0 : i32
      %add3A_1934 = arith.addi %mul3A_1932, %add3A_1933 : i32
      %get3A_1935 = arith.constant 6 : i32
      %get3A_1936 = arith.index_cast %scan3A_11 : i32 to index
      %get3A_1937 = arith.index_cast %get3A_1935 : i32 to index
      %get3A_1938 = arith.constant 0 : index
      %get3A_1939 = tpu.vector_load %arg4[%get3A_1936, %get3A_1937, %get3A_1938] {strides = array<i32>} : memref<64x8x50xi32, #tpu.memory_space<vmem>>, vector<16xi32>,
      %add3A_1940 = vector.broadcast %add3A_1934 : i32 to vector<16xi32>
      %add3A_1941 = arith.addi %iota3A, %add3A_1940 : vector<16xi32>
      %jit3A_1942 = arith.constant 128 : i32
      %div3A_1943 = vector.broadcast %jit3A_1942 : i32 to vector<16xi32>
      %div3A_1944 = arith.divsi %add3A_1941, %div3A_1943 : vector<16xi32>
      %sign3A_1945 = arith.constant 0 : i32
      %sign3A_1946 = vector.broadcast %sign3A_1945 : i32 to vector<16xi32>
      %sign3A_1947 = arith.cmpi sgt, %add3A_1941, %sign3A_1946 : vector<16xi32>
      %sign3A_1948 = arith.extui %sign3A_1947 : vector<16xi1> to vector<16xi32>
      %sign3A_1949 = arith.constant 0 : i32
      %sign3A_1950 = vector.broadcast %sign3A_1949 : i32 to vector<16xi32>
      %sign3A_1951 = arith.cmpi slt, %add3A_1941, %sign3A_1950 : vector<16xi32>
      %sign3A_1952 = arith.extui %sign3A_1951 : vector<16xi1> to vector<16xi32>
      %sign3A_1953 = arith.subi %sign3A_1948, %sign3A_1952 : vector<16xi32>
      %sign3A_1954 = arith.constant 0 : i32
      %sign3A_1955 = arith.cmpi sgt, %jit3A_1942, %sign3A_1954 : i32
      %sign3A_1956 = arith.extui %sign3A_1955 : i1 to i32
      %sign3A_1957 = arith.constant 0 : i32
      %sign3A_1958 = arith.cmpi slt, %jit3A_1942, %sign3A_1957 : i32
      %sign3A_1959 = arith.extui %sign3A_1958 : i1 to i32
      %sign3A_1960 = arith.subi %sign3A_1956, %sign3A_1959 : i32
      %ne3A_1961 = vector.broadcast %sign3A_1960 : i32 to vector<16xi32>
      %ne3A_1962 = arith.cmpi ne, %sign3A_1953, %ne3A_1961 : vector<16xi32>
      %rem3A_1963 = vector.broadcast %jit3A_1942 : i32 to vector<16xi32>
      %rem3A_1964 = arith.remsi %add3A_1941, %rem3A_1963 : vector<16xi32>
      %ne3A_1965 = arith.constant 0 : i32
      %ne3A_1966 = vector.broadcast %ne3A_1965 : i32 to vector<16xi32>
      %ne3A_1967 = arith.cmpi ne, %rem3A_1964, %ne3A_1966 : vector<16xi32>
      %and3A_1968 = arith.andi %ne3A_1962, %ne3A_1967 : vector<16xi1>
      %sub3A_1969 = arith.constant 1 : i32
      %sub3A_1970 = vector.broadcast %sub3A_1969 : i32 to vector<16xi32>
      %sub3A_1971 = arith.subi %div3A_1944, %sub3A_1970 : vector<16xi32>
      %select_n3A_1972 = arith.select %and3A_1968, %sub3A_1971, %div3A_1944 : vector<16xi1>, vector<16xi32>
      %jit3A_1973 = arith.constant 128 : i32
      %eq3A_1974 = arith.constant 0 : i32
      %eq3A_1975 = arith.cmpi eq, %jit3A_1973, %eq3A_1974 : i32
      %jit3A_1976 = arith.constant 1 : i32
      %select_n3A_1977 = arith.select %eq3A_1975, %jit3A_1976, %jit3A_1973 : i32
      %rem3A_1978 = vector.broadcast %select_n3A_1977 : i32 to vector<16xi32>
      %rem3A_1979 = arith.remsi %add3A_1941, %rem3A_1978 : vector<16xi32>
      %ne3A_1980 = arith.constant 0 : i32
      %ne3A_1981 = vector.broadcast %ne3A_1980 : i32 to vector<16xi32>
      %ne3A_1982 = arith.cmpi ne, %rem3A_1979, %ne3A_1981 : vector<16xi32>
      %lt3A_1983 = arith.constant 0 : i32
      %lt3A_1984 = vector.broadcast %lt3A_1983 : i32 to vector<16xi32>
      %lt3A_1985 = arith.cmpi slt, %rem3A_1979, %lt3A_1984 : vector<16xi32>
      %lt3A_1986 = arith.constant 0 : i32
      %lt3A_1987 = arith.cmpi slt, %select_n3A_1977, %lt3A_1986 : i32
      %ne3A_1988 = vector.broadcast %lt3A_1987 : i1 to vector<16xi1>
      %ne3A_1989 = vector.broadcast %ne3A_1988 : vector<16xi1> to vector<16xi1>
      %ne3A_1990 = arith.xori %lt3A_1985, %ne3A_1989 : vector<16xi1>
      %and3A_1991 = arith.andi %ne3A_1990, %ne3A_1982 : vector<16xi1>
      %add3A_1992 = vector.broadcast %select_n3A_1977 : i32 to vector<16xi32>
      %add3A_1993 = arith.addi %rem3A_1979, %add3A_1992 : vector<16xi32>
      %select_n3A_1994 = arith.select %and3A_1991, %add3A_1993, %rem3A_1979 : vector<16xi1>, vector<16xi32>
      tpu.vector_store_idx %arg5[%select_n3A_1972, %select_n3A_1994], %get3A_1939 : memref<224x128xi32, #tpu.memory_space<vmem>>[vector<16xi32>, vector<16xi32>], vector<16xi32>,
      %add3A_1995 = arith.constant 16 : i32
      %add3A_1996 = arith.addi %mul3A_1932, %add3A_1995 : i32
      %get3A_1997 = arith.constant 6 : i32
      %get3A_1998 = arith.index_cast %scan3A_11 : i32 to index
      %get3A_1999 = arith.index_cast %get3A_1997 : i32 to index
      %get3A_2000 = arith.constant 16 : index
      %get3A_2001 = tpu.vector_load %arg4[%get3A_1998, %get3A_1999, %get3A_2000] {strides = array<i32>} : memref<64x8x50xi32, #tpu.memory_space<vmem>>, vector<16xi32>,
      %add3A_2002 = vector.broadcast %add3A_1996 : i32 to vector<16xi32>
      %add3A_2003 = arith.addi %iota3A, %add3A_2002 : vector<16xi32>
      %jit3A_2004 = arith.constant 128 : i32
      %div3A_2005 = vector.broadcast %jit3A_2004 : i32 to vector<16xi32>
      %div3A_2006 = arith.divsi %add3A_2003, %div3A_2005 : vector<16xi32>
      %sign3A_2007 = arith.constant 0 : i32
      %sign3A_2008 = vector.broadcast %sign3A_2007 : i32 to vector<16xi32>
      %sign3A_2009 = arith.cmpi sgt, %add3A_2003, %sign3A_2008 : vector<16xi32>
      %sign3A_2010 = arith.extui %sign3A_2009 : vector<16xi1> to vector<16xi32>
      %sign3A_2011 = arith.constant 0 : i32
      %sign3A_2012 = vector.broadcast %sign3A_2011 : i32 to vector<16xi32>
      %sign3A_2013 = arith.cmpi slt, %add3A_2003, %sign3A_2012 : vector<16xi32>
      %sign3A_2014 = arith.extui %sign3A_2013 : vector<16xi1> to vector<16xi32>
      %sign3A_2015 = arith.subi %sign3A_2010, %sign3A_2014 : vector<16xi32>
      %sign3A_2016 = arith.constant 0 : i32
      %sign3A_2017 = arith.cmpi sgt, %jit3A_2004, %sign3A_2016 : i32
      %sign3A_2018 = arith.extui %sign3A_2017 : i1 to i32
      %sign3A_2019 = arith.constant 0 : i32
      %sign3A_2020 = arith.cmpi slt, %jit3A_2004, %sign3A_2019 : i32
      %sign3A_2021 = arith.extui %sign3A_2020 : i1 to i32
      %sign3A_2022 = arith.subi %sign3A_2018, %sign3A_2021 : i32
      %ne3A_2023 = vector.broadcast %sign3A_2022 : i32 to vector<16xi32>
      %ne3A_2024 = arith.cmpi ne, %sign3A_2015, %ne3A_2023 : vector<16xi32>
      %rem3A_2025 = vector.broadcast %jit3A_2004 : i32 to vector<16xi32>
      %rem3A_2026 = arith.remsi %add3A_2003, %rem3A_2025 : vector<16xi32>
      %ne3A_2027 = arith.constant 0 : i32
      %ne3A_2028 = vector.broadcast %ne3A_2027 : i32 to vector<16xi32>
      %ne3A_2029 = arith.cmpi ne, %rem3A_2026, %ne3A_2028 : vector<16xi32>
      %and3A_2030 = arith.andi %ne3A_2024, %ne3A_2029 : vector<16xi1>
      %sub3A_2031 = arith.constant 1 : i32
      %sub3A_2032 = vector.broadcast %sub3A_2031 : i32 to vector<16xi32>
      %sub3A_2033 = arith.subi %div3A_2006, %sub3A_2032 : vector<16xi32>
      %select_n3A_2034 = arith.select %and3A_2030, %sub3A_2033, %div3A_2006 : vector<16xi1>, vector<16xi32>
      %jit3A_2035 = arith.constant 128 : i32
      %eq3A_2036 = arith.constant 0 : i32
      %eq3A_2037 = arith.cmpi eq, %jit3A_2035, %eq3A_2036 : i32
      %jit3A_2038 = arith.constant 1 : i32
      %select_n3A_2039 = arith.select %eq3A_2037, %jit3A_2038, %jit3A_2035 : i32
      %rem3A_2040 = vector.broadcast %select_n3A_2039 : i32 to vector<16xi32>
      %rem3A_2041 = arith.remsi %add3A_2003, %rem3A_2040 : vector<16xi32>
      %ne3A_2042 = arith.constant 0 : i32
      %ne3A_2043 = vector.broadcast %ne3A_2042 : i32 to vector<16xi32>
      %ne3A_2044 = arith.cmpi ne, %rem3A_2041, %ne3A_2043 : vector<16xi32>
      %lt3A_2045 = arith.constant 0 : i32
      %lt3A_2046 = vector.broadcast %lt3A_2045 : i32 to vector<16xi32>
      %lt3A_2047 = arith.cmpi slt, %rem3A_2041, %lt3A_2046 : vector<16xi32>
      %lt3A_2048 = arith.constant 0 : i32
      %lt3A_2049 = arith.cmpi slt, %select_n3A_2039, %lt3A_2048 : i32
      %ne3A_2050 = vector.broadcast %lt3A_2049 : i1 to vector<16xi1>
      %ne3A_2051 = vector.broadcast %ne3A_2050 : vector<16xi1> to vector<16xi1>
      %ne3A_2052 = arith.xori %lt3A_2047, %ne3A_2051 : vector<16xi1>
      %and3A_2053 = arith.andi %ne3A_2052, %ne3A_2044 : vector<16xi1>
      %add3A_2054 = vector.broadcast %select_n3A_2039 : i32 to vector<16xi32>
      %add3A_2055 = arith.addi %rem3A_2041, %add3A_2054 : vector<16xi32>
      %select_n3A_2056 = arith.select %and3A_2053, %add3A_2055, %rem3A_2041 : vector<16xi1>, vector<16xi32>
      tpu.vector_store_idx %arg5[%select_n3A_2034, %select_n3A_2056], %get3A_2001 : memref<224x128xi32, #tpu.memory_space<vmem>>[vector<16xi32>, vector<16xi32>], vector<16xi32>,
      %add3A_2057 = arith.constant 32 : i32
      %add3A_2058 = arith.addi %mul3A_1932, %add3A_2057 : i32
      %get3A_2059 = arith.constant 6 : i32
      %get3A_2060 = arith.index_cast %scan3A_11 : i32 to index
      %get3A_2061 = arith.index_cast %get3A_2059 : i32 to index
      %get3A_2062 = arith.constant 32 : index
      %get3A_2063 = tpu.vector_load %arg4[%get3A_2060, %get3A_2061, %get3A_2062] {strides = array<i32>} : memref<64x8x50xi32, #tpu.memory_space<vmem>>, vector<16xi32>,
      %add3A_2064 = vector.broadcast %add3A_2058 : i32 to vector<16xi32>
      %add3A_2065 = arith.addi %iota3A, %add3A_2064 : vector<16xi32>
      %jit3A_2066 = arith.constant 128 : i32
      %div3A_2067 = vector.broadcast %jit3A_2066 : i32 to vector<16xi32>
      %div3A_2068 = arith.divsi %add3A_2065, %div3A_2067 : vector<16xi32>
      %sign3A_2069 = arith.constant 0 : i32
      %sign3A_2070 = vector.broadcast %sign3A_2069 : i32 to vector<16xi32>
      %sign3A_2071 = arith.cmpi sgt, %add3A_2065, %sign3A_2070 : vector<16xi32>
      %sign3A_2072 = arith.extui %sign3A_2071 : vector<16xi1> to vector<16xi32>
      %sign3A_2073 = arith.constant 0 : i32
      %sign3A_2074 = vector.broadcast %sign3A_2073 : i32 to vector<16xi32>
      %sign3A_2075 = arith.cmpi slt, %add3A_2065, %sign3A_2074 : vector<16xi32>
      %sign3A_2076 = arith.extui %sign3A_2075 : vector<16xi1> to vector<16xi32>
      %sign3A_2077 = arith.subi %sign3A_2072, %sign3A_2076 : vector<16xi32>
      %sign3A_2078 = arith.constant 0 : i32
      %sign3A_2079 = arith.cmpi sgt, %jit3A_2066, %sign3A_2078 : i32
      %sign3A_2080 = arith.extui %sign3A_2079 : i1 to i32
      %sign3A_2081 = arith.constant 0 : i32
      %sign3A_2082 = arith.cmpi slt, %jit3A_2066, %sign3A_2081 : i32
      %sign3A_2083 = arith.extui %sign3A_2082 : i1 to i32
      %sign3A_2084 = arith.subi %sign3A_2080, %sign3A_2083 : i32
      %ne3A_2085 = vector.broadcast %sign3A_2084 : i32 to vector<16xi32>
      %ne3A_2086 = arith.cmpi ne, %sign3A_2077, %ne3A_2085 : vector<16xi32>
      %rem3A_2087 = vector.broadcast %jit3A_2066 : i32 to vector<16xi32>
      %rem3A_2088 = arith.remsi %add3A_2065, %rem3A_2087 : vector<16xi32>
      %ne3A_2089 = arith.constant 0 : i32
      %ne3A_2090 = vector.broadcast %ne3A_2089 : i32 to vector<16xi32>
      %ne3A_2091 = arith.cmpi ne, %rem3A_2088, %ne3A_2090 : vector<16xi32>
      %and3A_2092 = arith.andi %ne3A_2086, %ne3A_2091 : vector<16xi1>
      %sub3A_2093 = arith.constant 1 : i32
      %sub3A_2094 = vector.broadcast %sub3A_2093 : i32 to vector<16xi32>
      %sub3A_2095 = arith.subi %div3A_2068, %sub3A_2094 : vector<16xi32>
      %select_n3A_2096 = arith.select %and3A_2092, %sub3A_2095, %div3A_2068 : vector<16xi1>, vector<16xi32>
      %jit3A_2097 = arith.constant 128 : i32
      %eq3A_2098 = arith.constant 0 : i32
      %eq3A_2099 = arith.cmpi eq, %jit3A_2097, %eq3A_2098 : i32
      %jit3A_2100 = arith.constant 1 : i32
      %select_n3A_2101 = arith.select %eq3A_2099, %jit3A_2100, %jit3A_2097 : i32
      %rem3A_2102 = vector.broadcast %select_n3A_2101 : i32 to vector<16xi32>
      %rem3A_2103 = arith.remsi %add3A_2065, %rem3A_2102 : vector<16xi32>
      %ne3A_2104 = arith.constant 0 : i32
      %ne3A_2105 = vector.broadcast %ne3A_2104 : i32 to vector<16xi32>
      %ne3A_2106 = arith.cmpi ne, %rem3A_2103, %ne3A_2105 : vector<16xi32>
      %lt3A_2107 = arith.constant 0 : i32
      %lt3A_2108 = vector.broadcast %lt3A_2107 : i32 to vector<16xi32>
      %lt3A_2109 = arith.cmpi slt, %rem3A_2103, %lt3A_2108 : vector<16xi32>
      %lt3A_2110 = arith.constant 0 : i32
      %lt3A_2111 = arith.cmpi slt, %select_n3A_2101, %lt3A_2110 : i32
      %ne3A_2112 = vector.broadcast %lt3A_2111 : i1 to vector<16xi1>
      %ne3A_2113 = vector.broadcast %ne3A_2112 : vector<16xi1> to vector<16xi1>
      %ne3A_2114 = arith.xori %lt3A_2109, %ne3A_2113 : vector<16xi1>
      %and3A_2115 = arith.andi %ne3A_2114, %ne3A_2106 : vector<16xi1>
      %add3A_2116 = vector.broadcast %select_n3A_2101 : i32 to vector<16xi32>
      %add3A_2117 = arith.addi %rem3A_2103, %add3A_2116 : vector<16xi32>
      %select_n3A_2118 = arith.select %and3A_2115, %add3A_2117, %rem3A_2103 : vector<16xi1>, vector<16xi32>
      tpu.vector_store_idx %arg5[%select_n3A_2096, %select_n3A_2118], %get3A_2063 : memref<224x128xi32, #tpu.memory_space<vmem>>[vector<16xi32>, vector<16xi32>], vector<16xi32>,
      %add3A_2119 = arith.constant 34 : i32
      %add3A_2120 = arith.addi %mul3A_1932, %add3A_2119 : i32
      %get3A_2121 = arith.constant 6 : i32
      %get3A_2122 = arith.index_cast %scan3A_11 : i32 to index
      %get3A_2123 = arith.index_cast %get3A_2121 : i32 to index
      %get3A_2124 = arith.constant 34 : index
      %get3A_2125 = tpu.vector_load %arg4[%get3A_2122, %get3A_2123, %get3A_2124] {strides = array<i32>} : memref<64x8x50xi32, #tpu.memory_space<vmem>>, vector<16xi32>,
      %ge3A_2126 = arith.constant 14 : i32
      %ge3A_2127 = vector.broadcast %ge3A_2126 : i32 to vector<16xi32>
      %ge3A_2128 = arith.cmpi sge, %iota3A, %ge3A_2127 : vector<16xi32>
      %add3A_2129 = vector.broadcast %add3A_2120 : i32 to vector<16xi32>
      %add3A_2130 = arith.addi %iota3A, %add3A_2129 : vector<16xi32>
      %jit3A_2131 = arith.constant 128 : i32
      %div3A_2132 = vector.broadcast %jit3A_2131 : i32 to vector<16xi32>
      %div3A_2133 = arith.divsi %add3A_2130, %div3A_2132 : vector<16xi32>
      %sign3A_2134 = arith.constant 0 : i32
      %sign3A_2135 = vector.broadcast %sign3A_2134 : i32 to vector<16xi32>
      %sign3A_2136 = arith.cmpi sgt, %add3A_2130, %sign3A_2135 : vector<16xi32>
      %sign3A_2137 = arith.extui %sign3A_2136 : vector<16xi1> to vector<16xi32>
      %sign3A_2138 = arith.constant 0 : i32
      %sign3A_2139 = vector.broadcast %sign3A_2138 : i32 to vector<16xi32>
      %sign3A_2140 = arith.cmpi slt, %add3A_2130, %sign3A_2139 : vector<16xi32>
      %sign3A_2141 = arith.extui %sign3A_2140 : vector<16xi1> to vector<16xi32>
      %sign3A_2142 = arith.subi %sign3A_2137, %sign3A_2141 : vector<16xi32>
      %sign3A_2143 = arith.constant 0 : i32
      %sign3A_2144 = arith.cmpi sgt, %jit3A_2131, %sign3A_2143 : i32
      %sign3A_2145 = arith.extui %sign3A_2144 : i1 to i32
      %sign3A_2146 = arith.constant 0 : i32
      %sign3A_2147 = arith.cmpi slt, %jit3A_2131, %sign3A_2146 : i32
      %sign3A_2148 = arith.extui %sign3A_2147 : i1 to i32
      %sign3A_2149 = arith.subi %sign3A_2145, %sign3A_2148 : i32
      %ne3A_2150 = vector.broadcast %sign3A_2149 : i32 to vector<16xi32>
      %ne3A_2151 = arith.cmpi ne, %sign3A_2142, %ne3A_2150 : vector<16xi32>
      %rem3A_2152 = vector.broadcast %jit3A_2131 : i32 to vector<16xi32>
      %rem3A_2153 = arith.remsi %add3A_2130, %rem3A_2152 : vector<16xi32>
      %ne3A_2154 = arith.constant 0 : i32
      %ne3A_2155 = vector.broadcast %ne3A_2154 : i32 to vector<16xi32>
      %ne3A_2156 = arith.cmpi ne, %rem3A_2153, %ne3A_2155 : vector<16xi32>
      %and3A_2157 = arith.andi %ne3A_2151, %ne3A_2156 : vector<16xi1>
      %sub3A_2158 = arith.constant 1 : i32
      %sub3A_2159 = vector.broadcast %sub3A_2158 : i32 to vector<16xi32>
      %sub3A_2160 = arith.subi %div3A_2133, %sub3A_2159 : vector<16xi32>
      %select_n3A_2161 = arith.select %and3A_2157, %sub3A_2160, %div3A_2133 : vector<16xi1>, vector<16xi32>
      %jit3A_2162 = arith.constant 128 : i32
      %eq3A_2163 = arith.constant 0 : i32
      %eq3A_2164 = arith.cmpi eq, %jit3A_2162, %eq3A_2163 : i32
      %jit3A_2165 = arith.constant 1 : i32
      %select_n3A_2166 = arith.select %eq3A_2164, %jit3A_2165, %jit3A_2162 : i32
      %rem3A_2167 = vector.broadcast %select_n3A_2166 : i32 to vector<16xi32>
      %rem3A_2168 = arith.remsi %add3A_2130, %rem3A_2167 : vector<16xi32>
      %ne3A_2169 = arith.constant 0 : i32
      %ne3A_2170 = vector.broadcast %ne3A_2169 : i32 to vector<16xi32>
      %ne3A_2171 = arith.cmpi ne, %rem3A_2168, %ne3A_2170 : vector<16xi32>
      %lt3A_2172 = arith.constant 0 : i32
      %lt3A_2173 = vector.broadcast %lt3A_2172 : i32 to vector<16xi32>
      %lt3A_2174 = arith.cmpi slt, %rem3A_2168, %lt3A_2173 : vector<16xi32>
      %lt3A_2175 = arith.constant 0 : i32
      %lt3A_2176 = arith.cmpi slt, %select_n3A_2166, %lt3A_2175 : i32
      %ne3A_2177 = vector.broadcast %lt3A_2176 : i1 to vector<16xi1>
      %ne3A_2178 = vector.broadcast %ne3A_2177 : vector<16xi1> to vector<16xi1>
      %ne3A_2179 = arith.xori %lt3A_2174, %ne3A_2178 : vector<16xi1>
      %and3A_2180 = arith.andi %ne3A_2179, %ne3A_2171 : vector<16xi1>
      %add3A_2181 = vector.broadcast %select_n3A_2166 : i32 to vector<16xi32>
      %add3A_2182 = arith.addi %rem3A_2168, %add3A_2181 : vector<16xi32>
      %select_n3A_2183 = arith.select %and3A_2180, %add3A_2182, %rem3A_2168 : vector<16xi1>, vector<16xi32>
      tpu.vector_store_idx %arg5[%select_n3A_2161, %select_n3A_2183], %get3A_2125 masked %ge3A_2128 : memref<224x128xi32, #tpu.memory_space<vmem>>[vector<16xi32>, vector<16xi32>], vector<16xi32>, vector<16xi1>
      %add3A_2184 = arith.constant 50 : i32
      %add3A_2185 = arith.addi %mul3A_1932, %add3A_2184 : i32
      %add3A_2186 = arith.constant 50 : i32
      %add3A_2187 = arith.addi %mul3A_1932, %add3A_2186 : i32
      %add3A_2188 = vector.broadcast %add3A_2187 : i32 to vector<16xi32>
      %add3A_2189 = arith.addi %iota3A, %add3A_2188 : vector<16xi32>
      %lt3A_2190 = arith.constant 6 : i32
      %lt3A_2191 = vector.broadcast %lt3A_2190 : i32 to vector<16xi32>
      %lt3A_2192 = arith.cmpi slt, %iota3A, %lt3A_2191 : vector<16xi32>
      %add3A_2193 = vector.broadcast %add3A_2185 : i32 to vector<16xi32>
      %add3A_2194 = arith.addi %iota3A, %add3A_2193 : vector<16xi32>
      %jit3A_2195 = arith.constant 128 : i32
      %div3A_2196 = vector.broadcast %jit3A_2195 : i32 to vector<16xi32>
      %div3A_2197 = arith.divsi %add3A_2194, %div3A_2196 : vector<16xi32>
      %sign3A_2198 = arith.constant 0 : i32
      %sign3A_2199 = vector.broadcast %sign3A_2198 : i32 to vector<16xi32>
      %sign3A_2200 = arith.cmpi sgt, %add3A_2194, %sign3A_2199 : vector<16xi32>
      %sign3A_2201 = arith.extui %sign3A_2200 : vector<16xi1> to vector<16xi32>
      %sign3A_2202 = arith.constant 0 : i32
      %sign3A_2203 = vector.broadcast %sign3A_2202 : i32 to vector<16xi32>
      %sign3A_2204 = arith.cmpi slt, %add3A_2194, %sign3A_2203 : vector<16xi32>
      %sign3A_2205 = arith.extui %sign3A_2204 : vector<16xi1> to vector<16xi32>
      %sign3A_2206 = arith.subi %sign3A_2201, %sign3A_2205 : vector<16xi32>
      %sign3A_2207 = arith.constant 0 : i32
      %sign3A_2208 = arith.cmpi sgt, %jit3A_2195, %sign3A_2207 : i32
      %sign3A_2209 = arith.extui %sign3A_2208 : i1 to i32
      %sign3A_2210 = arith.constant 0 : i32
      %sign3A_2211 = arith.cmpi slt, %jit3A_2195, %sign3A_2210 : i32
      %sign3A_2212 = arith.extui %sign3A_2211 : i1 to i32
      %sign3A_2213 = arith.subi %sign3A_2209, %sign3A_2212 : i32
      %ne3A_2214 = vector.broadcast %sign3A_2213 : i32 to vector<16xi32>
      %ne3A_2215 = arith.cmpi ne, %sign3A_2206, %ne3A_2214 : vector<16xi32>
      %rem3A_2216 = vector.broadcast %jit3A_2195 : i32 to vector<16xi32>
      %rem3A_2217 = arith.remsi %add3A_2194, %rem3A_2216 : vector<16xi32>
      %ne3A_2218 = arith.constant 0 : i32
      %ne3A_2219 = vector.broadcast %ne3A_2218 : i32 to vector<16xi32>
      %ne3A_2220 = arith.cmpi ne, %rem3A_2217, %ne3A_2219 : vector<16xi32>
      %and3A_2221 = arith.andi %ne3A_2215, %ne3A_2220 : vector<16xi1>
      %sub3A_2222 = arith.constant 1 : i32
      %sub3A_2223 = vector.broadcast %sub3A_2222 : i32 to vector<16xi32>
      %sub3A_2224 = arith.subi %div3A_2197, %sub3A_2223 : vector<16xi32>
      %select_n3A_2225 = arith.select %and3A_2221, %sub3A_2224, %div3A_2197 : vector<16xi1>, vector<16xi32>
      %jit3A_2226 = arith.constant 128 : i32
      %eq3A_2227 = arith.constant 0 : i32
      %eq3A_2228 = arith.cmpi eq, %jit3A_2226, %eq3A_2227 : i32
      %jit3A_2229 = arith.constant 1 : i32
      %select_n3A_2230 = arith.select %eq3A_2228, %jit3A_2229, %jit3A_2226 : i32
      %rem3A_2231 = vector.broadcast %select_n3A_2230 : i32 to vector<16xi32>
      %rem3A_2232 = arith.remsi %add3A_2194, %rem3A_2231 : vector<16xi32>
      %ne3A_2233 = arith.constant 0 : i32
      %ne3A_2234 = vector.broadcast %ne3A_2233 : i32 to vector<16xi32>
      %ne3A_2235 = arith.cmpi ne, %rem3A_2232, %ne3A_2234 : vector<16xi32>
      %lt3A_2236 = arith.constant 0 : i32
      %lt3A_2237 = vector.broadcast %lt3A_2236 : i32 to vector<16xi32>
      %lt3A_2238 = arith.cmpi slt, %rem3A_2232, %lt3A_2237 : vector<16xi32>
      %lt3A_2239 = arith.constant 0 : i32
      %lt3A_2240 = arith.cmpi slt, %select_n3A_2230, %lt3A_2239 : i32
      %ne3A_2241 = vector.broadcast %lt3A_2240 : i1 to vector<16xi1>
      %ne3A_2242 = vector.broadcast %ne3A_2241 : vector<16xi1> to vector<16xi1>
      %ne3A_2243 = arith.xori %lt3A_2238, %ne3A_2242 : vector<16xi1>
      %and3A_2244 = arith.andi %ne3A_2243, %ne3A_2235 : vector<16xi1>
      %add3A_2245 = vector.broadcast %select_n3A_2230 : i32 to vector<16xi32>
      %add3A_2246 = arith.addi %rem3A_2232, %add3A_2245 : vector<16xi32>
      %select_n3A_2247 = arith.select %and3A_2244, %add3A_2246, %rem3A_2232 : vector<16xi1>, vector<16xi32>
      tpu.vector_store_idx %arg5[%select_n3A_2225, %select_n3A_2247], %add3A_2189 masked %lt3A_2192 : memref<224x128xi32, #tpu.memory_space<vmem>>[vector<16xi32>, vector<16xi32>], vector<16xi32>, vector<16xi1>
      %mul3A_2248 = arith.constant 8 : i32
      %mul3A_2249 = arith.muli %scan3A_11, %mul3A_2248 : i32
      %add3A_2250 = arith.constant 7 : i32
      %add3A_2251 = arith.addi %mul3A_2249, %add3A_2250 : i32
      %mul3A_2252 = arith.constant 56 : i32
      %mul3A_2253 = arith.muli %add3A_2251, %mul3A_2252 : i32
      %add3A_2254 = arith.constant 0 : i32
      %add3A_2255 = arith.addi %mul3A_2253, %add3A_2254 : i32
      %get3A_2256 = arith.constant 7 : i32
      %get3A_2257 = arith.index_cast %scan3A_11 : i32 to index
      %get3A_2258 = arith.index_cast %get3A_2256 : i32 to index
      %get3A_2259 = arith.constant 0 : index
      %get3A_2260 = tpu.vector_load %arg4[%get3A_2257, %get3A_2258, %get3A_2259] {strides = array<i32>} : memref<64x8x50xi32, #tpu.memory_space<vmem>>, vector<16xi32>,
      %add3A_2261 = vector.broadcast %add3A_2255 : i32 to vector<16xi32>
      %add3A_2262 = arith.addi %iota3A, %add3A_2261 : vector<16xi32>
      %jit3A_2263 = arith.constant 128 : i32
      %div3A_2264 = vector.broadcast %jit3A_2263 : i32 to vector<16xi32>
      %div3A_2265 = arith.divsi %add3A_2262, %div3A_2264 : vector<16xi32>
      %sign3A_2266 = arith.constant 0 : i32
      %sign3A_2267 = vector.broadcast %sign3A_2266 : i32 to vector<16xi32>
      %sign3A_2268 = arith.cmpi sgt, %add3A_2262, %sign3A_2267 : vector<16xi32>
      %sign3A_2269 = arith.extui %sign3A_2268 : vector<16xi1> to vector<16xi32>
      %sign3A_2270 = arith.constant 0 : i32
      %sign3A_2271 = vector.broadcast %sign3A_2270 : i32 to vector<16xi32>
      %sign3A_2272 = arith.cmpi slt, %add3A_2262, %sign3A_2271 : vector<16xi32>
      %sign3A_2273 = arith.extui %sign3A_2272 : vector<16xi1> to vector<16xi32>
      %sign3A_2274 = arith.subi %sign3A_2269, %sign3A_2273 : vector<16xi32>
      %sign3A_2275 = arith.constant 0 : i32
      %sign3A_2276 = arith.cmpi sgt, %jit3A_2263, %sign3A_2275 : i32
      %sign3A_2277 = arith.extui %sign3A_2276 : i1 to i32
      %sign3A_2278 = arith.constant 0 : i32
      %sign3A_2279 = arith.cmpi slt, %jit3A_2263, %sign3A_2278 : i32
      %sign3A_2280 = arith.extui %sign3A_2279 : i1 to i32
      %sign3A_2281 = arith.subi %sign3A_2277, %sign3A_2280 : i32
      %ne3A_2282 = vector.broadcast %sign3A_2281 : i32 to vector<16xi32>
      %ne3A_2283 = arith.cmpi ne, %sign3A_2274, %ne3A_2282 : vector<16xi32>
      %rem3A_2284 = vector.broadcast %jit3A_2263 : i32 to vector<16xi32>
      %rem3A_2285 = arith.remsi %add3A_2262, %rem3A_2284 : vector<16xi32>
      %ne3A_2286 = arith.constant 0 : i32
      %ne3A_2287 = vector.broadcast %ne3A_2286 : i32 to vector<16xi32>
      %ne3A_2288 = arith.cmpi ne, %rem3A_2285, %ne3A_2287 : vector<16xi32>
      %and3A_2289 = arith.andi %ne3A_2283, %ne3A_2288 : vector<16xi1>
      %sub3A_2290 = arith.constant 1 : i32
      %sub3A_2291 = vector.broadcast %sub3A_2290 : i32 to vector<16xi32>
      %sub3A_2292 = arith.subi %div3A_2265, %sub3A_2291 : vector<16xi32>
      %select_n3A_2293 = arith.select %and3A_2289, %sub3A_2292, %div3A_2265 : vector<16xi1>, vector<16xi32>
      %jit3A_2294 = arith.constant 128 : i32
      %eq3A_2295 = arith.constant 0 : i32
      %eq3A_2296 = arith.cmpi eq, %jit3A_2294, %eq3A_2295 : i32
      %jit3A_2297 = arith.constant 1 : i32
      %select_n3A_2298 = arith.select %eq3A_2296, %jit3A_2297, %jit3A_2294 : i32
      %rem3A_2299 = vector.broadcast %select_n3A_2298 : i32 to vector<16xi32>
      %rem3A_2300 = arith.remsi %add3A_2262, %rem3A_2299 : vector<16xi32>
      %ne3A_2301 = arith.constant 0 : i32
      %ne3A_2302 = vector.broadcast %ne3A_2301 : i32 to vector<16xi32>
      %ne3A_2303 = arith.cmpi ne, %rem3A_2300, %ne3A_2302 : vector<16xi32>
      %lt3A_2304 = arith.constant 0 : i32
      %lt3A_2305 = vector.broadcast %lt3A_2304 : i32 to vector<16xi32>
      %lt3A_2306 = arith.cmpi slt, %rem3A_2300, %lt3A_2305 : vector<16xi32>
      %lt3A_2307 = arith.constant 0 : i32
      %lt3A_2308 = arith.cmpi slt, %select_n3A_2298, %lt3A_2307 : i32
      %ne3A_2309 = vector.broadcast %lt3A_2308 : i1 to vector<16xi1>
      %ne3A_2310 = vector.broadcast %ne3A_2309 : vector<16xi1> to vector<16xi1>
      %ne3A_2311 = arith.xori %lt3A_2306, %ne3A_2310 : vector<16xi1>
      %and3A_2312 = arith.andi %ne3A_2311, %ne3A_2303 : vector<16xi1>
      %add3A_2313 = vector.broadcast %select_n3A_2298 : i32 to vector<16xi32>
      %add3A_2314 = arith.addi %rem3A_2300, %add3A_2313 : vector<16xi32>
      %select_n3A_2315 = arith.select %and3A_2312, %add3A_2314, %rem3A_2300 : vector<16xi1>, vector<16xi32>
      tpu.vector_store_idx %arg5[%select_n3A_2293, %select_n3A_2315], %get3A_2260 : memref<224x128xi32, #tpu.memory_space<vmem>>[vector<16xi32>, vector<16xi32>], vector<16xi32>,
      %add3A_2316 = arith.constant 16 : i32
      %add3A_2317 = arith.addi %mul3A_2253, %add3A_2316 : i32
      %get3A_2318 = arith.constant 7 : i32
      %get3A_2319 = arith.index_cast %scan3A_11 : i32 to index
      %get3A_2320 = arith.index_cast %get3A_2318 : i32 to index
      %get3A_2321 = arith.constant 16 : index
      %get3A_2322 = tpu.vector_load %arg4[%get3A_2319, %get3A_2320, %get3A_2321] {strides = array<i32>} : memref<64x8x50xi32, #tpu.memory_space<vmem>>, vector<16xi32>,
      %add3A_2323 = vector.broadcast %add3A_2317 : i32 to vector<16xi32>
      %add3A_2324 = arith.addi %iota3A, %add3A_2323 : vector<16xi32>
      %jit3A_2325 = arith.constant 128 : i32
      %div3A_2326 = vector.broadcast %jit3A_2325 : i32 to vector<16xi32>
      %div3A_2327 = arith.divsi %add3A_2324, %div3A_2326 : vector<16xi32>
      %sign3A_2328 = arith.constant 0 : i32
      %sign3A_2329 = vector.broadcast %sign3A_2328 : i32 to vector<16xi32>
      %sign3A_2330 = arith.cmpi sgt, %add3A_2324, %sign3A_2329 : vector<16xi32>
      %sign3A_2331 = arith.extui %sign3A_2330 : vector<16xi1> to vector<16xi32>
      %sign3A_2332 = arith.constant 0 : i32
      %sign3A_2333 = vector.broadcast %sign3A_2332 : i32 to vector<16xi32>
      %sign3A_2334 = arith.cmpi slt, %add3A_2324, %sign3A_2333 : vector<16xi32>
      %sign3A_2335 = arith.extui %sign3A_2334 : vector<16xi1> to vector<16xi32>
      %sign3A_2336 = arith.subi %sign3A_2331, %sign3A_2335 : vector<16xi32>
      %sign3A_2337 = arith.constant 0 : i32
      %sign3A_2338 = arith.cmpi sgt, %jit3A_2325, %sign3A_2337 : i32
      %sign3A_2339 = arith.extui %sign3A_2338 : i1 to i32
      %sign3A_2340 = arith.constant 0 : i32
      %sign3A_2341 = arith.cmpi slt, %jit3A_2325, %sign3A_2340 : i32
      %sign3A_2342 = arith.extui %sign3A_2341 : i1 to i32
      %sign3A_2343 = arith.subi %sign3A_2339, %sign3A_2342 : i32
      %ne3A_2344 = vector.broadcast %sign3A_2343 : i32 to vector<16xi32>
      %ne3A_2345 = arith.cmpi ne, %sign3A_2336, %ne3A_2344 : vector<16xi32>
      %rem3A_2346 = vector.broadcast %jit3A_2325 : i32 to vector<16xi32>
      %rem3A_2347 = arith.remsi %add3A_2324, %rem3A_2346 : vector<16xi32>
      %ne3A_2348 = arith.constant 0 : i32
      %ne3A_2349 = vector.broadcast %ne3A_2348 : i32 to vector<16xi32>
      %ne3A_2350 = arith.cmpi ne, %rem3A_2347, %ne3A_2349 : vector<16xi32>
      %and3A_2351 = arith.andi %ne3A_2345, %ne3A_2350 : vector<16xi1>
      %sub3A_2352 = arith.constant 1 : i32
      %sub3A_2353 = vector.broadcast %sub3A_2352 : i32 to vector<16xi32>
      %sub3A_2354 = arith.subi %div3A_2327, %sub3A_2353 : vector<16xi32>
      %select_n3A_2355 = arith.select %and3A_2351, %sub3A_2354, %div3A_2327 : vector<16xi1>, vector<16xi32>
      %jit3A_2356 = arith.constant 128 : i32
      %eq3A_2357 = arith.constant 0 : i32
      %eq3A_2358 = arith.cmpi eq, %jit3A_2356, %eq3A_2357 : i32
      %jit3A_2359 = arith.constant 1 : i32
      %select_n3A_2360 = arith.select %eq3A_2358, %jit3A_2359, %jit3A_2356 : i32
      %rem3A_2361 = vector.broadcast %select_n3A_2360 : i32 to vector<16xi32>
      %rem3A_2362 = arith.remsi %add3A_2324, %rem3A_2361 : vector<16xi32>
      %ne3A_2363 = arith.constant 0 : i32
      %ne3A_2364 = vector.broadcast %ne3A_2363 : i32 to vector<16xi32>
      %ne3A_2365 = arith.cmpi ne, %rem3A_2362, %ne3A_2364 : vector<16xi32>
      %lt3A_2366 = arith.constant 0 : i32
      %lt3A_2367 = vector.broadcast %lt3A_2366 : i32 to vector<16xi32>
      %lt3A_2368 = arith.cmpi slt, %rem3A_2362, %lt3A_2367 : vector<16xi32>
      %lt3A_2369 = arith.constant 0 : i32
      %lt3A_2370 = arith.cmpi slt, %select_n3A_2360, %lt3A_2369 : i32
      %ne3A_2371 = vector.broadcast %lt3A_2370 : i1 to vector<16xi1>
      %ne3A_2372 = vector.broadcast %ne3A_2371 : vector<16xi1> to vector<16xi1>
      %ne3A_2373 = arith.xori %lt3A_2368, %ne3A_2372 : vector<16xi1>
      %and3A_2374 = arith.andi %ne3A_2373, %ne3A_2365 : vector<16xi1>
      %add3A_2375 = vector.broadcast %select_n3A_2360 : i32 to vector<16xi32>
      %add3A_2376 = arith.addi %rem3A_2362, %add3A_2375 : vector<16xi32>
      %select_n3A_2377 = arith.select %and3A_2374, %add3A_2376, %rem3A_2362 : vector<16xi1>, vector<16xi32>
      tpu.vector_store_idx %arg5[%select_n3A_2355, %select_n3A_2377], %get3A_2322 : memref<224x128xi32, #tpu.memory_space<vmem>>[vector<16xi32>, vector<16xi32>], vector<16xi32>,
      %add3A_2378 = arith.constant 32 : i32
      %add3A_2379 = arith.addi %mul3A_2253, %add3A_2378 : i32
      %get3A_2380 = arith.constant 7 : i32
      %get3A_2381 = arith.index_cast %scan3A_11 : i32 to index
      %get3A_2382 = arith.index_cast %get3A_2380 : i32 to index
      %get3A_2383 = arith.constant 32 : index
      %get3A_2384 = tpu.vector_load %arg4[%get3A_2381, %get3A_2382, %get3A_2383] {strides = array<i32>} : memref<64x8x50xi32, #tpu.memory_space<vmem>>, vector<16xi32>,
      %add3A_2385 = vector.broadcast %add3A_2379 : i32 to vector<16xi32>
      %add3A_2386 = arith.addi %iota3A, %add3A_2385 : vector<16xi32>
      %jit3A_2387 = arith.constant 128 : i32
      %div3A_2388 = vector.broadcast %jit3A_2387 : i32 to vector<16xi32>
      %div3A_2389 = arith.divsi %add3A_2386, %div3A_2388 : vector<16xi32>
      %sign3A_2390 = arith.constant 0 : i32
      %sign3A_2391 = vector.broadcast %sign3A_2390 : i32 to vector<16xi32>
      %sign3A_2392 = arith.cmpi sgt, %add3A_2386, %sign3A_2391 : vector<16xi32>
      %sign3A_2393 = arith.extui %sign3A_2392 : vector<16xi1> to vector<16xi32>
      %sign3A_2394 = arith.constant 0 : i32
      %sign3A_2395 = vector.broadcast %sign3A_2394 : i32 to vector<16xi32>
      %sign3A_2396 = arith.cmpi slt, %add3A_2386, %sign3A_2395 : vector<16xi32>
      %sign3A_2397 = arith.extui %sign3A_2396 : vector<16xi1> to vector<16xi32>
      %sign3A_2398 = arith.subi %sign3A_2393, %sign3A_2397 : vector<16xi32>
      %sign3A_2399 = arith.constant 0 : i32
      %sign3A_2400 = arith.cmpi sgt, %jit3A_2387, %sign3A_2399 : i32
      %sign3A_2401 = arith.extui %sign3A_2400 : i1 to i32
      %sign3A_2402 = arith.constant 0 : i32
      %sign3A_2403 = arith.cmpi slt, %jit3A_2387, %sign3A_2402 : i32
      %sign3A_2404 = arith.extui %sign3A_2403 : i1 to i32
      %sign3A_2405 = arith.subi %sign3A_2401, %sign3A_2404 : i32
      %ne3A_2406 = vector.broadcast %sign3A_2405 : i32 to vector<16xi32>
      %ne3A_2407 = arith.cmpi ne, %sign3A_2398, %ne3A_2406 : vector<16xi32>
      %rem3A_2408 = vector.broadcast %jit3A_2387 : i32 to vector<16xi32>
      %rem3A_2409 = arith.remsi %add3A_2386, %rem3A_2408 : vector<16xi32>
      %ne3A_2410 = arith.constant 0 : i32
      %ne3A_2411 = vector.broadcast %ne3A_2410 : i32 to vector<16xi32>
      %ne3A_2412 = arith.cmpi ne, %rem3A_2409, %ne3A_2411 : vector<16xi32>
      %and3A_2413 = arith.andi %ne3A_2407, %ne3A_2412 : vector<16xi1>
      %sub3A_2414 = arith.constant 1 : i32
      %sub3A_2415 = vector.broadcast %sub3A_2414 : i32 to vector<16xi32>
      %sub3A_2416 = arith.subi %div3A_2389, %sub3A_2415 : vector<16xi32>
      %select_n3A_2417 = arith.select %and3A_2413, %sub3A_2416, %div3A_2389 : vector<16xi1>, vector<16xi32>
      %jit3A_2418 = arith.constant 128 : i32
      %eq3A_2419 = arith.constant 0 : i32
      %eq3A_2420 = arith.cmpi eq, %jit3A_2418, %eq3A_2419 : i32
      %jit3A_2421 = arith.constant 1 : i32
      %select_n3A_2422 = arith.select %eq3A_2420, %jit3A_2421, %jit3A_2418 : i32
      %rem3A_2423 = vector.broadcast %select_n3A_2422 : i32 to vector<16xi32>
      %rem3A_2424 = arith.remsi %add3A_2386, %rem3A_2423 : vector<16xi32>
      %ne3A_2425 = arith.constant 0 : i32
      %ne3A_2426 = vector.broadcast %ne3A_2425 : i32 to vector<16xi32>
      %ne3A_2427 = arith.cmpi ne, %rem3A_2424, %ne3A_2426 : vector<16xi32>
      %lt3A_2428 = arith.constant 0 : i32
      %lt3A_2429 = vector.broadcast %lt3A_2428 : i32 to vector<16xi32>
      %lt3A_2430 = arith.cmpi slt, %rem3A_2424, %lt3A_2429 : vector<16xi32>
      %lt3A_2431 = arith.constant 0 : i32
      %lt3A_2432 = arith.cmpi slt, %select_n3A_2422, %lt3A_2431 : i32
      %ne3A_2433 = vector.broadcast %lt3A_2432 : i1 to vector<16xi1>
      %ne3A_2434 = vector.broadcast %ne3A_2433 : vector<16xi1> to vector<16xi1>
      %ne3A_2435 = arith.xori %lt3A_2430, %ne3A_2434 : vector<16xi1>
      %and3A_2436 = arith.andi %ne3A_2435, %ne3A_2427 : vector<16xi1>
      %add3A_2437 = vector.broadcast %select_n3A_2422 : i32 to vector<16xi32>
      %add3A_2438 = arith.addi %rem3A_2424, %add3A_2437 : vector<16xi32>
      %select_n3A_2439 = arith.select %and3A_2436, %add3A_2438, %rem3A_2424 : vector<16xi1>, vector<16xi32>
      tpu.vector_store_idx %arg5[%select_n3A_2417, %select_n3A_2439], %get3A_2384 : memref<224x128xi32, #tpu.memory_space<vmem>>[vector<16xi32>, vector<16xi32>], vector<16xi32>,
      %add3A_2440 = arith.constant 34 : i32
      %add3A_2441 = arith.addi %mul3A_2253, %add3A_2440 : i32
      %get3A_2442 = arith.constant 7 : i32
      %get3A_2443 = arith.index_cast %scan3A_11 : i32 to index
      %get3A_2444 = arith.index_cast %get3A_2442 : i32 to index
      %get3A_2445 = arith.constant 34 : index
      %get3A_2446 = tpu.vector_load %arg4[%get3A_2443, %get3A_2444, %get3A_2445] {strides = array<i32>} : memref<64x8x50xi32, #tpu.memory_space<vmem>>, vector<16xi32>,
      %ge3A_2447 = arith.constant 14 : i32
      %ge3A_2448 = vector.broadcast %ge3A_2447 : i32 to vector<16xi32>
      %ge3A_2449 = arith.cmpi sge, %iota3A, %ge3A_2448 : vector<16xi32>
      %add3A_2450 = vector.broadcast %add3A_2441 : i32 to vector<16xi32>
      %add3A_2451 = arith.addi %iota3A, %add3A_2450 : vector<16xi32>
      %jit3A_2452 = arith.constant 128 : i32
      %div3A_2453 = vector.broadcast %jit3A_2452 : i32 to vector<16xi32>
      %div3A_2454 = arith.divsi %add3A_2451, %div3A_2453 : vector<16xi32>
      %sign3A_2455 = arith.constant 0 : i32
      %sign3A_2456 = vector.broadcast %sign3A_2455 : i32 to vector<16xi32>
      %sign3A_2457 = arith.cmpi sgt, %add3A_2451, %sign3A_2456 : vector<16xi32>
      %sign3A_2458 = arith.extui %sign3A_2457 : vector<16xi1> to vector<16xi32>
      %sign3A_2459 = arith.constant 0 : i32
      %sign3A_2460 = vector.broadcast %sign3A_2459 : i32 to vector<16xi32>
      %sign3A_2461 = arith.cmpi slt, %add3A_2451, %sign3A_2460 : vector<16xi32>
      %sign3A_2462 = arith.extui %sign3A_2461 : vector<16xi1> to vector<16xi32>
      %sign3A_2463 = arith.subi %sign3A_2458, %sign3A_2462 : vector<16xi32>
      %sign3A_2464 = arith.constant 0 : i32
      %sign3A_2465 = arith.cmpi sgt, %jit3A_2452, %sign3A_2464 : i32
      %sign3A_2466 = arith.extui %sign3A_2465 : i1 to i32
      %sign3A_2467 = arith.constant 0 : i32
      %sign3A_2468 = arith.cmpi slt, %jit3A_2452, %sign3A_2467 : i32
      %sign3A_2469 = arith.extui %sign3A_2468 : i1 to i32
      %sign3A_2470 = arith.subi %sign3A_2466, %sign3A_2469 : i32
      %ne3A_2471 = vector.broadcast %sign3A_2470 : i32 to vector<16xi32>
      %ne3A_2472 = arith.cmpi ne, %sign3A_2463, %ne3A_2471 : vector<16xi32>
      %rem3A_2473 = vector.broadcast %jit3A_2452 : i32 to vector<16xi32>
      %rem3A_2474 = arith.remsi %add3A_2451, %rem3A_2473 : vector<16xi32>
      %ne3A_2475 = arith.constant 0 : i32
      %ne3A_2476 = vector.broadcast %ne3A_2475 : i32 to vector<16xi32>
      %ne3A_2477 = arith.cmpi ne, %rem3A_2474, %ne3A_2476 : vector<16xi32>
      %and3A_2478 = arith.andi %ne3A_2472, %ne3A_2477 : vector<16xi1>
      %sub3A_2479 = arith.constant 1 : i32
      %sub3A_2480 = vector.broadcast %sub3A_2479 : i32 to vector<16xi32>
      %sub3A_2481 = arith.subi %div3A_2454, %sub3A_2480 : vector<16xi32>
      %select_n3A_2482 = arith.select %and3A_2478, %sub3A_2481, %div3A_2454 : vector<16xi1>, vector<16xi32>
      %jit3A_2483 = arith.constant 128 : i32
      %eq3A_2484 = arith.constant 0 : i32
      %eq3A_2485 = arith.cmpi eq, %jit3A_2483, %eq3A_2484 : i32
      %jit3A_2486 = arith.constant 1 : i32
      %select_n3A_2487 = arith.select %eq3A_2485, %jit3A_2486, %jit3A_2483 : i32
      %rem3A_2488 = vector.broadcast %select_n3A_2487 : i32 to vector<16xi32>
      %rem3A_2489 = arith.remsi %add3A_2451, %rem3A_2488 : vector<16xi32>
      %ne3A_2490 = arith.constant 0 : i32
      %ne3A_2491 = vector.broadcast %ne3A_2490 : i32 to vector<16xi32>
      %ne3A_2492 = arith.cmpi ne, %rem3A_2489, %ne3A_2491 : vector<16xi32>
      %lt3A_2493 = arith.constant 0 : i32
      %lt3A_2494 = vector.broadcast %lt3A_2493 : i32 to vector<16xi32>
      %lt3A_2495 = arith.cmpi slt, %rem3A_2489, %lt3A_2494 : vector<16xi32>
      %lt3A_2496 = arith.constant 0 : i32
      %lt3A_2497 = arith.cmpi slt, %select_n3A_2487, %lt3A_2496 : i32
      %ne3A_2498 = vector.broadcast %lt3A_2497 : i1 to vector<16xi1>
      %ne3A_2499 = vector.broadcast %ne3A_2498 : vector<16xi1> to vector<16xi1>
      %ne3A_2500 = arith.xori %lt3A_2495, %ne3A_2499 : vector<16xi1>
      %and3A_2501 = arith.andi %ne3A_2500, %ne3A_2492 : vector<16xi1>
      %add3A_2502 = vector.broadcast %select_n3A_2487 : i32 to vector<16xi32>
      %add3A_2503 = arith.addi %rem3A_2489, %add3A_2502 : vector<16xi32>
      %select_n3A_2504 = arith.select %and3A_2501, %add3A_2503, %rem3A_2489 : vector<16xi1>, vector<16xi32>
      tpu.vector_store_idx %arg5[%select_n3A_2482, %select_n3A_2504], %get3A_2446 masked %ge3A_2449 : memref<224x128xi32, #tpu.memory_space<vmem>>[vector<16xi32>, vector<16xi32>], vector<16xi32>, vector<16xi1>
      %add3A_2505 = arith.constant 50 : i32
      %add3A_2506 = arith.addi %mul3A_2253, %add3A_2505 : i32
      %add3A_2507 = arith.constant 50 : i32
      %add3A_2508 = arith.addi %mul3A_2253, %add3A_2507 : i32
      %add3A_2509 = vector.broadcast %add3A_2508 : i32 to vector<16xi32>
      %add3A_2510 = arith.addi %iota3A, %add3A_2509 : vector<16xi32>
      %lt3A_2511 = arith.constant 6 : i32
      %lt3A_2512 = vector.broadcast %lt3A_2511 : i32 to vector<16xi32>
      %lt3A_2513 = arith.cmpi slt, %iota3A, %lt3A_2512 : vector<16xi32>
      %add3A_2514 = vector.broadcast %add3A_2506 : i32 to vector<16xi32>
      %add3A_2515 = arith.addi %iota3A, %add3A_2514 : vector<16xi32>
      %jit3A_2516 = arith.constant 128 : i32
      %div3A_2517 = vector.broadcast %jit3A_2516 : i32 to vector<16xi32>
      %div3A_2518 = arith.divsi %add3A_2515, %div3A_2517 : vector<16xi32>
      %sign3A_2519 = arith.constant 0 : i32
      %sign3A_2520 = vector.broadcast %sign3A_2519 : i32 to vector<16xi32>
      %sign3A_2521 = arith.cmpi sgt, %add3A_2515, %sign3A_2520 : vector<16xi32>
      %sign3A_2522 = arith.extui %sign3A_2521 : vector<16xi1> to vector<16xi32>
      %sign3A_2523 = arith.constant 0 : i32
      %sign3A_2524 = vector.broadcast %sign3A_2523 : i32 to vector<16xi32>
      %sign3A_2525 = arith.cmpi slt, %add3A_2515, %sign3A_2524 : vector<16xi32>
      %sign3A_2526 = arith.extui %sign3A_2525 : vector<16xi1> to vector<16xi32>
      %sign3A_2527 = arith.subi %sign3A_2522, %sign3A_2526 : vector<16xi32>
      %sign3A_2528 = arith.constant 0 : i32
      %sign3A_2529 = arith.cmpi sgt, %jit3A_2516, %sign3A_2528 : i32
      %sign3A_2530 = arith.extui %sign3A_2529 : i1 to i32
      %sign3A_2531 = arith.constant 0 : i32
      %sign3A_2532 = arith.cmpi slt, %jit3A_2516, %sign3A_2531 : i32
      %sign3A_2533 = arith.extui %sign3A_2532 : i1 to i32
      %sign3A_2534 = arith.subi %sign3A_2530, %sign3A_2533 : i32
      %ne3A_2535 = vector.broadcast %sign3A_2534 : i32 to vector<16xi32>
      %ne3A_2536 = arith.cmpi ne, %sign3A_2527, %ne3A_2535 : vector<16xi32>
      %rem3A_2537 = vector.broadcast %jit3A_2516 : i32 to vector<16xi32>
      %rem3A_2538 = arith.remsi %add3A_2515, %rem3A_2537 : vector<16xi32>
      %ne3A_2539 = arith.constant 0 : i32
      %ne3A_2540 = vector.broadcast %ne3A_2539 : i32 to vector<16xi32>
      %ne3A_2541 = arith.cmpi ne, %rem3A_2538, %ne3A_2540 : vector<16xi32>
      %and3A_2542 = arith.andi %ne3A_2536, %ne3A_2541 : vector<16xi1>
      %sub3A_2543 = arith.constant 1 : i32
      %sub3A_2544 = vector.broadcast %sub3A_2543 : i32 to vector<16xi32>
      %sub3A_2545 = arith.subi %div3A_2518, %sub3A_2544 : vector<16xi32>
      %select_n3A_2546 = arith.select %and3A_2542, %sub3A_2545, %div3A_2518 : vector<16xi1>, vector<16xi32>
      %jit3A_2547 = arith.constant 128 : i32
      %eq3A_2548 = arith.constant 0 : i32
      %eq3A_2549 = arith.cmpi eq, %jit3A_2547, %eq3A_2548 : i32
      %jit3A_2550 = arith.constant 1 : i32
      %select_n3A_2551 = arith.select %eq3A_2549, %jit3A_2550, %jit3A_2547 : i32
      %rem3A_2552 = vector.broadcast %select_n3A_2551 : i32 to vector<16xi32>
      %rem3A_2553 = arith.remsi %add3A_2515, %rem3A_2552 : vector<16xi32>
      %ne3A_2554 = arith.constant 0 : i32
      %ne3A_2555 = vector.broadcast %ne3A_2554 : i32 to vector<16xi32>
      %ne3A_2556 = arith.cmpi ne, %rem3A_2553, %ne3A_2555 : vector<16xi32>
      %lt3A_2557 = arith.constant 0 : i32
      %lt3A_2558 = vector.broadcast %lt3A_2557 : i32 to vector<16xi32>
      %lt3A_2559 = arith.cmpi slt, %rem3A_2553, %lt3A_2558 : vector<16xi32>
      %lt3A_2560 = arith.constant 0 : i32
      %lt3A_2561 = arith.cmpi slt, %select_n3A_2551, %lt3A_2560 : i32
      %ne3A_2562 = vector.broadcast %lt3A_2561 : i1 to vector<16xi1>
      %ne3A_2563 = vector.broadcast %ne3A_2562 : vector<16xi1> to vector<16xi1>
      %ne3A_2564 = arith.xori %lt3A_2559, %ne3A_2563 : vector<16xi1>
      %and3A_2565 = arith.andi %ne3A_2564, %ne3A_2556 : vector<16xi1>
      %add3A_2566 = vector.broadcast %select_n3A_2551 : i32 to vector<16xi32>
      %add3A_2567 = arith.addi %rem3A_2553, %add3A_2566 : vector<16xi32>
      %select_n3A_2568 = arith.select %and3A_2565, %add3A_2567, %rem3A_2553 : vector<16xi1>, vector<16xi32>
      tpu.vector_store_idx %arg5[%select_n3A_2546, %select_n3A_2568], %add3A_2510 masked %lt3A_2513 : memref<224x128xi32, #tpu.memory_space<vmem>>[vector<16xi32>, vector<16xi32>], vector<16xi32>, vector<16xi1>
      %scan3A_2569 = arith.constant 0 : i32
      scf.yield %scan3A_2569 : i32
    }
    %scan3A_8 = arith.constant 64 : i32
    %mul3A_9 = arith.constant 224 : i32
    %mul3A_10 = arith.muli %add3A, %mul3A_9 : i32
    "tpu.region"() ({
      %run_scoped3A = tpu.sem_alloc : memref<!tpu.dma_semaphore, #tpu.memory_space<semaphore_mem>>
      %dma_start3A = arith.constant 0 : i32
      %dma_start3A_11 = tpu.memref_slice %arg3[%mul3A_10, %dma_start3A] : memref<7168x128xi32, #tpu.memory_space<hbm>> -> memref<224x128xi32, #tpu.memory_space<hbm>>
      %dma_start3A_12 = arith.constant 0 : i32
      %dma_start3A_13 = tpu.memref_slice %arg3[%mul3A_10, %dma_start3A_12] : memref<7168x128xi32, #tpu.memory_space<hbm>> -> memref<224x128xi32, #tpu.memory_space<hbm>>
      tpu.enqueue_dma source(%arg5 : memref<224x128xi32, #tpu.memory_space<vmem>>) target(%dma_start3A_13 : memref<224x128xi32, #tpu.memory_space<hbm>>) target_semaphore(%run_scoped3A : memref<!tpu.dma_semaphore, #tpu.memory_space<semaphore_mem>>)
      %dma_wait3A = arith.constant 0 : i32
      %dma_wait3A_14 = tpu.memref_slice %arg3[%mul3A_10, %dma_wait3A] : memref<7168x128xi32, #tpu.memory_space<hbm>> -> memref<224x128xi32, #tpu.memory_space<hbm>>
      %dma_wait3A_15 = arith.constant 0 : i32
      %dma_wait3A_16 = tpu.memref_slice %arg3[%mul3A_10, %dma_wait3A_15] : memref<7168x128xi32, #tpu.memory_space<hbm>> -> memref<224x128xi32, #tpu.memory_space<hbm>>
      tpu.wait_dma2 semaphore(%run_scoped3A : memref<!tpu.dma_semaphore, #tpu.memory_space<semaphore_mem>>) src(%arg5 : memref<224x128xi32, #tpu.memory_space<vmem>>) dst(%dma_wait3A_16 : memref<224x128xi32, #tpu.memory_space<hbm>>)
      tpu.yield
    }) : () -> ()
    return
  }
}

#map = affine_map<(d0, d1) -> (0, 0)>
module attributes {stable_mosaic.version = 14 : i64} {
  func.func @gather_kernel(%arg0: i32, %arg1: i32, %arg2: memref<7168x128xi32, #tpu.memory_space<hbm>>, %arg3: memref<1000000x128xf32, #tpu.memory_space<hbm>>, %arg4: memref<917504x128xf32, #tpu.memory_space<hbm>>, %arg5: memref<224x128xi32, #tpu.memory_space<vmem>>, %arg6: memref<128x128xf32, #tpu.memory_space<vmem>>, %arg7: memref<128x128xf32, #tpu.memory_space<vmem>>, %arg8: memref<128x128xf32, #tpu.memory_space<vmem>>, %arg9: memref<128x128xf32, #tpu.memory_space<vmem>>, %arg10: memref<!tpu.dma_semaphore, #tpu.memory_space<semaphore_mem>>, %arg11: memref<!tpu.dma_semaphore, #tpu.memory_space<semaphore_mem>>, %arg12: memref<!tpu.dma_semaphore, #tpu.memory_space<semaphore_mem>>, %arg13: memref<!tpu.dma_semaphore, #tpu.memory_space<semaphore_mem>>, %arg14: memref<!tpu.dma_semaphore, #tpu.memory_space<semaphore_mem>>, %arg15: memref<!tpu.dma_semaphore, #tpu.memory_space<semaphore_mem>>, %arg16: memref<!tpu.dma_semaphore, #tpu.memory_space<semaphore_mem>>, %arg17: memref<!tpu.dma_semaphore, #tpu.memory_space<semaphore_mem>>) attributes {dimension_semantics = [#tpu.dimension_semantics<core_parallel>, #tpu.dimension_semantics<subcore_parallel>], iteration_bounds = array<i64: 2, 16>, scalar_prefetch = 0 : i64, scratch_operands = 13 : i64, tpu.core_type = #tpu.core_type<sc_vector_subcore>, window_params = [{transform_indices = #map}, {transform_indices = #map}, {transform_indices = #map}]} {
    %mul3A = arith.constant 2 : i32
    %mul3A_0 = arith.muli %arg1, %mul3A : i32
    %add3A = arith.addi %mul3A_0, %arg0 : i32
    %mul3A_1 = arith.constant 224 : i32
    %mul3A_2 = arith.muli %add3A, %mul3A_1 : i32
    %mul3A_3 = arith.constant 128 : i32
    %mul3A_4 = arith.muli %mul3A_2, %mul3A_3 : i32
    %mul3A_5 = arith.constant 224 : i32
    %mul3A_6 = arith.muli %add3A, %mul3A_5 : i32
    "tpu.region"() ({
      %run_scoped3A = tpu.sem_alloc : memref<!tpu.dma_semaphore, #tpu.memory_space<semaphore_mem>>
      %dma_start3A_219 = arith.constant 0 : i32
      %dma_start3A_220 = tpu.memref_slice %arg2[%mul3A_6, %dma_start3A_219] : memref<7168x128xi32, #tpu.memory_space<hbm>> -> memref<224x128xi32, #tpu.memory_space<hbm>>
      %dma_start3A_221 = arith.constant 0 : i32
      %dma_start3A_222 = tpu.memref_slice %arg2[%mul3A_6, %dma_start3A_221] : memref<7168x128xi32, #tpu.memory_space<hbm>> -> memref<224x128xi32, #tpu.memory_space<hbm>>
      tpu.enqueue_dma source(%dma_start3A_222 : memref<224x128xi32, #tpu.memory_space<hbm>>) target(%arg5 : memref<224x128xi32, #tpu.memory_space<vmem>>) target_semaphore(%run_scoped3A : memref<!tpu.dma_semaphore, #tpu.memory_space<semaphore_mem>>)
      %dma_wait3A_223 = arith.constant 0 : i32
      %dma_wait3A_224 = tpu.memref_slice %arg2[%mul3A_6, %dma_wait3A_223] : memref<7168x128xi32, #tpu.memory_space<hbm>> -> memref<224x128xi32, #tpu.memory_space<hbm>>
      %dma_wait3A_225 = arith.constant 0 : i32
      %dma_wait3A_226 = tpu.memref_slice %arg2[%mul3A_6, %dma_wait3A_225] : memref<7168x128xi32, #tpu.memory_space<hbm>> -> memref<224x128xi32, #tpu.memory_space<hbm>>
      tpu.wait_dma2 semaphore(%run_scoped3A : memref<!tpu.dma_semaphore, #tpu.memory_space<semaphore_mem>>) src(%dma_wait3A_226 : memref<224x128xi32, #tpu.memory_space<hbm>>) dst(%arg5 : memref<224x128xi32, #tpu.memory_space<vmem>>)
      tpu.yield
    }) : () -> ()
    %dma_start3A = arith.constant 0 : i32
    %dma_start3A_7 = arith.constant 0 : i32
    %dma_start3A_8 = tpu.memref_slice %arg5[%dma_start3A, %dma_start3A_7] : memref<224x128xi32, #tpu.memory_space<vmem>> -> memref<1x128xi32, #tpu.memory_space<vmem>>
    %dma_start3A_9 = tpu.memref_squeeze %dma_start3A_8 : memref<1x128xi32, #tpu.memory_space<vmem>> -> memref<128xi32, #tpu.memory_space<vmem>>
    %dma_start3A_10 = arith.constant 0 : i32
    %dma_start3A_11 = arith.constant 0 : i32
    %dma_start3A_12 = tpu.memref_slice %arg3[%dma_start3A_10, %dma_start3A_11] : memref<1000000x128xf32, #tpu.memory_space<hbm>> -> memref<1000000x128xf32, #tpu.memory_space<hbm>>
    tpu.enqueue_indirect_dma source(%dma_start3A_12 : memref<1000000x128xf32, #tpu.memory_space<hbm>>) target(%arg6 : memref<128x128xf32, #tpu.memory_space<vmem>>) offsets(%dma_start3A_9 : memref<128xi32, #tpu.memory_space<vmem>>) semaphore(%arg10 : memref<!tpu.dma_semaphore, #tpu.memory_space<semaphore_mem>>)
    %dma_start3A_13 = arith.constant 1 : i32
    %dma_start3A_14 = arith.constant 0 : i32
    %dma_start3A_15 = tpu.memref_slice %arg5[%dma_start3A_13, %dma_start3A_14] : memref<224x128xi32, #tpu.memory_space<vmem>> -> memref<1x128xi32, #tpu.memory_space<vmem>>
    %dma_start3A_16 = tpu.memref_squeeze %dma_start3A_15 : memref<1x128xi32, #tpu.memory_space<vmem>> -> memref<128xi32, #tpu.memory_space<vmem>>
    %dma_start3A_17 = arith.constant 0 : i32
    %dma_start3A_18 = arith.constant 0 : i32
    %dma_start3A_19 = tpu.memref_slice %arg3[%dma_start3A_17, %dma_start3A_18] : memref<1000000x128xf32, #tpu.memory_space<hbm>> -> memref<1000000x128xf32, #tpu.memory_space<hbm>>
    tpu.enqueue_indirect_dma source(%dma_start3A_19 : memref<1000000x128xf32, #tpu.memory_space<hbm>>) target(%arg7 : memref<128x128xf32, #tpu.memory_space<vmem>>) offsets(%dma_start3A_16 : memref<128xi32, #tpu.memory_space<vmem>>) semaphore(%arg11 : memref<!tpu.dma_semaphore, #tpu.memory_space<semaphore_mem>>)
    %dma_wait3A = arith.constant 0 : i32
    %dma_wait3A_20 = arith.constant 0 : i32
    %dma_wait3A_21 = tpu.memref_slice %arg5[%dma_wait3A, %dma_wait3A_20] : memref<224x128xi32, #tpu.memory_space<vmem>> -> memref<1x128xi32, #tpu.memory_space<vmem>>
    %dma_wait3A_22 = tpu.memref_squeeze %dma_wait3A_21 : memref<1x128xi32, #tpu.memory_space<vmem>> -> memref<128xi32, #tpu.memory_space<vmem>>
    %dma_wait3A_23 = arith.constant 0 : i32
    %dma_wait3A_24 = arith.constant 0 : i32
    %dma_wait3A_25 = tpu.memref_slice %arg3[%dma_wait3A_23, %dma_wait3A_24] : memref<1000000x128xf32, #tpu.memory_space<hbm>> -> memref<1000000x128xf32, #tpu.memory_space<hbm>>
    tpu.wait_indirect_dma semaphore(%arg10 : memref<!tpu.dma_semaphore, #tpu.memory_space<semaphore_mem>>) src(%dma_wait3A_25 : memref<1000000x128xf32, #tpu.memory_space<hbm>>) dst(%arg6 : memref<128x128xf32, #tpu.memory_space<vmem>>)
    %add3A_26 = arith.constant 0 : i32
    %add3A_27 = arith.addi %mul3A_4, %add3A_26 : i32
    %dma_start3A_28 = arith.constant 0 : i32
    %dma_start3A_29 = tpu.memref_slice %arg4[%add3A_27, %dma_start3A_28] : memref<917504x128xf32, #tpu.memory_space<hbm>> -> memref<128x128xf32, #tpu.memory_space<hbm>>
    %dma_start3A_30 = arith.constant 0 : i32
    %dma_start3A_31 = tpu.memref_slice %arg4[%add3A_27, %dma_start3A_30] : memref<917504x128xf32, #tpu.memory_space<hbm>> -> memref<128x128xf32, #tpu.memory_space<hbm>>
    tpu.enqueue_dma source(%arg6 : memref<128x128xf32, #tpu.memory_space<vmem>>) target(%dma_start3A_31 : memref<128x128xf32, #tpu.memory_space<hbm>>) target_semaphore(%arg14 : memref<!tpu.dma_semaphore, #tpu.memory_space<semaphore_mem>>)
    %dma_start3A_32 = arith.constant 2 : i32
    %dma_start3A_33 = arith.constant 0 : i32
    %dma_start3A_34 = tpu.memref_slice %arg5[%dma_start3A_32, %dma_start3A_33] : memref<224x128xi32, #tpu.memory_space<vmem>> -> memref<1x128xi32, #tpu.memory_space<vmem>>
    %dma_start3A_35 = tpu.memref_squeeze %dma_start3A_34 : memref<1x128xi32, #tpu.memory_space<vmem>> -> memref<128xi32, #tpu.memory_space<vmem>>
    %dma_start3A_36 = arith.constant 0 : i32
    %dma_start3A_37 = arith.constant 0 : i32
    %dma_start3A_38 = tpu.memref_slice %arg3[%dma_start3A_36, %dma_start3A_37] : memref<1000000x128xf32, #tpu.memory_space<hbm>> -> memref<1000000x128xf32, #tpu.memory_space<hbm>>
    tpu.enqueue_indirect_dma source(%dma_start3A_38 : memref<1000000x128xf32, #tpu.memory_space<hbm>>) target(%arg8 : memref<128x128xf32, #tpu.memory_space<vmem>>) offsets(%dma_start3A_35 : memref<128xi32, #tpu.memory_space<vmem>>) semaphore(%arg12 : memref<!tpu.dma_semaphore, #tpu.memory_space<semaphore_mem>>)
    %dma_wait3A_39 = arith.constant 1 : i32
    %dma_wait3A_40 = arith.constant 0 : i32
    %dma_wait3A_41 = tpu.memref_slice %arg5[%dma_wait3A_39, %dma_wait3A_40] : memref<224x128xi32, #tpu.memory_space<vmem>> -> memref<1x128xi32, #tpu.memory_space<vmem>>
    %dma_wait3A_42 = tpu.memref_squeeze %dma_wait3A_41 : memref<1x128xi32, #tpu.memory_space<vmem>> -> memref<128xi32, #tpu.memory_space<vmem>>
    %dma_wait3A_43 = arith.constant 0 : i32
    %dma_wait3A_44 = arith.constant 0 : i32
    %dma_wait3A_45 = tpu.memref_slice %arg3[%dma_wait3A_43, %dma_wait3A_44] : memref<1000000x128xf32, #tpu.memory_space<hbm>> -> memref<1000000x128xf32, #tpu.memory_space<hbm>>
    tpu.wait_indirect_dma semaphore(%arg11 : memref<!tpu.dma_semaphore, #tpu.memory_space<semaphore_mem>>) src(%dma_wait3A_45 : memref<1000000x128xf32, #tpu.memory_space<hbm>>) dst(%arg7 : memref<128x128xf32, #tpu.memory_space<vmem>>)
    %add3A_46 = arith.constant 128 : i32
    %add3A_47 = arith.addi %mul3A_4, %add3A_46 : i32
    %dma_start3A_48 = arith.constant 0 : i32
    %dma_start3A_49 = tpu.memref_slice %arg4[%add3A_47, %dma_start3A_48] : memref<917504x128xf32, #tpu.memory_space<hbm>> -> memref<128x128xf32, #tpu.memory_space<hbm>>
    %dma_start3A_50 = arith.constant 0 : i32
    %dma_start3A_51 = tpu.memref_slice %arg4[%add3A_47, %dma_start3A_50] : memref<917504x128xf32, #tpu.memory_space<hbm>> -> memref<128x128xf32, #tpu.memory_space<hbm>>
    tpu.enqueue_dma source(%arg7 : memref<128x128xf32, #tpu.memory_space<vmem>>) target(%dma_start3A_51 : memref<128x128xf32, #tpu.memory_space<hbm>>) target_semaphore(%arg15 : memref<!tpu.dma_semaphore, #tpu.memory_space<semaphore_mem>>)
    %dma_start3A_52 = arith.constant 3 : i32
    %dma_start3A_53 = arith.constant 0 : i32
    %dma_start3A_54 = tpu.memref_slice %arg5[%dma_start3A_52, %dma_start3A_53] : memref<224x128xi32, #tpu.memory_space<vmem>> -> memref<1x128xi32, #tpu.memory_space<vmem>>
    %dma_start3A_55 = tpu.memref_squeeze %dma_start3A_54 : memref<1x128xi32, #tpu.memory_space<vmem>> -> memref<128xi32, #tpu.memory_space<vmem>>
    %dma_start3A_56 = arith.constant 0 : i32
    %dma_start3A_57 = arith.constant 0 : i32
    %dma_start3A_58 = tpu.memref_slice %arg3[%dma_start3A_56, %dma_start3A_57] : memref<1000000x128xf32, #tpu.memory_space<hbm>> -> memref<1000000x128xf32, #tpu.memory_space<hbm>>
    tpu.enqueue_indirect_dma source(%dma_start3A_58 : memref<1000000x128xf32, #tpu.memory_space<hbm>>) target(%arg9 : memref<128x128xf32, #tpu.memory_space<vmem>>) offsets(%dma_start3A_55 : memref<128xi32, #tpu.memory_space<vmem>>) semaphore(%arg13 : memref<!tpu.dma_semaphore, #tpu.memory_space<semaphore_mem>>)
    %dma_wait3A_59 = arith.constant 2 : i32
    %dma_wait3A_60 = arith.constant 0 : i32
    %dma_wait3A_61 = tpu.memref_slice %arg5[%dma_wait3A_59, %dma_wait3A_60] : memref<224x128xi32, #tpu.memory_space<vmem>> -> memref<1x128xi32, #tpu.memory_space<vmem>>
    %dma_wait3A_62 = tpu.memref_squeeze %dma_wait3A_61 : memref<1x128xi32, #tpu.memory_space<vmem>> -> memref<128xi32, #tpu.memory_space<vmem>>
    %dma_wait3A_63 = arith.constant 0 : i32
    %dma_wait3A_64 = arith.constant 0 : i32
    %dma_wait3A_65 = tpu.memref_slice %arg3[%dma_wait3A_63, %dma_wait3A_64] : memref<1000000x128xf32, #tpu.memory_space<hbm>> -> memref<1000000x128xf32, #tpu.memory_space<hbm>>
    tpu.wait_indirect_dma semaphore(%arg12 : memref<!tpu.dma_semaphore, #tpu.memory_space<semaphore_mem>>) src(%dma_wait3A_65 : memref<1000000x128xf32, #tpu.memory_space<hbm>>) dst(%arg8 : memref<128x128xf32, #tpu.memory_space<vmem>>)
    %add3A_66 = arith.constant 256 : i32
    %add3A_67 = arith.addi %mul3A_4, %add3A_66 : i32
    %dma_start3A_68 = arith.constant 0 : i32
    %dma_start3A_69 = tpu.memref_slice %arg4[%add3A_67, %dma_start3A_68] : memref<917504x128xf32, #tpu.memory_space<hbm>> -> memref<128x128xf32, #tpu.memory_space<hbm>>
    %dma_start3A_70 = arith.constant 0 : i32
    %dma_start3A_71 = tpu.memref_slice %arg4[%add3A_67, %dma_start3A_70] : memref<917504x128xf32, #tpu.memory_space<hbm>> -> memref<128x128xf32, #tpu.memory_space<hbm>>
    tpu.enqueue_dma source(%arg8 : memref<128x128xf32, #tpu.memory_space<vmem>>) target(%dma_start3A_71 : memref<128x128xf32, #tpu.memory_space<hbm>>) target_semaphore(%arg16 : memref<!tpu.dma_semaphore, #tpu.memory_space<semaphore_mem>>)
    %add3A_72 = arith.constant 0 : i32
    %add3A_73 = arith.addi %mul3A_4, %add3A_72 : i32
    %dma_wait3A_74 = arith.constant 0 : i32
    %dma_wait3A_75 = tpu.memref_slice %arg4[%add3A_73, %dma_wait3A_74] : memref<917504x128xf32, #tpu.memory_space<hbm>> -> memref<128x128xf32, #tpu.memory_space<hbm>>
    %dma_wait3A_76 = arith.constant 0 : i32
    %dma_wait3A_77 = tpu.memref_slice %arg4[%add3A_73, %dma_wait3A_76] : memref<917504x128xf32, #tpu.memory_space<hbm>> -> memref<128x128xf32, #tpu.memory_space<hbm>>
    tpu.wait_dma2 semaphore(%arg14 : memref<!tpu.dma_semaphore, #tpu.memory_space<semaphore_mem>>) src(%arg6 : memref<128x128xf32, #tpu.memory_space<vmem>>) dst(%dma_wait3A_77 : memref<128x128xf32, #tpu.memory_space<hbm>>)
    %dma_start3A_78 = arith.constant 4 : i32
    %dma_start3A_79 = arith.constant 0 : i32
    %dma_start3A_80 = tpu.memref_slice %arg5[%dma_start3A_78, %dma_start3A_79] : memref<224x128xi32, #tpu.memory_space<vmem>> -> memref<1x128xi32, #tpu.memory_space<vmem>>
    %dma_start3A_81 = tpu.memref_squeeze %dma_start3A_80 : memref<1x128xi32, #tpu.memory_space<vmem>> -> memref<128xi32, #tpu.memory_space<vmem>>
    %dma_start3A_82 = arith.constant 0 : i32
    %dma_start3A_83 = arith.constant 0 : i32
    %dma_start3A_84 = tpu.memref_slice %arg3[%dma_start3A_82, %dma_start3A_83] : memref<1000000x128xf32, #tpu.memory_space<hbm>> -> memref<1000000x128xf32, #tpu.memory_space<hbm>>
    tpu.enqueue_indirect_dma source(%dma_start3A_84 : memref<1000000x128xf32, #tpu.memory_space<hbm>>) target(%arg6 : memref<128x128xf32, #tpu.memory_space<vmem>>) offsets(%dma_start3A_81 : memref<128xi32, #tpu.memory_space<vmem>>) semaphore(%arg10 : memref<!tpu.dma_semaphore, #tpu.memory_space<semaphore_mem>>)
    %dma_wait3A_85 = arith.constant 3 : i32
    %dma_wait3A_86 = arith.constant 0 : i32
    %dma_wait3A_87 = tpu.memref_slice %arg5[%dma_wait3A_85, %dma_wait3A_86] : memref<224x128xi32, #tpu.memory_space<vmem>> -> memref<1x128xi32, #tpu.memory_space<vmem>>
    %dma_wait3A_88 = tpu.memref_squeeze %dma_wait3A_87 : memref<1x128xi32, #tpu.memory_space<vmem>> -> memref<128xi32, #tpu.memory_space<vmem>>
    %dma_wait3A_89 = arith.constant 0 : i32
    %dma_wait3A_90 = arith.constant 0 : i32
    %dma_wait3A_91 = tpu.memref_slice %arg3[%dma_wait3A_89, %dma_wait3A_90] : memref<1000000x128xf32, #tpu.memory_space<hbm>> -> memref<1000000x128xf32, #tpu.memory_space<hbm>>
    tpu.wait_indirect_dma semaphore(%arg13 : memref<!tpu.dma_semaphore, #tpu.memory_space<semaphore_mem>>) src(%dma_wait3A_91 : memref<1000000x128xf32, #tpu.memory_space<hbm>>) dst(%arg9 : memref<128x128xf32, #tpu.memory_space<vmem>>)
    %add3A_92 = arith.constant 384 : i32
    %add3A_93 = arith.addi %mul3A_4, %add3A_92 : i32
    %dma_start3A_94 = arith.constant 0 : i32
    %dma_start3A_95 = tpu.memref_slice %arg4[%add3A_93, %dma_start3A_94] : memref<917504x128xf32, #tpu.memory_space<hbm>> -> memref<128x128xf32, #tpu.memory_space<hbm>>
    %dma_start3A_96 = arith.constant 0 : i32
    %dma_start3A_97 = tpu.memref_slice %arg4[%add3A_93, %dma_start3A_96] : memref<917504x128xf32, #tpu.memory_space<hbm>> -> memref<128x128xf32, #tpu.memory_space<hbm>>
    tpu.enqueue_dma source(%arg9 : memref<128x128xf32, #tpu.memory_space<vmem>>) target(%dma_start3A_97 : memref<128x128xf32, #tpu.memory_space<hbm>>) target_semaphore(%arg17 : memref<!tpu.dma_semaphore, #tpu.memory_space<semaphore_mem>>)
    %add3A_98 = arith.constant 128 : i32
    %add3A_99 = arith.addi %mul3A_4, %add3A_98 : i32
    %dma_wait3A_100 = arith.constant 0 : i32
    %dma_wait3A_101 = tpu.memref_slice %arg4[%add3A_99, %dma_wait3A_100] : memref<917504x128xf32, #tpu.memory_space<hbm>> -> memref<128x128xf32, #tpu.memory_space<hbm>>
    %dma_wait3A_102 = arith.constant 0 : i32
    %dma_wait3A_103 = tpu.memref_slice %arg4[%add3A_99, %dma_wait3A_102] : memref<917504x128xf32, #tpu.memory_space<hbm>> -> memref<128x128xf32, #tpu.memory_space<hbm>>
    tpu.wait_dma2 semaphore(%arg15 : memref<!tpu.dma_semaphore, #tpu.memory_space<semaphore_mem>>) src(%arg7 : memref<128x128xf32, #tpu.memory_space<vmem>>) dst(%dma_wait3A_103 : memref<128x128xf32, #tpu.memory_space<hbm>>)
    %dma_start3A_104 = arith.constant 5 : i32
    %dma_start3A_105 = arith.constant 0 : i32
    %dma_start3A_106 = tpu.memref_slice %arg5[%dma_start3A_104, %dma_start3A_105] : memref<224x128xi32, #tpu.memory_space<vmem>> -> memref<1x128xi32, #tpu.memory_space<vmem>>
    %dma_start3A_107 = tpu.memref_squeeze %dma_start3A_106 : memref<1x128xi32, #tpu.memory_space<vmem>> -> memref<128xi32, #tpu.memory_space<vmem>>
    %dma_start3A_108 = arith.constant 0 : i32
    %dma_start3A_109 = arith.constant 0 : i32
    %dma_start3A_110 = tpu.memref_slice %arg3[%dma_start3A_108, %dma_start3A_109] : memref<1000000x128xf32, #tpu.memory_space<hbm>> -> memref<1000000x128xf32, #tpu.memory_space<hbm>>
    tpu.enqueue_indirect_dma source(%dma_start3A_110 : memref<1000000x128xf32, #tpu.memory_space<hbm>>) target(%arg7 : memref<128x128xf32, #tpu.memory_space<vmem>>) offsets(%dma_start3A_107 : memref<128xi32, #tpu.memory_space<vmem>>) semaphore(%arg11 : memref<!tpu.dma_semaphore, #tpu.memory_space<semaphore_mem>>)
    %scan3A = arith.constant 0 : i32
    %scan3A_111 = arith.constant 1 : i32
    %scan3A_112 = arith.constant 54 : i32
    %scan3A_113 = arith.addi %scan3A_111, %scan3A_112 : i32
    %scan3A_114 = arith.constant 1 : i32
    %scan3A_115 = scf.for %scan3A_219 = %scan3A_111 to %scan3A_113 step %scan3A_114 iter_args(%scan3A_220 = %scan3A) -> (i32)  : i32 {
      %mul3A_221 = arith.constant 4 : i32
      %mul3A_222 = arith.muli %scan3A_219, %mul3A_221 : i32
      %add3A_223 = arith.constant 0 : i32
      %add3A_224 = arith.addi %mul3A_222, %add3A_223 : i32
      %dma_wait3A_225 = arith.constant 0 : i32
      %dma_wait3A_226 = tpu.memref_slice %arg5[%add3A_224, %dma_wait3A_225] : memref<224x128xi32, #tpu.memory_space<vmem>> -> memref<1x128xi32, #tpu.memory_space<vmem>>
      %dma_wait3A_227 = tpu.memref_squeeze %dma_wait3A_226 : memref<1x128xi32, #tpu.memory_space<vmem>> -> memref<128xi32, #tpu.memory_space<vmem>>
      %dma_wait3A_228 = arith.constant 0 : i32
      %dma_wait3A_229 = arith.constant 0 : i32
      %dma_wait3A_230 = tpu.memref_slice %arg3[%dma_wait3A_228, %dma_wait3A_229] : memref<1000000x128xf32, #tpu.memory_space<hbm>> -> memref<1000000x128xf32, #tpu.memory_space<hbm>>
      tpu.wait_indirect_dma semaphore(%arg10 : memref<!tpu.dma_semaphore, #tpu.memory_space<semaphore_mem>>) src(%dma_wait3A_230 : memref<1000000x128xf32, #tpu.memory_space<hbm>>) dst(%arg6 : memref<128x128xf32, #tpu.memory_space<vmem>>)
      %mul3A_231 = arith.constant 128 : i32
      %mul3A_232 = arith.muli %add3A_224, %mul3A_231 : i32
      %add3A_233 = arith.addi %mul3A_4, %mul3A_232 : i32
      %dma_start3A_234 = arith.constant 0 : i32
      %dma_start3A_235 = tpu.memref_slice %arg4[%add3A_233, %dma_start3A_234] : memref<917504x128xf32, #tpu.memory_space<hbm>> -> memref<128x128xf32, #tpu.memory_space<hbm>>
      %dma_start3A_236 = arith.constant 0 : i32
      %dma_start3A_237 = tpu.memref_slice %arg4[%add3A_233, %dma_start3A_236] : memref<917504x128xf32, #tpu.memory_space<hbm>> -> memref<128x128xf32, #tpu.memory_space<hbm>>
      tpu.enqueue_dma source(%arg6 : memref<128x128xf32, #tpu.memory_space<vmem>>) target(%dma_start3A_237 : memref<128x128xf32, #tpu.memory_space<hbm>>) target_semaphore(%arg14 : memref<!tpu.dma_semaphore, #tpu.memory_space<semaphore_mem>>)
      %add3A_238 = arith.constant 2 : i32
      %add3A_239 = arith.addi %add3A_224, %add3A_238 : i32
      %sub3A = arith.constant 4 : i32
      %sub3A_240 = arith.subi %add3A_239, %sub3A : i32
      %mul3A_241 = arith.constant 128 : i32
      %mul3A_242 = arith.muli %sub3A_240, %mul3A_241 : i32
      %add3A_243 = arith.addi %mul3A_4, %mul3A_242 : i32
      %dma_wait3A_244 = arith.constant 0 : i32
      %dma_wait3A_245 = tpu.memref_slice %arg4[%add3A_243, %dma_wait3A_244] : memref<917504x128xf32, #tpu.memory_space<hbm>> -> memref<128x128xf32, #tpu.memory_space<hbm>>
      %dma_wait3A_246 = arith.constant 0 : i32
      %dma_wait3A_247 = tpu.memref_slice %arg4[%add3A_243, %dma_wait3A_246] : memref<917504x128xf32, #tpu.memory_space<hbm>> -> memref<128x128xf32, #tpu.memory_space<hbm>>
      tpu.wait_dma2 semaphore(%arg16 : memref<!tpu.dma_semaphore, #tpu.memory_space<semaphore_mem>>) src(%arg8 : memref<128x128xf32, #tpu.memory_space<vmem>>) dst(%dma_wait3A_247 : memref<128x128xf32, #tpu.memory_space<hbm>>)
      %add3A_248 = arith.constant 2 : i32
      %add3A_249 = arith.addi %add3A_224, %add3A_248 : i32
      %dma_start3A_250 = arith.constant 0 : i32
      %dma_start3A_251 = tpu.memref_slice %arg5[%add3A_249, %dma_start3A_250] : memref<224x128xi32, #tpu.memory_space<vmem>> -> memref<1x128xi32, #tpu.memory_space<vmem>>
      %dma_start3A_252 = tpu.memref_squeeze %dma_start3A_251 : memref<1x128xi32, #tpu.memory_space<vmem>> -> memref<128xi32, #tpu.memory_space<vmem>>
      %dma_start3A_253 = arith.constant 0 : i32
      %dma_start3A_254 = arith.constant 0 : i32
      %dma_start3A_255 = tpu.memref_slice %arg3[%dma_start3A_253, %dma_start3A_254] : memref<1000000x128xf32, #tpu.memory_space<hbm>> -> memref<1000000x128xf32, #tpu.memory_space<hbm>>
      tpu.enqueue_indirect_dma source(%dma_start3A_255 : memref<1000000x128xf32, #tpu.memory_space<hbm>>) target(%arg8 : memref<128x128xf32, #tpu.memory_space<vmem>>) offsets(%dma_start3A_252 : memref<128xi32, #tpu.memory_space<vmem>>) semaphore(%arg12 : memref<!tpu.dma_semaphore, #tpu.memory_space<semaphore_mem>>)
      %mul3A_256 = arith.constant 4 : i32
      %mul3A_257 = arith.muli %scan3A_219, %mul3A_256 : i32
      %add3A_258 = arith.constant 1 : i32
      %add3A_259 = arith.addi %mul3A_257, %add3A_258 : i32
      %dma_wait3A_260 = arith.constant 0 : i32
      %dma_wait3A_261 = tpu.memref_slice %arg5[%add3A_259, %dma_wait3A_260] : memref<224x128xi32, #tpu.memory_space<vmem>> -> memref<1x128xi32, #tpu.memory_space<vmem>>
      %dma_wait3A_262 = tpu.memref_squeeze %dma_wait3A_261 : memref<1x128xi32, #tpu.memory_space<vmem>> -> memref<128xi32, #tpu.memory_space<vmem>>
      %dma_wait3A_263 = arith.constant 0 : i32
      %dma_wait3A_264 = arith.constant 0 : i32
      %dma_wait3A_265 = tpu.memref_slice %arg3[%dma_wait3A_263, %dma_wait3A_264] : memref<1000000x128xf32, #tpu.memory_space<hbm>> -> memref<1000000x128xf32, #tpu.memory_space<hbm>>
      tpu.wait_indirect_dma semaphore(%arg11 : memref<!tpu.dma_semaphore, #tpu.memory_space<semaphore_mem>>) src(%dma_wait3A_265 : memref<1000000x128xf32, #tpu.memory_space<hbm>>) dst(%arg7 : memref<128x128xf32, #tpu.memory_space<vmem>>)
      %mul3A_266 = arith.constant 128 : i32
      %mul3A_267 = arith.muli %add3A_259, %mul3A_266 : i32
      %add3A_268 = arith.addi %mul3A_4, %mul3A_267 : i32
      %dma_start3A_269 = arith.constant 0 : i32
      %dma_start3A_270 = tpu.memref_slice %arg4[%add3A_268, %dma_start3A_269] : memref<917504x128xf32, #tpu.memory_space<hbm>> -> memref<128x128xf32, #tpu.memory_space<hbm>>
      %dma_start3A_271 = arith.constant 0 : i32
      %dma_start3A_272 = tpu.memref_slice %arg4[%add3A_268, %dma_start3A_271] : memref<917504x128xf32, #tpu.memory_space<hbm>> -> memref<128x128xf32, #tpu.memory_space<hbm>>
      tpu.enqueue_dma source(%arg7 : memref<128x128xf32, #tpu.memory_space<vmem>>) target(%dma_start3A_272 : memref<128x128xf32, #tpu.memory_space<hbm>>) target_semaphore(%arg15 : memref<!tpu.dma_semaphore, #tpu.memory_space<semaphore_mem>>)
      %add3A_273 = arith.constant 2 : i32
      %add3A_274 = arith.addi %add3A_259, %add3A_273 : i32
      %sub3A_275 = arith.constant 4 : i32
      %sub3A_276 = arith.subi %add3A_274, %sub3A_275 : i32
      %mul3A_277 = arith.constant 128 : i32
      %mul3A_278 = arith.muli %sub3A_276, %mul3A_277 : i32
      %add3A_279 = arith.addi %mul3A_4, %mul3A_278 : i32
      %dma_wait3A_280 = arith.constant 0 : i32
      %dma_wait3A_281 = tpu.memref_slice %arg4[%add3A_279, %dma_wait3A_280] : memref<917504x128xf32, #tpu.memory_space<hbm>> -> memref<128x128xf32, #tpu.memory_space<hbm>>
      %dma_wait3A_282 = arith.constant 0 : i32
      %dma_wait3A_283 = tpu.memref_slice %arg4[%add3A_279, %dma_wait3A_282] : memref<917504x128xf32, #tpu.memory_space<hbm>> -> memref<128x128xf32, #tpu.memory_space<hbm>>
      tpu.wait_dma2 semaphore(%arg17 : memref<!tpu.dma_semaphore, #tpu.memory_space<semaphore_mem>>) src(%arg9 : memref<128x128xf32, #tpu.memory_space<vmem>>) dst(%dma_wait3A_283 : memref<128x128xf32, #tpu.memory_space<hbm>>)
      %add3A_284 = arith.constant 2 : i32
      %add3A_285 = arith.addi %add3A_259, %add3A_284 : i32
      %dma_start3A_286 = arith.constant 0 : i32
      %dma_start3A_287 = tpu.memref_slice %arg5[%add3A_285, %dma_start3A_286] : memref<224x128xi32, #tpu.memory_space<vmem>> -> memref<1x128xi32, #tpu.memory_space<vmem>>
      %dma_start3A_288 = tpu.memref_squeeze %dma_start3A_287 : memref<1x128xi32, #tpu.memory_space<vmem>> -> memref<128xi32, #tpu.memory_space<vmem>>
      %dma_start3A_289 = arith.constant 0 : i32
      %dma_start3A_290 = arith.constant 0 : i32
      %dma_start3A_291 = tpu.memref_slice %arg3[%dma_start3A_289, %dma_start3A_290] : memref<1000000x128xf32, #tpu.memory_space<hbm>> -> memref<1000000x128xf32, #tpu.memory_space<hbm>>
      tpu.enqueue_indirect_dma source(%dma_start3A_291 : memref<1000000x128xf32, #tpu.memory_space<hbm>>) target(%arg9 : memref<128x128xf32, #tpu.memory_space<vmem>>) offsets(%dma_start3A_288 : memref<128xi32, #tpu.memory_space<vmem>>) semaphore(%arg13 : memref<!tpu.dma_semaphore, #tpu.memory_space<semaphore_mem>>)
      %mul3A_292 = arith.constant 4 : i32
      %mul3A_293 = arith.muli %scan3A_219, %mul3A_292 : i32
      %add3A_294 = arith.constant 2 : i32
      %add3A_295 = arith.addi %mul3A_293, %add3A_294 : i32
      %dma_wait3A_296 = arith.constant 0 : i32
      %dma_wait3A_297 = tpu.memref_slice %arg5[%add3A_295, %dma_wait3A_296] : memref<224x128xi32, #tpu.memory_space<vmem>> -> memref<1x128xi32, #tpu.memory_space<vmem>>
      %dma_wait3A_298 = tpu.memref_squeeze %dma_wait3A_297 : memref<1x128xi32, #tpu.memory_space<vmem>> -> memref<128xi32, #tpu.memory_space<vmem>>
      %dma_wait3A_299 = arith.constant 0 : i32
      %dma_wait3A_300 = arith.constant 0 : i32
      %dma_wait3A_301 = tpu.memref_slice %arg3[%dma_wait3A_299, %dma_wait3A_300] : memref<1000000x128xf32, #tpu.memory_space<hbm>> -> memref<1000000x128xf32, #tpu.memory_space<hbm>>
      tpu.wait_indirect_dma semaphore(%arg12 : memref<!tpu.dma_semaphore, #tpu.memory_space<semaphore_mem>>) src(%dma_wait3A_301 : memref<1000000x128xf32, #tpu.memory_space<hbm>>) dst(%arg8 : memref<128x128xf32, #tpu.memory_space<vmem>>)
      %mul3A_302 = arith.constant 128 : i32
      %mul3A_303 = arith.muli %add3A_295, %mul3A_302 : i32
      %add3A_304 = arith.addi %mul3A_4, %mul3A_303 : i32
      %dma_start3A_305 = arith.constant 0 : i32
      %dma_start3A_306 = tpu.memref_slice %arg4[%add3A_304, %dma_start3A_305] : memref<917504x128xf32, #tpu.memory_space<hbm>> -> memref<128x128xf32, #tpu.memory_space<hbm>>
      %dma_start3A_307 = arith.constant 0 : i32
      %dma_start3A_308 = tpu.memref_slice %arg4[%add3A_304, %dma_start3A_307] : memref<917504x128xf32, #tpu.memory_space<hbm>> -> memref<128x128xf32, #tpu.memory_space<hbm>>
      tpu.enqueue_dma source(%arg8 : memref<128x128xf32, #tpu.memory_space<vmem>>) target(%dma_start3A_308 : memref<128x128xf32, #tpu.memory_space<hbm>>) target_semaphore(%arg16 : memref<!tpu.dma_semaphore, #tpu.memory_space<semaphore_mem>>)
      %add3A_309 = arith.constant 2 : i32
      %add3A_310 = arith.addi %add3A_295, %add3A_309 : i32
      %sub3A_311 = arith.constant 4 : i32
      %sub3A_312 = arith.subi %add3A_310, %sub3A_311 : i32
      %mul3A_313 = arith.constant 128 : i32
      %mul3A_314 = arith.muli %sub3A_312, %mul3A_313 : i32
      %add3A_315 = arith.addi %mul3A_4, %mul3A_314 : i32
      %dma_wait3A_316 = arith.constant 0 : i32
      %dma_wait3A_317 = tpu.memref_slice %arg4[%add3A_315, %dma_wait3A_316] : memref<917504x128xf32, #tpu.memory_space<hbm>> -> memref<128x128xf32, #tpu.memory_space<hbm>>
      %dma_wait3A_318 = arith.constant 0 : i32
      %dma_wait3A_319 = tpu.memref_slice %arg4[%add3A_315, %dma_wait3A_318] : memref<917504x128xf32, #tpu.memory_space<hbm>> -> memref<128x128xf32, #tpu.memory_space<hbm>>
      tpu.wait_dma2 semaphore(%arg14 : memref<!tpu.dma_semaphore, #tpu.memory_space<semaphore_mem>>) src(%arg6 : memref<128x128xf32, #tpu.memory_space<vmem>>) dst(%dma_wait3A_319 : memref<128x128xf32, #tpu.memory_space<hbm>>)
      %add3A_320 = arith.constant 2 : i32
      %add3A_321 = arith.addi %add3A_295, %add3A_320 : i32
      %dma_start3A_322 = arith.constant 0 : i32
      %dma_start3A_323 = tpu.memref_slice %arg5[%add3A_321, %dma_start3A_322] : memref<224x128xi32, #tpu.memory_space<vmem>> -> memref<1x128xi32, #tpu.memory_space<vmem>>
      %dma_start3A_324 = tpu.memref_squeeze %dma_start3A_323 : memref<1x128xi32, #tpu.memory_space<vmem>> -> memref<128xi32, #tpu.memory_space<vmem>>
      %dma_start3A_325 = arith.constant 0 : i32
      %dma_start3A_326 = arith.constant 0 : i32
      %dma_start3A_327 = tpu.memref_slice %arg3[%dma_start3A_325, %dma_start3A_326] : memref<1000000x128xf32, #tpu.memory_space<hbm>> -> memref<1000000x128xf32, #tpu.memory_space<hbm>>
      tpu.enqueue_indirect_dma source(%dma_start3A_327 : memref<1000000x128xf32, #tpu.memory_space<hbm>>) target(%arg6 : memref<128x128xf32, #tpu.memory_space<vmem>>) offsets(%dma_start3A_324 : memref<128xi32, #tpu.memory_space<vmem>>) semaphore(%arg10 : memref<!tpu.dma_semaphore, #tpu.memory_space<semaphore_mem>>)
      %mul3A_328 = arith.constant 4 : i32
      %mul3A_329 = arith.muli %scan3A_219, %mul3A_328 : i32
      %add3A_330 = arith.constant 3 : i32
      %add3A_331 = arith.addi %mul3A_329, %add3A_330 : i32
      %dma_wait3A_332 = arith.constant 0 : i32
      %dma_wait3A_333 = tpu.memref_slice %arg5[%add3A_331, %dma_wait3A_332] : memref<224x128xi32, #tpu.memory_space<vmem>> -> memref<1x128xi32, #tpu.memory_space<vmem>>
      %dma_wait3A_334 = tpu.memref_squeeze %dma_wait3A_333 : memref<1x128xi32, #tpu.memory_space<vmem>> -> memref<128xi32, #tpu.memory_space<vmem>>
      %dma_wait3A_335 = arith.constant 0 : i32
      %dma_wait3A_336 = arith.constant 0 : i32
      %dma_wait3A_337 = tpu.memref_slice %arg3[%dma_wait3A_335, %dma_wait3A_336] : memref<1000000x128xf32, #tpu.memory_space<hbm>> -> memref<1000000x128xf32, #tpu.memory_space<hbm>>
      tpu.wait_indirect_dma semaphore(%arg13 : memref<!tpu.dma_semaphore, #tpu.memory_space<semaphore_mem>>) src(%dma_wait3A_337 : memref<1000000x128xf32, #tpu.memory_space<hbm>>) dst(%arg9 : memref<128x128xf32, #tpu.memory_space<vmem>>)
      %mul3A_338 = arith.constant 128 : i32
      %mul3A_339 = arith.muli %add3A_331, %mul3A_338 : i32
      %add3A_340 = arith.addi %mul3A_4, %mul3A_339 : i32
      %dma_start3A_341 = arith.constant 0 : i32
      %dma_start3A_342 = tpu.memref_slice %arg4[%add3A_340, %dma_start3A_341] : memref<917504x128xf32, #tpu.memory_space<hbm>> -> memref<128x128xf32, #tpu.memory_space<hbm>>
      %dma_start3A_343 = arith.constant 0 : i32
      %dma_start3A_344 = tpu.memref_slice %arg4[%add3A_340, %dma_start3A_343] : memref<917504x128xf32, #tpu.memory_space<hbm>> -> memref<128x128xf32, #tpu.memory_space<hbm>>
      tpu.enqueue_dma source(%arg9 : memref<128x128xf32, #tpu.memory_space<vmem>>) target(%dma_start3A_344 : memref<128x128xf32, #tpu.memory_space<hbm>>) target_semaphore(%arg17 : memref<!tpu.dma_semaphore, #tpu.memory_space<semaphore_mem>>)
      %add3A_345 = arith.constant 2 : i32
      %add3A_346 = arith.addi %add3A_331, %add3A_345 : i32
      %sub3A_347 = arith.constant 4 : i32
      %sub3A_348 = arith.subi %add3A_346, %sub3A_347 : i32
      %mul3A_349 = arith.constant 128 : i32
      %mul3A_350 = arith.muli %sub3A_348, %mul3A_349 : i32
      %add3A_351 = arith.addi %mul3A_4, %mul3A_350 : i32
      %dma_wait3A_352 = arith.constant 0 : i32
      %dma_wait3A_353 = tpu.memref_slice %arg4[%add3A_351, %dma_wait3A_352] : memref<917504x128xf32, #tpu.memory_space<hbm>> -> memref<128x128xf32, #tpu.memory_space<hbm>>
      %dma_wait3A_354 = arith.constant 0 : i32
      %dma_wait3A_355 = tpu.memref_slice %arg4[%add3A_351, %dma_wait3A_354] : memref<917504x128xf32, #tpu.memory_space<hbm>> -> memref<128x128xf32, #tpu.memory_space<hbm>>
      tpu.wait_dma2 semaphore(%arg15 : memref<!tpu.dma_semaphore, #tpu.memory_space<semaphore_mem>>) src(%arg7 : memref<128x128xf32, #tpu.memory_space<vmem>>) dst(%dma_wait3A_355 : memref<128x128xf32, #tpu.memory_space<hbm>>)
      %add3A_356 = arith.constant 2 : i32
      %add3A_357 = arith.addi %add3A_331, %add3A_356 : i32
      %dma_start3A_358 = arith.constant 0 : i32
      %dma_start3A_359 = tpu.memref_slice %arg5[%add3A_357, %dma_start3A_358] : memref<224x128xi32, #tpu.memory_space<vmem>> -> memref<1x128xi32, #tpu.memory_space<vmem>>
      %dma_start3A_360 = tpu.memref_squeeze %dma_start3A_359 : memref<1x128xi32, #tpu.memory_space<vmem>> -> memref<128xi32, #tpu.memory_space<vmem>>
      %dma_start3A_361 = arith.constant 0 : i32
      %dma_start3A_362 = arith.constant 0 : i32
      %dma_start3A_363 = tpu.memref_slice %arg3[%dma_start3A_361, %dma_start3A_362] : memref<1000000x128xf32, #tpu.memory_space<hbm>> -> memref<1000000x128xf32, #tpu.memory_space<hbm>>
      tpu.enqueue_indirect_dma source(%dma_start3A_363 : memref<1000000x128xf32, #tpu.memory_space<hbm>>) target(%arg7 : memref<128x128xf32, #tpu.memory_space<vmem>>) offsets(%dma_start3A_360 : memref<128xi32, #tpu.memory_space<vmem>>) semaphore(%arg11 : memref<!tpu.dma_semaphore, #tpu.memory_space<semaphore_mem>>)
      %scan3A_364 = arith.constant 0 : i32
      scf.yield %scan3A_364 : i32
    }
    %scan3A_116 = arith.constant 54 : i32
    %dma_wait3A_117 = arith.constant 220 : i32
    %dma_wait3A_118 = arith.constant 0 : i32
    %dma_wait3A_119 = tpu.memref_slice %arg5[%dma_wait3A_117, %dma_wait3A_118] : memref<224x128xi32, #tpu.memory_space<vmem>> -> memref<1x128xi32, #tpu.memory_space<vmem>>
    %dma_wait3A_120 = tpu.memref_squeeze %dma_wait3A_119 : memref<1x128xi32, #tpu.memory_space<vmem>> -> memref<128xi32, #tpu.memory_space<vmem>>
    %dma_wait3A_121 = arith.constant 0 : i32
    %dma_wait3A_122 = arith.constant 0 : i32
    %dma_wait3A_123 = tpu.memref_slice %arg3[%dma_wait3A_121, %dma_wait3A_122] : memref<1000000x128xf32, #tpu.memory_space<hbm>> -> memref<1000000x128xf32, #tpu.memory_space<hbm>>
    tpu.wait_indirect_dma semaphore(%arg10 : memref<!tpu.dma_semaphore, #tpu.memory_space<semaphore_mem>>) src(%dma_wait3A_123 : memref<1000000x128xf32, #tpu.memory_space<hbm>>) dst(%arg6 : memref<128x128xf32, #tpu.memory_space<vmem>>)
    %add3A_124 = arith.constant 28160 : i32
    %add3A_125 = arith.addi %mul3A_4, %add3A_124 : i32
    %dma_start3A_126 = arith.constant 0 : i32
    %dma_start3A_127 = tpu.memref_slice %arg4[%add3A_125, %dma_start3A_126] : memref<917504x128xf32, #tpu.memory_space<hbm>> -> memref<128x128xf32, #tpu.memory_space<hbm>>
    %dma_start3A_128 = arith.constant 0 : i32
    %dma_start3A_129 = tpu.memref_slice %arg4[%add3A_125, %dma_start3A_128] : memref<917504x128xf32, #tpu.memory_space<hbm>> -> memref<128x128xf32, #tpu.memory_space<hbm>>
    tpu.enqueue_dma source(%arg6 : memref<128x128xf32, #tpu.memory_space<vmem>>) target(%dma_start3A_129 : memref<128x128xf32, #tpu.memory_space<hbm>>) target_semaphore(%arg14 : memref<!tpu.dma_semaphore, #tpu.memory_space<semaphore_mem>>)
    %add3A_130 = arith.constant 27904 : i32
    %add3A_131 = arith.addi %mul3A_4, %add3A_130 : i32
    %dma_wait3A_132 = arith.constant 0 : i32
    %dma_wait3A_133 = tpu.memref_slice %arg4[%add3A_131, %dma_wait3A_132] : memref<917504x128xf32, #tpu.memory_space<hbm>> -> memref<128x128xf32, #tpu.memory_space<hbm>>
    %dma_wait3A_134 = arith.constant 0 : i32
    %dma_wait3A_135 = tpu.memref_slice %arg4[%add3A_131, %dma_wait3A_134] : memref<917504x128xf32, #tpu.memory_space<hbm>> -> memref<128x128xf32, #tpu.memory_space<hbm>>
    tpu.wait_dma2 semaphore(%arg16 : memref<!tpu.dma_semaphore, #tpu.memory_space<semaphore_mem>>) src(%arg8 : memref<128x128xf32, #tpu.memory_space<vmem>>) dst(%dma_wait3A_135 : memref<128x128xf32, #tpu.memory_space<hbm>>)
    %dma_start3A_136 = arith.constant 222 : i32
    %dma_start3A_137 = arith.constant 0 : i32
    %dma_start3A_138 = tpu.memref_slice %arg5[%dma_start3A_136, %dma_start3A_137] : memref<224x128xi32, #tpu.memory_space<vmem>> -> memref<1x128xi32, #tpu.memory_space<vmem>>
    %dma_start3A_139 = tpu.memref_squeeze %dma_start3A_138 : memref<1x128xi32, #tpu.memory_space<vmem>> -> memref<128xi32, #tpu.memory_space<vmem>>
    %dma_start3A_140 = arith.constant 0 : i32
    %dma_start3A_141 = arith.constant 0 : i32
    %dma_start3A_142 = tpu.memref_slice %arg3[%dma_start3A_140, %dma_start3A_141] : memref<1000000x128xf32, #tpu.memory_space<hbm>> -> memref<1000000x128xf32, #tpu.memory_space<hbm>>
    tpu.enqueue_indirect_dma source(%dma_start3A_142 : memref<1000000x128xf32, #tpu.memory_space<hbm>>) target(%arg8 : memref<128x128xf32, #tpu.memory_space<vmem>>) offsets(%dma_start3A_139 : memref<128xi32, #tpu.memory_space<vmem>>) semaphore(%arg12 : memref<!tpu.dma_semaphore, #tpu.memory_space<semaphore_mem>>)
    %dma_wait3A_143 = arith.constant 221 : i32
    %dma_wait3A_144 = arith.constant 0 : i32
    %dma_wait3A_145 = tpu.memref_slice %arg5[%dma_wait3A_143, %dma_wait3A_144] : memref<224x128xi32, #tpu.memory_space<vmem>> -> memref<1x128xi32, #tpu.memory_space<vmem>>
    %dma_wait3A_146 = tpu.memref_squeeze %dma_wait3A_145 : memref<1x128xi32, #tpu.memory_space<vmem>> -> memref<128xi32, #tpu.memory_space<vmem>>
    %dma_wait3A_147 = arith.constant 0 : i32
    %dma_wait3A_148 = arith.constant 0 : i32
    %dma_wait3A_149 = tpu.memref_slice %arg3[%dma_wait3A_147, %dma_wait3A_148] : memref<1000000x128xf32, #tpu.memory_space<hbm>> -> memref<1000000x128xf32, #tpu.memory_space<hbm>>
    tpu.wait_indirect_dma semaphore(%arg11 : memref<!tpu.dma_semaphore, #tpu.memory_space<semaphore_mem>>) src(%dma_wait3A_149 : memref<1000000x128xf32, #tpu.memory_space<hbm>>) dst(%arg7 : memref<128x128xf32, #tpu.memory_space<vmem>>)
    %add3A_150 = arith.constant 28288 : i32
    %add3A_151 = arith.addi %mul3A_4, %add3A_150 : i32
    %dma_start3A_152 = arith.constant 0 : i32
    %dma_start3A_153 = tpu.memref_slice %arg4[%add3A_151, %dma_start3A_152] : memref<917504x128xf32, #tpu.memory_space<hbm>> -> memref<128x128xf32, #tpu.memory_space<hbm>>
    %dma_start3A_154 = arith.constant 0 : i32
    %dma_start3A_155 = tpu.memref_slice %arg4[%add3A_151, %dma_start3A_154] : memref<917504x128xf32, #tpu.memory_space<hbm>> -> memref<128x128xf32, #tpu.memory_space<hbm>>
    tpu.enqueue_dma source(%arg7 : memref<128x128xf32, #tpu.memory_space<vmem>>) target(%dma_start3A_155 : memref<128x128xf32, #tpu.memory_space<hbm>>) target_semaphore(%arg15 : memref<!tpu.dma_semaphore, #tpu.memory_space<semaphore_mem>>)
    %add3A_156 = arith.constant 28032 : i32
    %add3A_157 = arith.addi %mul3A_4, %add3A_156 : i32
    %dma_wait3A_158 = arith.constant 0 : i32
    %dma_wait3A_159 = tpu.memref_slice %arg4[%add3A_157, %dma_wait3A_158] : memref<917504x128xf32, #tpu.memory_space<hbm>> -> memref<128x128xf32, #tpu.memory_space<hbm>>
    %dma_wait3A_160 = arith.constant 0 : i32
    %dma_wait3A_161 = tpu.memref_slice %arg4[%add3A_157, %dma_wait3A_160] : memref<917504x128xf32, #tpu.memory_space<hbm>> -> memref<128x128xf32, #tpu.memory_space<hbm>>
    tpu.wait_dma2 semaphore(%arg17 : memref<!tpu.dma_semaphore, #tpu.memory_space<semaphore_mem>>) src(%arg9 : memref<128x128xf32, #tpu.memory_space<vmem>>) dst(%dma_wait3A_161 : memref<128x128xf32, #tpu.memory_space<hbm>>)
    %dma_start3A_162 = arith.constant 223 : i32
    %dma_start3A_163 = arith.constant 0 : i32
    %dma_start3A_164 = tpu.memref_slice %arg5[%dma_start3A_162, %dma_start3A_163] : memref<224x128xi32, #tpu.memory_space<vmem>> -> memref<1x128xi32, #tpu.memory_space<vmem>>
    %dma_start3A_165 = tpu.memref_squeeze %dma_start3A_164 : memref<1x128xi32, #tpu.memory_space<vmem>> -> memref<128xi32, #tpu.memory_space<vmem>>
    %dma_start3A_166 = arith.constant 0 : i32
    %dma_start3A_167 = arith.constant 0 : i32
    %dma_start3A_168 = tpu.memref_slice %arg3[%dma_start3A_166, %dma_start3A_167] : memref<1000000x128xf32, #tpu.memory_space<hbm>> -> memref<1000000x128xf32, #tpu.memory_space<hbm>>
    tpu.enqueue_indirect_dma source(%dma_start3A_168 : memref<1000000x128xf32, #tpu.memory_space<hbm>>) target(%arg9 : memref<128x128xf32, #tpu.memory_space<vmem>>) offsets(%dma_start3A_165 : memref<128xi32, #tpu.memory_space<vmem>>) semaphore(%arg13 : memref<!tpu.dma_semaphore, #tpu.memory_space<semaphore_mem>>)
    %dma_wait3A_169 = arith.constant 222 : i32
    %dma_wait3A_170 = arith.constant 0 : i32
    %dma_wait3A_171 = tpu.memref_slice %arg5[%dma_wait3A_169, %dma_wait3A_170] : memref<224x128xi32, #tpu.memory_space<vmem>> -> memref<1x128xi32, #tpu.memory_space<vmem>>
    %dma_wait3A_172 = tpu.memref_squeeze %dma_wait3A_171 : memref<1x128xi32, #tpu.memory_space<vmem>> -> memref<128xi32, #tpu.memory_space<vmem>>
    %dma_wait3A_173 = arith.constant 0 : i32
    %dma_wait3A_174 = arith.constant 0 : i32
    %dma_wait3A_175 = tpu.memref_slice %arg3[%dma_wait3A_173, %dma_wait3A_174] : memref<1000000x128xf32, #tpu.memory_space<hbm>> -> memref<1000000x128xf32, #tpu.memory_space<hbm>>
    tpu.wait_indirect_dma semaphore(%arg12 : memref<!tpu.dma_semaphore, #tpu.memory_space<semaphore_mem>>) src(%dma_wait3A_175 : memref<1000000x128xf32, #tpu.memory_space<hbm>>) dst(%arg8 : memref<128x128xf32, #tpu.memory_space<vmem>>)
    %add3A_176 = arith.constant 28416 : i32
    %add3A_177 = arith.addi %mul3A_4, %add3A_176 : i32
    %dma_start3A_178 = arith.constant 0 : i32
    %dma_start3A_179 = tpu.memref_slice %arg4[%add3A_177, %dma_start3A_178] : memref<917504x128xf32, #tpu.memory_space<hbm>> -> memref<128x128xf32, #tpu.memory_space<hbm>>
    %dma_start3A_180 = arith.constant 0 : i32
    %dma_start3A_181 = tpu.memref_slice %arg4[%add3A_177, %dma_start3A_180] : memref<917504x128xf32, #tpu.memory_space<hbm>> -> memref<128x128xf32, #tpu.memory_space<hbm>>
    tpu.enqueue_dma source(%arg8 : memref<128x128xf32, #tpu.memory_space<vmem>>) target(%dma_start3A_181 : memref<128x128xf32, #tpu.memory_space<hbm>>) target_semaphore(%arg16 : memref<!tpu.dma_semaphore, #tpu.memory_space<semaphore_mem>>)
    %dma_wait3A_182 = arith.constant 223 : i32
    %dma_wait3A_183 = arith.constant 0 : i32
    %dma_wait3A_184 = tpu.memref_slice %arg5[%dma_wait3A_182, %dma_wait3A_183] : memref<224x128xi32, #tpu.memory_space<vmem>> -> memref<1x128xi32, #tpu.memory_space<vmem>>
    %dma_wait3A_185 = tpu.memref_squeeze %dma_wait3A_184 : memref<1x128xi32, #tpu.memory_space<vmem>> -> memref<128xi32, #tpu.memory_space<vmem>>
    %dma_wait3A_186 = arith.constant 0 : i32
    %dma_wait3A_187 = arith.constant 0 : i32
    %dma_wait3A_188 = tpu.memref_slice %arg3[%dma_wait3A_186, %dma_wait3A_187] : memref<1000000x128xf32, #tpu.memory_space<hbm>> -> memref<1000000x128xf32, #tpu.memory_space<hbm>>
    tpu.wait_indirect_dma semaphore(%arg13 : memref<!tpu.dma_semaphore, #tpu.memory_space<semaphore_mem>>) src(%dma_wait3A_188 : memref<1000000x128xf32, #tpu.memory_space<hbm>>) dst(%arg9 : memref<128x128xf32, #tpu.memory_space<vmem>>)
    %add3A_189 = arith.constant 28544 : i32
    %add3A_190 = arith.addi %mul3A_4, %add3A_189 : i32
    %dma_start3A_191 = arith.constant 0 : i32
    %dma_start3A_192 = tpu.memref_slice %arg4[%add3A_190, %dma_start3A_191] : memref<917504x128xf32, #tpu.memory_space<hbm>> -> memref<128x128xf32, #tpu.memory_space<hbm>>
    %dma_start3A_193 = arith.constant 0 : i32
    %dma_start3A_194 = tpu.memref_slice %arg4[%add3A_190, %dma_start3A_193] : memref<917504x128xf32, #tpu.memory_space<hbm>> -> memref<128x128xf32, #tpu.memory_space<hbm>>
    tpu.enqueue_dma source(%arg9 : memref<128x128xf32, #tpu.memory_space<vmem>>) target(%dma_start3A_194 : memref<128x128xf32, #tpu.memory_space<hbm>>) target_semaphore(%arg17 : memref<!tpu.dma_semaphore, #tpu.memory_space<semaphore_mem>>)
    %add3A_195 = arith.constant 28160 : i32
    %add3A_196 = arith.addi %mul3A_4, %add3A_195 : i32
    %dma_wait3A_197 = arith.constant 0 : i32
    %dma_wait3A_198 = tpu.memref_slice %arg4[%add3A_196, %dma_wait3A_197] : memref<917504x128xf32, #tpu.memory_space<hbm>> -> memref<128x128xf32, #tpu.memory_space<hbm>>
    %dma_wait3A_199 = arith.constant 0 : i32
    %dma_wait3A_200 = tpu.memref_slice %arg4[%add3A_196, %dma_wait3A_199] : memref<917504x128xf32, #tpu.memory_space<hbm>> -> memref<128x128xf32, #tpu.memory_space<hbm>>
    tpu.wait_dma2 semaphore(%arg14 : memref<!tpu.dma_semaphore, #tpu.memory_space<semaphore_mem>>) src(%arg6 : memref<128x128xf32, #tpu.memory_space<vmem>>) dst(%dma_wait3A_200 : memref<128x128xf32, #tpu.memory_space<hbm>>)
    %add3A_201 = arith.constant 28288 : i32
    %add3A_202 = arith.addi %mul3A_4, %add3A_201 : i32
    %dma_wait3A_203 = arith.constant 0 : i32
    %dma_wait3A_204 = tpu.memref_slice %arg4[%add3A_202, %dma_wait3A_203] : memref<917504x128xf32, #tpu.memory_space<hbm>> -> memref<128x128xf32, #tpu.memory_space<hbm>>
    %dma_wait3A_205 = arith.constant 0 : i32
    %dma_wait3A_206 = tpu.memref_slice %arg4[%add3A_202, %dma_wait3A_205] : memref<917504x128xf32, #tpu.memory_space<hbm>> -> memref<128x128xf32, #tpu.memory_space<hbm>>
    tpu.wait_dma2 semaphore(%arg15 : memref<!tpu.dma_semaphore, #tpu.memory_space<semaphore_mem>>) src(%arg7 : memref<128x128xf32, #tpu.memory_space<vmem>>) dst(%dma_wait3A_206 : memref<128x128xf32, #tpu.memory_space<hbm>>)
    %add3A_207 = arith.constant 28416 : i32
    %add3A_208 = arith.addi %mul3A_4, %add3A_207 : i32
    %dma_wait3A_209 = arith.constant 0 : i32
    %dma_wait3A_210 = tpu.memref_slice %arg4[%add3A_208, %dma_wait3A_209] : memref<917504x128xf32, #tpu.memory_space<hbm>> -> memref<128x128xf32, #tpu.memory_space<hbm>>
    %dma_wait3A_211 = arith.constant 0 : i32
    %dma_wait3A_212 = tpu.memref_slice %arg4[%add3A_208, %dma_wait3A_211] : memref<917504x128xf32, #tpu.memory_space<hbm>> -> memref<128x128xf32, #tpu.memory_space<hbm>>
    tpu.wait_dma2 semaphore(%arg16 : memref<!tpu.dma_semaphore, #tpu.memory_space<semaphore_mem>>) src(%arg8 : memref<128x128xf32, #tpu.memory_space<vmem>>) dst(%dma_wait3A_212 : memref<128x128xf32, #tpu.memory_space<hbm>>)
    %add3A_213 = arith.constant 28544 : i32
    %add3A_214 = arith.addi %mul3A_4, %add3A_213 : i32
    %dma_wait3A_215 = arith.constant 0 : i32
    %dma_wait3A_216 = tpu.memref_slice %arg4[%add3A_214, %dma_wait3A_215] : memref<917504x128xf32, #tpu.memory_space<hbm>> -> memref<128x128xf32, #tpu.memory_space<hbm>>
    %dma_wait3A_217 = arith.constant 0 : i32
    %dma_wait3A_218 = tpu.memref_slice %arg4[%add3A_214, %dma_wait3A_217] : memref<917504x128xf32, #tpu.memory_space<hbm>> -> memref<128x128xf32, #tpu.memory_space<hbm>>
    tpu.wait_dma2 semaphore(%arg17 : memref<!tpu.dma_semaphore, #tpu.memory_space<semaphore_mem>>) src(%arg9 : memref<128x128xf32, #tpu.memory_space<vmem>>) dst(%dma_wait3A_218 : memref<128x128xf32, #tpu.memory_space<hbm>>)
    return
  }
}

</mosaic_0001>

<sc_bundles>
// kernel: kernel.4.cloned.1.call-start
scs
__scs_entry_jumppad:
0x0: {  	(pc) =	sbr.rel $0x88, $3  }
0x1: {  	(tag) =	ssettag $0x0;
	lr =	simm.s32 $0x1  }
0x2: {  	[smem:$0x3F9F] =	sst lr;
	_ =	strace $0xD0000000  }
0x3: {  	_ = 	snop  }
0x4: {  	_ = 	snop  }
0x5: {  	_ = 	snop  }
0x6: {  	_ = 	snop  }
0x7: {  	_ = 	snop  }
__scs_overlays_trampoline_lowered:
0x8: {  	[smem:$0x3FAE] =	sst s0  }
0x9: {  	[smem:$0x3FAF] =	sst s1  }
0xa: {  	[smem:$0x3FB0] =	sst s2  }
0xb: {  	[smem:$0x3FB1] =	sst s3  }
0xc: {  	[smem:$0x3FB2] =	sst s4  }
0xd: {  	[smem:$0x3FB3] =	sst s5  }
0xe: {  	[smem:$0x3FB4] =	sst s6  }
0xf: {  	[smem:$0x3FB5] =	sst s7  }
0x10: {  	[smem:$0x3FB6] =	sst s8  }
0x11: {  	[smem:$0x3FB7] =	sst s9;
	s0 =	simm.s32 @!p0 $0x0  }
0x12: {  	s1 =	sld [smem:$0x3F9D];
	s0 =	simm.s32 @p0 $0x1  }
0x13: {  	[smem:$0x3FB8] =	sst s0;
	s0 =	simm.s32 @!p1 $0x0  }
0x14: {  	s2 =	sld [smem:$0x3F9C];
	s0 =	simm.s32 @p1 $0x1  }
0x15: {  	[smem:$0x3FB9] =	sst s0;
	s0 =	simm.s32 @!p2 $0x0  }
0x16: {  	s3 =	sld [smem:$0x3FDB];
	s0 =	simm.s32 @p2 $0x1  }
0x17: {  	s4 =	simm.s32 $0x1BF5;
	[smem:$0x3FBB] =	sst s0  }
0x18: {  	s0 =	sld [smem:$0x3F9E];
	_ =	swait.ge [sflag:s4], $0x0  }
0x19: {  	s7 =	sld [smem:$0x3F9F]  }
0x1a: {  	s8 =	sadd.s32 $0xFFFFE003, lr  }
0x1b: {  	s9 =	sadd.s32 $0xFFFFFEF7, lr;
	s5 =	simm.s32 $0xFFFFFFFF;
	p2 =	slt.u32 s8, $0xFFFFF086  }
0x1c: {  	p1 =	slt.u32 s9, $0xF7A;
	s5 =	simm.s32 @!p2 $0x0  }
0x1d: {  	s5 =	simm.s32 @p1 $0x1;
	p0 =	seq.s32 s7, s2  }
0x1e: {  	s7 =	smul.u32 @!p0 $0xF7A, s2;
	p2 =	seq.s32 @!p0 s5, $0x0  }
0x1f: {  	s9 =	smul.u32 $0xF7A, s1;
	s8 =	simm.s32 @!p0 $0x1BF5;
	p2 =	por !p2, p0  }
0x20: {  	[sflag:s8] =	ssyncset.s32 @!p0 $0xFFFFF086;
	s6 =	sadd.s32 @!p0 s3, s7;
	s7 =	simm.s32 @!p0 $0x108  }
0x21: {  	s3 =	sadd.s32 s3, s9;
	s6 =	sadd.s32 @!p0 $0x88, s6;
	s7 =	simm.s32 @p2 $0x1082  }
0x22: {  	[simem:s7], [sflag:s8] =	dma.local @!p0 [hbm:s6], $0xF7A  }
0x23: {  	s9 =	sor.u32 $0xD0000000, s2;
	s6 =	simm.s32 $0x108;
	_ =	swait.ge @!p0 [sflag:s8], $0x0  }
0x24: {  	s3 =	sadd.s32 $0x88, s3;
	s6 =	simm.s32 @!p1 $0x1082;
	[sflag:s4] =	ssyncset.s32 $0xFFFFF086  }
0x25: {  	[simem:s6], [sflag:s4] =	dma.local [hbm:s3], $0xF7A  }
0x26: {  	[smem:$0x3F9F] =	sst s1;
	(tag) =	ssettag s2;
	_ =	strace s9  }
0x27: {  	s1 =	sld [smem:$0x3FAF]  }
0x28: {  	s2 =	sld [smem:$0x3FB0]  }
0x29: {  	s4 =	sld [smem:$0x3FB2]  }
0x2a: {  	p0 =	seq.s32 s5, $0x0;
	s5 =	sld [smem:$0x3FB3]  }
0x2b: {  	s6 =	sld [smem:$0x3FB4]  }
0x2c: {  	s7 =	sld [smem:$0x3FB5]  }
0x2d: {  	s3 =	simm.s32 $0x108;
	s8 =	sld [smem:$0x3FB6]  }
0x2e: {  	s3 =	simm.s32 @!p0 $0x1082;
	s9 =	sld [smem:$0x3FB7]  }
0x2f: {  	lr =	sadd.s32 s0, s3;
	s0 =	sld [smem:$0x3FAE]  }
0x30: {  	s3 =	sld [smem:$0x3FB1]  }
0x31: {  	[smem:$0x3FBA] =	sst s10  }
0x32: {  	s10 =	sld [smem:$0x3FB8];
	_ =	sdelay $0x3  }
0x33: {  	p0 =	seq.s32 s10, $0x1;
	s10 =	sld [smem:$0x3FBA];
	_ =	sdelay $0x3  }
0x34: {  	[smem:$0x3FBA] =	sst s10  }
0x35: {  	s10 =	sld [smem:$0x3FB9];
	_ =	sdelay $0x3  }
0x36: {  	p1 =	seq.s32 s10, $0x1;
	s10 =	sld [smem:$0x3FBA];
	_ =	sdelay $0x3  }
0x37: {  	[smem:$0x3FBA] =	sst s10  }
0x38: {  	s10 =	sld [smem:$0x3FBB]  }
0x39: {  	_ = 	snop;
	(pc) =	sbr.ind lr, $3  }
0x3a: {  	_ = 	snop  }
0x3b: {  	_ = 	snop  }
0x3c: {  	p2 =	seq.s32 s10, $0x1;
	s10 =	sld [smem:$0x3FBA]  }
0x3d: {  	_ =	shalt  }
0x3e: {  	_ =	shalt  }
0x3f: {  	_ =	shalt  }
0x40: {  	_ =	shalt  }
0x41: {  	_ =	shalt  }
0x42: {  	_ =	shalt  }
0x43: {  	_ =	shalt  }
0x44: {  	_ =	shalt  }
0x45: {  	_ =	shalt  }
0x46: {  	_ =	shalt  }
0x47: {  	_ =	shalt  }
0x48: {  	_ =	shalt  }
0x49: {  	_ =	shalt  }
0x4a: {  	_ =	shalt  }
0x4b: {  	_ =	shalt  }
0x4c: {  	_ =	shalt  }
0x4d: {  	_ =	shalt  }
0x4e: {  	_ =	shalt  }
0x4f: {  	_ =	shalt  }
0x50: {  	_ =	shalt  }
0x51: {  	_ =	shalt  }
0x52: {  	_ =	shalt  }
0x53: {  	_ =	shalt  }
0x54: {  	_ =	shalt  }
0x55: {  	_ =	shalt  }
0x56: {  	_ =	shalt  }
0x57: {  	_ =	shalt  }
0x58: {  	_ =	shalt  }
0x59: {  	_ =	shalt  }
0x5a: {  	_ =	shalt  }
0x5b: {  	_ =	shalt  }
0x5c: {  	_ =	shalt  }
0x5d: {  	_ =	shalt  }
0x5e: {  	_ =	shalt  }
0x5f: {  	_ =	shalt  }
0x60: {  	_ =	shalt  }
0x61: {  	_ =	shalt  }
0x62: {  	_ =	shalt  }
0x63: {  	_ =	shalt  }
0x64: {  	_ =	shalt  }
0x65: {  	_ =	shalt  }
0x66: {  	_ =	shalt  }
0x67: {  	_ =	shalt  }
0x68: {  	_ =	shalt  }
0x69: {  	_ =	shalt  }
0x6a: {  	_ =	shalt  }
0x6b: {  	_ =	shalt  }
0x6c: {  	_ =	shalt  }
0x6d: {  	_ =	shalt  }
0x6e: {  	_ =	shalt  }
0x6f: {  	_ =	shalt  }
0x70: {  	_ =	shalt  }
0x71: {  	_ =	shalt  }
0x72: {  	_ =	shalt  }
0x73: {  	_ =	shalt  }
0x74: {  	_ =	shalt  }
0x75: {  	_ =	shalt  }
0x76: {  	_ =	shalt  }
0x77: {  	_ =	shalt  }
0x78: {  	_ =	shalt  }
0x79: {  	_ =	shalt  }
0x7a: {  	_ =	shalt  }
0x7b: {  	_ =	shalt  }
0x7c: {  	_ =	shalt  }
0x7d: {  	_ =	shalt  }
0x7e: {  	_ =	shalt  }
0x7f: {  	_ =	shalt  }
0x80: {  	_ =	shalt  }
0x81: {  	_ =	shalt  }
0x82: {  	_ =	shalt  }
0x83: {  	_ =	shalt  }
0x84: {  	_ =	shalt  }
0x85: {  	_ =	shalt  }
0x86: {  	_ =	shalt  }
0x87: {  	_ =	shalt  }
.Lfunc_end0:
.L_simem_size_0:
called_computation.1_lowered:
.L_overlay_start_0:
0x88: {  	s2 =	sld [smem:$0x3FD9]  }
0x89: {  	s3 =	sld [smem:$0x3FFE];
	_ =	sdelay $0x1  }
0x8a: {  	s1 =	srdreg.scid  }
0x8b: {  	s0 =	sand.u32 $0x1, s1  }
0x8c: {  	s17 =	sshll.u32 s0, $0xA;
	s2 =	sadd.s32 s3, s2  }
0x8d: {  	s2 =	sadd.s32 s2, s17  }
0x8e: {  	[smem:$0x3FC6] =	sst s2  }
0x8f: {  	_ = 	snop  }
0x90: {  	s2 =	sld [smem:$0x3FD0];
	(tm) =	ssettm $0x1  }
0x91: {  	s18 =	sld [smem:$0x3FFB];
	_ =	sdelay $0x3  }
0x92: {  	_ =	strace s18  }
0x93: {  	s3 =	sld [smem:$0x3FFC];
	_ =	sdelay $0x3  }
0x94: {  	_ =	strace s3  }
0x95: {  	s3 =	sld [smem:$0x3FFD];
	_ =	sdelay $0x3  }
0x96: {  	_ =	strace s3  }
0x97: {  	_ =	strace $0x8FFFFFFF  }
0x98: {  	s19 =	sld [smem:$0x3FDB];
	_ =	sdelay $0x1  }
0x99: {  	s4 =	simm.s32 $_scs_section_size  }
0x9a: {  	s5 =	simm.s32 $_size__tile_overlayer_lowered;
	s6 =	simm.s32 $_tile_overlayer_lowered  }
0x9b: {  	s22 =	simm.s32 $0x1BFF;
	s21 =	sshll.u32 s6, $0x1;
	s3 =	sadd.s32 s4, s19  }
0x9c: {  	s7 =	simm.s32 $0x0;
	s20 =	sshll.u32 s5, $0x1;
	s5 =	sadd.s32 s21, s3  }
0x9d: {  	[timem:s7], [sflag:s22] =	dma.local [hbm:s5], s20  }
0x9e: {  	_ =	swait.ge [sflag:s22], s20  }
0x9f: {  	s4 =	ssub.s32 $0x0, s20;
	[sflag:s22] =	ssyncset.done $0x0  }
0xa0: {  	[sflag:s22] =	ssyncadd.s32 s4;
	_ =	sdelay $0x1  }
0xa1: {  	s23 =	simm.s32 $0x1B8B  }
0xa2: {  	_ =	swait.ge [sflag:s23], $0x1  }
0xa3: {  	[sflag:s23] =	ssyncset.done $0x0  }
0xa4: {  	s25 =	simm.s32 $0x1B8E;
	s24 =	sld [smem:$0x3FFE];
	[sflag:s23] =	ssyncadd.s32 $0xFFFFFFFF  }
0xa5: {  	s26 =	simm.s32 $execute0_lowered;
	[smem:$0x3FD2] =	sst s25  }
0xa6: {  	s5 =	sshll.u32 s26, $0x1;
	_ =	strace $0x80000046;
	[dreg:$0x1] =	wrdreg $0xFFFFFFFF  }
0xa7: {  	s28 =	simm.s32 $_size_execute0_lowered;
	s3 =	sadd.s32 s3, s5;
	[dreg:$0x0] =	wrdreg $0x0  }
0xa8: {  	s5 =	sshll.u32 s28, $0x1;
	[dreg:$0x2] =	wrdreg s3  }
0xa9: {  	[dreg:$0x3] =	wrdreg s5  }
0xaa: {  	[dreg:$0x4] =	wrdreg $0xC0  }
0xab: {  	_ =	task [dreg:s7], $0x5FFFF  }
0xac: {  	[dreg:$0x1] =	wrdreg $0xFFFFFFFF  }
0xad: {  	[dreg:$0x0] =	wrdreg $0x60  }
0xae: {  	[dreg:$0x2] =	wrdreg s2  }
0xaf: {  	[dreg:$0x3] =	wrdreg s24  }
0xb0: {  	[dreg:$0x4] =	wrdreg $0x9  }
0xb1: {  	_ =	task.clear_ibuf [dreg:s7], $0x5FFFF;
	_ =	strace $0x90000046  }
0xb2: {  	s29 =	simm.s32 $0x9;
	_ =	strace $0x80000048  }
0xb3: {  	_ =	swait.ge [sflag:s29], $0x1  }
0xb4: {  	[sflag:s29] =	ssyncadd.s32 $0xFFFFFFFF  }
0xb5: {  	_ =	strace $0x90000048  }
0xb6: {  	_ =	sfence  }
0xb7: {  	s30 =	sld [smem:$0x0];
	_ =	sdelay $0x2  }
0xb8: {  	s31 =	sshll.u32 s1, $0xD;
	s1 =	sshrl.u32 s1, $0x2  }
0xb9: {  	s3 =	sand.u32 $0x4000, s31;
	s1 =	sadd.s32 s1, s30  }
0xba: {  	s0 =	sor.u32 s3, s0;
	s1 =	sshll.u32 s1, $0x11  }
0xbb: {  	s0 =	sor.u32 s1, s0  }
0xbc: {  	s0 =	sadd.s32 $0x8F2B, s0  }
0xbd: {  	[sflag:s0] =	ssyncadd.remote.s32 $0x1  }
0xbe: {  	_ =	sfence.sel $0xFFFF  }
0xbf: {  	[dreg:$0x0] =	wrdreg $0xFFFFFFFF;
	(pc) =	sbr.abs _section_cstart, $3  }
0xc0: {  	[dreg:$0x1] =	wrdreg $0xFFFFFFFF  }
0xc1: {  	_ =	task.clear_ibuf [dreg:s7], $0x2FFFF;
	_ =	strace $0x9FFFFFFF  }
0xc2: {  	(tm) =	ssettm $0x7FFFFFFF  }
0xc3: {  	_ =	shalt  }
tec
execute0_lowered:
.L_overlay_start_1:
0x0: {  	(tag) =	ssettag $0x1  }
0x1: {  	s3 =	rddreg [dreg:$0x0];
	s1 =	srdreg.scid  }
0x2: {  	s0 =	stileid.u32;
	s4 =	rddreg [dreg:$0x1];
	s2 =	simm.s32 $0x0  }
0x3: {  	s5 =	sand.u32 $0x1, s1;
	s6 =	sshll.u32 s0, $0x1;
	s1 =	rddreg [dreg:$0x2]  }
0x4: {  	[smem:$0x7FF] =	sst s2;
	s6 =	sor.u32 s5, s6;
	s5 =	ssub.s32 $0x2, s5  }
0x5: {  	s7 =	smul.u32 $0xE00, s6;
	s8 =	sshrl.u32 s5, $0x1;
	s6 =	sshll.u32 s6, $0xD  }
0x6: {  	_ =	strace $0x80000047;
	s5 =	ssub.s32 s5, s8;
	s3 =	sadd.s32 s3, s6  }
0x7: {  	s6 =	simm.s32 $0x1;
	s8 =	simm.s32 $0x0;
	s4 =	sadd.s32 s7, s4  }
0x8: {  	v0 =	vlaneseq.u32;
	v1 =	vimm.s32 $0x0;
	vm0 =	vcmask $0x3F38;
	s5 =	smax.u32 s5, $0x1;
	s7 =	simm.s32 $0x10000;
	s4 =	sadd.s32 $0xC00, s4  }
.LBB2_1:
0x9: {  	s9 =	simm.s32 $0x0  }
0xa: {  	v2 =	vor.u32 s9, v0  }
0xb: {  	v3 =	vmov s9;
	v2 =	vand.u32 $0x4F, v2  }
0xc: {  	vm1 =	veq.s32 v3, v0;
	vm2 =	vne.s32 v2, $0x0  }
0xd: {  	vm1 =	vmand vm1, vm2  }
0xe: {  	[tilespmem:s2], [sflag:$0x1] =	stream.linear.gather [hbm4b:s3+s2], $0x10000, $0x38;
	v3 =	vsel vm1, $0xFFFFFFFF, v1;
	[tilespmem:$0x17000] =	vst v63  }
0xf: {  	_ =	swait.ge [sflag:s6], $0x10000;
	v3 =	vshll.u32 v3, $0x7  }
0x10: {  	[sflag:s6] =	ssyncset.done $0x0;
	v3 =	vadd.s32 s9, v3  }
0x11: {  	[sflag:s6] =	ssyncadd.s32 $0xFFFF0000;
	s9 =	simm.s32 $0x200;
	v3 =	vand.u32 $0xFFFFFF80, v3  }
0x12: {  	v4 =	vld [tilespmem:s9+$0xFFFFFE00];
	v2 =	vor.u32 v2, v3;
	_ =	sdelay $0x4  }
0x13: {  	s10 =	simm.s32 $0x10;
	[tilespmem:v2+s7+$0x0] =	vst.idx.msk $0xffff, v4  }
0x14: {  	v3 =	vor.u32 s10, v0;
	v2 =	vld [tilespmem:s9+$0xFFFFFE10];
	_ =	sdelay $0x4  }
0x15: {  	s14 =	simm.s32 $0x20;
	[tilespmem:v3+s7+$0x0] =	vst.idx.msk $0xffff, v2  }
0x16: {  	v3 =	vor.u32 s14, v0;
	v2 =	vld [tilespmem:s9+$0xFFFFFE20];
	_ =	sdelay $0x4  }
0x17: {  	s15 =	simm.s32 $0x22;
	[tilespmem:v3+s7+$0x0] =	vst.idx.msk $0xffff, v2  }
0x18: {  	s16 =	simm.s32 $0x32;
	v3 =	vadd.s32 s15, v0;
	v2 =	vld [tilespmem:s9+$0xFFFFFE22]  }
0x19: {  	v4 =	vadd.s32 s16, v0;
	_ =	sdelay $0x3  }
0x1a: {  	[tilespmem:v3+s7+$0x0] =	vst.idx.msk vm0, v2  }
0x1b: {  	s17 =	simm.s32 $0x38;
	[tilespmem:v4+s7+$0x0] =	vst.idx.msk $0x3f, v4  }
0x1c: {  	v3 =	vadd.s32 s17, v0;
	v2 =	vld [tilespmem:s9+$0xFFFFFE80];
	_ =	sdelay $0x4  }
0x1d: {  	s18 =	simm.s32 $0x48;
	[tilespmem:v3+s7+$0x0] =	vst.idx.msk $0xffff, v2  }
0x1e: {  	v3 =	vadd.s32 s18, v0;
	v2 =	vld [tilespmem:s9+$0xFFFFFE90];
	_ =	sdelay $0x4  }
0x1f: {  	s19 =	simm.s32 $0x58;
	[tilespmem:v3+s7+$0x0] =	vst.idx.msk $0xffff, v2  }
0x20: {  	v3 =	vadd.s32 s19, v0;
	v2 =	vld [tilespmem:s9+$0xFFFFFEA0];
	_ =	sdelay $0x4  }
0x21: {  	s20 =	simm.s32 $0x5A;
	[tilespmem:v3+s7+$0x0] =	vst.idx.msk $0xffff, v2  }
0x22: {  	s21 =	simm.s32 $0x6A;
	v3 =	vadd.s32 s20, v0;
	v2 =	vld [tilespmem:s9+$0xFFFFFEA2]  }
0x23: {  	v4 =	vadd.s32 s21, v0;
	_ =	sdelay $0x3  }
0x24: {  	[tilespmem:v3+s7+$0x0] =	vst.idx.msk vm0, v2  }
0x25: {  	s22 =	simm.s32 $0x70;
	[tilespmem:v4+s7+$0x0] =	vst.idx.msk $0x3f, v4  }
0x26: {  	v3 =	vor.u32 s22, v0;
	v2 =	vld [tilespmem:s9+$0xFFFFFF00];
	_ =	sdelay $0x4  }
0x27: {  	s23 =	simm.s32 $0x80;
	[tilespmem:v3+s7+$0x0] =	vst.idx.msk $0xffff, v2  }
0x28: {  	v3 =	vor.u32 s23, v0;
	v2 =	vld [tilespmem:s9+$0xFFFFFF10];
	_ =	sdelay $0x4  }
0x29: {  	s24 =	simm.s32 $0x90;
	[tilespmem:v3+s7+$0x0] =	vst.idx.msk $0xffff, v2  }
0x2a: {  	v3 =	vor.u32 s24, v0;
	v2 =	vld [tilespmem:s9+$0xFFFFFF20];
	_ =	sdelay $0x4  }
0x2b: {  	s25 =	simm.s32 $0x92;
	[tilespmem:v3+s7+$0x0] =	vst.idx.msk $0xffff, v2  }
0x2c: {  	s26 =	simm.s32 $0xA2;
	v3 =	vadd.s32 s25, v0;
	v2 =	vld [tilespmem:s9+$0xFFFFFF22]  }
0x2d: {  	v4 =	vadd.s32 s26, v0;
	_ =	sdelay $0x3  }
0x2e: {  	[tilespmem:v3+s7+$0x0] =	vst.idx.msk vm0, v2  }
0x2f: {  	s28 =	simm.s32 $0xA8;
	[tilespmem:v4+s7+$0x0] =	vst.idx.msk $0x3f, v4  }
0x30: {  	v3 =	vadd.s32 s28, v0;
	v2 =	vld [tilespmem:s9+$0xFFFFFF80];
	_ =	sdelay $0x4  }
0x31: {  	s29 =	simm.s32 $0xB8;
	[tilespmem:v3+s7+$0x0] =	vst.idx.msk $0xffff, v2  }
0x32: {  	v3 =	vadd.s32 s29, v0;
	v2 =	vld [tilespmem:s9+$0xFFFFFF90];
	_ =	sdelay $0x4  }
0x33: {  	s30 =	simm.s32 $0xC8;
	[tilespmem:v3+s7+$0x0] =	vst.idx.msk $0xffff, v2  }
0x34: {  	v3 =	vadd.s32 s30, v0;
	v2 =	vld [tilespmem:s9+$0xFFFFFFA0];
	_ =	sdelay $0x4  }
0x35: {  	s31 =	simm.s32 $0xCA;
	[tilespmem:v3+s7+$0x0] =	vst.idx.msk $0xffff, v2  }
0x36: {  	s11 =	simm.s32 $0xDA;
	v3 =	vadd.s32 s31, v0;
	v2 =	vld [tilespmem:s9+$0xFFFFFFA2]  }
0x37: {  	v4 =	vadd.s32 s11, v0;
	_ =	sdelay $0x3  }
0x38: {  	[tilespmem:v3+s7+$0x0] =	vst.idx.msk vm0, v2  }
0x39: {  	s12 =	simm.s32 $0xE0;
	[tilespmem:v4+s7+$0x0] =	vst.idx.msk $0x3f, v4  }
0x3a: {  	v3 =	vor.u32 s12, v0;
	v2 =	vld [tilespmem:s9+$0x0];
	_ =	sdelay $0x4  }
0x3b: {  	s13 =	simm.s32 $0xF0;
	[tilespmem:v3+s7+$0x0] =	vst.idx.msk $0xffff, v2  }
0x3c: {  	v3 =	vor.u32 s13, v0;
	v2 =	vld [tilespmem:s9+$0x10];
	_ =	sdelay $0x4  }
0x3d: {  	s14 =	simm.s32 $0x100;
	[tilespmem:v3+s7+$0x0] =	vst.idx.msk $0xffff, v2  }
0x3e: {  	v3 =	vor.u32 s14, v0;
	v2 =	vld [tilespmem:s9+$0x20];
	_ =	sdelay $0x4  }
0x3f: {  	s15 =	simm.s32 $0x102;
	[tilespmem:v3+s7+$0x0] =	vst.idx.msk $0xffff, v2  }
0x40: {  	s16 =	simm.s32 $0x112;
	v3 =	vadd.s32 s15, v0;
	v2 =	vld [tilespmem:s9+$0x22]  }
0x41: {  	v4 =	vadd.s32 s16, v0;
	_ =	sdelay $0x3  }
0x42: {  	[tilespmem:v3+s7+$0x0] =	vst.idx.msk vm0, v2  }
0x43: {  	s17 =	simm.s32 $0x118;
	[tilespmem:v4+s7+$0x0] =	vst.idx.msk $0x3f, v4  }
0x44: {  	v3 =	vadd.s32 s17, v0;
	v2 =	vld [tilespmem:s9+$0x80];
	_ =	sdelay $0x4  }
0x45: {  	s18 =	simm.s32 $0x128;
	[tilespmem:v3+s7+$0x0] =	vst.idx.msk $0xffff, v2  }
0x46: {  	v3 =	vadd.s32 s18, v0;
	v2 =	vld [tilespmem:s9+$0x90];
	_ =	sdelay $0x4  }
0x47: {  	s19 =	simm.s32 $0x138;
	[tilespmem:v3+s7+$0x0] =	vst.idx.msk $0xffff, v2  }
0x48: {  	v3 =	vadd.s32 s19, v0;
	v2 =	vld [tilespmem:s9+$0xA0];
	_ =	sdelay $0x4  }
0x49: {  	s20 =	simm.s32 $0x13A;
	[tilespmem:v3+s7+$0x0] =	vst.idx.msk $0xffff, v2  }
0x4a: {  	s21 =	simm.s32 $0x14A;
	v3 =	vadd.s32 s20, v0;
	v2 =	vld [tilespmem:s9+$0xA2]  }
0x4b: {  	v4 =	vadd.s32 s21, v0;
	_ =	sdelay $0x3  }
0x4c: {  	[tilespmem:v3+s7+$0x0] =	vst.idx.msk vm0, v2  }
0x4d: {  	s22 =	simm.s32 $0x150;
	[tilespmem:v4+s7+$0x0] =	vst.idx.msk $0x3f, v4  }
0x4e: {  	v3 =	vor.u32 s22, v0;
	v2 =	vld [tilespmem:s9+$0x100];
	_ =	sdelay $0x4  }
0x4f: {  	s23 =	simm.s32 $0x160;
	[tilespmem:v3+s7+$0x0] =	vst.idx.msk $0xffff, v2  }
0x50: {  	v3 =	vor.u32 s23, v0;
	v2 =	vld [tilespmem:s9+$0x110];
	_ =	sdelay $0x4  }
0x51: {  	s24 =	simm.s32 $0x170;
	[tilespmem:v3+s7+$0x0] =	vst.idx.msk $0xffff, v2  }
0x52: {  	v3 =	vor.u32 s24, v0;
	v2 =	vld [tilespmem:s9+$0x120];
	_ =	sdelay $0x4  }
0x53: {  	s25 =	simm.s32 $0x172;
	[tilespmem:v3+s7+$0x0] =	vst.idx.msk $0xffff, v2  }
0x54: {  	s26 =	simm.s32 $0x182;
	v3 =	vadd.s32 s25, v0;
	v2 =	vld [tilespmem:s9+$0x122]  }
0x55: {  	v4 =	vadd.s32 s26, v0;
	_ =	sdelay $0x3  }
0x56: {  	[tilespmem:v3+s7+$0x0] =	vst.idx.msk vm0, v2  }
0x57: {  	s28 =	simm.s32 $0x188;
	[tilespmem:v4+s7+$0x0] =	vst.idx.msk $0x3f, v4  }
0x58: {  	v3 =	vadd.s32 s28, v0;
	v2 =	vld [tilespmem:s9+$0x180];
	_ =	sdelay $0x4  }
0x59: {  	s29 =	simm.s32 $0x198;
	[tilespmem:v3+s7+$0x0] =	vst.idx.msk $0xffff, v2  }
0x5a: {  	v3 =	vadd.s32 s29, v0;
	v2 =	vld [tilespmem:s9+$0x190];
	_ =	sdelay $0x4  }
0x5b: {  	s30 =	simm.s32 $0x1A8;
	[tilespmem:v3+s7+$0x0] =	vst.idx.msk $0xffff, v2  }
0x5c: {  	v3 =	vadd.s32 s30, v0;
	v2 =	vld [tilespmem:s9+$0x1A0];
	_ =	sdelay $0x2  }
0x5d: {  	s12 =	simm.s32 $0x1C0  }
0x5e: {  	v4 =	vor.u32 s12, v0  }
0x5f: {  	[tilespmem:v3+s7+$0x0] =	vst.idx.msk $0xffff, v2;
	v3 =	vmov s12;
	v2 =	vand.u32 $0x4F, v4  }
0x60: {  	s31 =	simm.s32 $0x1AA;
	vm1 =	veq.s32 v3, v0;
	vm2 =	vne.s32 v2, $0x0  }
0x61: {  	v6 =	vadd.s32 s31, v0;
	v5 =	vld [tilespmem:s9+$0x1A2];
	vm1 =	vmand vm1, vm2  }
0x62: {  	s13 =	simm.s32 $0x1BA;
	v3 =	vsel vm1, $0xFFFFFFFF, v1  }
0x63: {  	v4 =	vshll.u32 v3, $0x7;
	v3 =	vadd.s32 s13, v0;
	_ =	sdelay $0x2  }
0x64: {  	s10 =	simm.s32 $0x37A;
	s11 =	simm.s32 $0x53A;
	v4 =	vadd.s32 s12, v4;
	[tilespmem:v6+s7+$0x0] =	vst.idx.msk vm0, v5  }
.LBB2_2:
0x65: {  	p0 =	sne.s32 s11, $0x6FFA  }
0x66: {  	v4 =	vand.u32 $0xFFFFFF80, v4;
	[tilespmem:v3+s7+$0x0] =	vst.idx.msk $0x3f, v3;
	s9 =	sadd.s32 $0x400, s9;
	s12 =	smov.u32 s11;
	s11 =	sadd.s32 $0x1C0, s11  }
0x67: {  	v3 =	vld [tilespmem:s9+$0xFFFFFE00];
	v2 =	vor.u32 v2, v4;
	_ =	sdelay $0x4  }
0x68: {  	s13 =	sadd.s32 $0xFFFFFE56, s10;
	[tilespmem:v2+s7+$0x0] =	vst.idx.msk $0xffff, v3  }
0x69: {  	v3 =	vor.u32 s13, v0;
	v2 =	vld [tilespmem:s9+$0xFFFFFE10];
	_ =	sdelay $0x4  }
0x6a: {  	s13 =	sadd.s32 $0xFFFFFE66, s10;
	[tilespmem:v3+s7+$0x0] =	vst.idx.msk $0xffff, v2  }
0x6b: {  	v3 =	vor.u32 s13, v0;
	v2 =	vld [tilespmem:s9+$0xFFFFFE20];
	_ =	sdelay $0x4  }
0x6c: {  	s13 =	sadd.s32 $0xFFFFFE68, s10;
	[tilespmem:v3+s7+$0x0] =	vst.idx.msk $0xffff, v2  }
0x6d: {  	v3 =	vadd.s32 s13, v0;
	s13 =	sadd.s32 $0xFFFFFE78, s10;
	v2 =	vld [tilespmem:s9+$0xFFFFFE22]  }
0x6e: {  	v4 =	vadd.s32 s13, v0;
	_ =	sdelay $0x3  }
0x6f: {  	[tilespmem:v3+s7+$0x0] =	vst.idx.msk vm0, v2  }
0x70: {  	s13 =	sadd.s32 $0xFFFFFE7E, s10;
	[tilespmem:v4+s7+$0x0] =	vst.idx.msk $0x3f, v4  }
0x71: {  	v3 =	vadd.s32 s13, v0;
	v2 =	vld [tilespmem:s9+$0xFFFFFE80];
	_ =	sdelay $0x4  }
0x72: {  	s13 =	sadd.s32 $0xFFFFFE8E, s10;
	[tilespmem:v3+s7+$0x0] =	vst.idx.msk $0xffff, v2  }
0x73: {  	v3 =	vadd.s32 s13, v0;
	v2 =	vld [tilespmem:s9+$0xFFFFFE90];
	_ =	sdelay $0x4  }
0x74: {  	s13 =	sadd.s32 $0xFFFFFE9E, s10;
	[tilespmem:v3+s7+$0x0] =	vst.idx.msk $0xffff, v2  }
0x75: {  	v3 =	vadd.s32 s13, v0;
	v2 =	vld [tilespmem:s9+$0xFFFFFEA0];
	_ =	sdelay $0x4  }
0x76: {  	s13 =	sadd.s32 $0xFFFFFEA0, s10;
	[tilespmem:v3+s7+$0x0] =	vst.idx.msk $0xffff, v2  }
0x77: {  	v3 =	vadd.s32 s13, v0;
	s13 =	sadd.s32 $0xFFFFFEB0, s10;
	v2 =	vld [tilespmem:s9+$0xFFFFFEA2]  }
0x78: {  	v4 =	vadd.s32 s13, v0;
	_ =	sdelay $0x3  }
0x79: {  	[tilespmem:v3+s7+$0x0] =	vst.idx.msk vm0, v2  }
0x7a: {  	s13 =	sadd.s32 $0xFFFFFEB6, s10;
	[tilespmem:v4+s7+$0x0] =	vst.idx.msk $0x3f, v4  }
0x7b: {  	v3 =	vor.u32 s13, v0;
	v2 =	vld [tilespmem:s9+$0xFFFFFF00];
	_ =	sdelay $0x4  }
0x7c: {  	s13 =	sadd.s32 $0xFFFFFEC6, s10;
	[tilespmem:v3+s7+$0x0] =	vst.idx.msk $0xffff, v2  }
0x7d: {  	v3 =	vor.u32 s13, v0;
	v2 =	vld [tilespmem:s9+$0xFFFFFF10];
	_ =	sdelay $0x4  }
0x7e: {  	s13 =	sadd.s32 $0xFFFFFED6, s10;
	[tilespmem:v3+s7+$0x0] =	vst.idx.msk $0xffff, v2  }
0x7f: {  	v3 =	vor.u32 s13, v0;
	v2 =	vld [tilespmem:s9+$0xFFFFFF20];
	_ =	sdelay $0x4  }
0x80: {  	s13 =	sadd.s32 $0xFFFFFED8, s10;
	[tilespmem:v3+s7+$0x0] =	vst.idx.msk $0xffff, v2  }
0x81: {  	v3 =	vadd.s32 s13, v0;
	s13 =	sadd.s32 $0xFFFFFEE8, s10;
	v2 =	vld [tilespmem:s9+$0xFFFFFF22]  }
0x82: {  	v4 =	vadd.s32 s13, v0;
	_ =	sdelay $0x3  }
0x83: {  	[tilespmem:v3+s7+$0x0] =	vst.idx.msk vm0, v2  }
0x84: {  	s13 =	sadd.s32 $0xFFFFFEEE, s10;
	[tilespmem:v4+s7+$0x0] =	vst.idx.msk $0x3f, v4  }
0x85: {  	v3 =	vadd.s32 s13, v0;
	v2 =	vld [tilespmem:s9+$0xFFFFFF80];
	_ =	sdelay $0x4  }
0x86: {  	s13 =	sadd.s32 $0xFFFFFEFE, s10;
	[tilespmem:v3+s7+$0x0] =	vst.idx.msk $0xffff, v2  }
0x87: {  	v3 =	vadd.s32 s13, v0;
	v2 =	vld [tilespmem:s9+$0xFFFFFF90];
	_ =	sdelay $0x4  }
0x88: {  	s13 =	sadd.s32 $0xFFFFFF0E, s10;
	[tilespmem:v3+s7+$0x0] =	vst.idx.msk $0xffff, v2  }
0x89: {  	v3 =	vadd.s32 s13, v0;
	v2 =	vld [tilespmem:s9+$0xFFFFFFA0];
	_ =	sdelay $0x4  }
0x8a: {  	s13 =	sadd.s32 $0xFFFFFF10, s10;
	[tilespmem:v3+s7+$0x0] =	vst.idx.msk $0xffff, v2  }
0x8b: {  	v3 =	vadd.s32 s13, v0;
	s13 =	sadd.s32 $0xFFFFFF20, s10;
	v2 =	vld [tilespmem:s9+$0xFFFFFFA2]  }
0x8c: {  	v4 =	vadd.s32 s13, v0;
	_ =	sdelay $0x3  }
0x8d: {  	[tilespmem:v3+s7+$0x0] =	vst.idx.msk vm0, v2  }
0x8e: {  	s13 =	sadd.s32 $0xFFFFFF26, s10;
	[tilespmem:v4+s7+$0x0] =	vst.idx.msk $0x3f, v4  }
0x8f: {  	v3 =	vor.u32 s13, v0;
	v2 =	vld [tilespmem:s9+$0x0];
	_ =	sdelay $0x4  }
0x90: {  	s13 =	sadd.s32 $0xFFFFFF36, s10;
	[tilespmem:v3+s7+$0x0] =	vst.idx.msk $0xffff, v2  }
0x91: {  	v3 =	vor.u32 s13, v0;
	v2 =	vld [tilespmem:s9+$0x10];
	_ =	sdelay $0x4  }
0x92: {  	s13 =	sadd.s32 $0xFFFFFF46, s10;
	[tilespmem:v3+s7+$0x0] =	vst.idx.msk $0xffff, v2  }
0x93: {  	v3 =	vor.u32 s13, v0;
	v2 =	vld [tilespmem:s9+$0x20];
	_ =	sdelay $0x4  }
0x94: {  	s13 =	sadd.s32 $0xFFFFFF48, s10;
	[tilespmem:v3+s7+$0x0] =	vst.idx.msk $0xffff, v2  }
0x95: {  	v3 =	vadd.s32 s13, v0;
	s13 =	sadd.s32 $0xFFFFFF58, s10;
	v2 =	vld [tilespmem:s9+$0x22]  }
0x96: {  	v4 =	vadd.s32 s13, v0;
	_ =	sdelay $0x3  }
0x97: {  	[tilespmem:v3+s7+$0x0] =	vst.idx.msk vm0, v2  }
0x98: {  	s13 =	sadd.s32 $0xFFFFFF5E, s10;
	[tilespmem:v4+s7+$0x0] =	vst.idx.msk $0x3f, v4  }
0x99: {  	v3 =	vadd.s32 s13, v0;
	v2 =	vld [tilespmem:s9+$0x80];
	_ =	sdelay $0x4  }
0x9a: {  	s13 =	sadd.s32 $0xFFFFFF6E, s10;
	[tilespmem:v3+s7+$0x0] =	vst.idx.msk $0xffff, v2  }
0x9b: {  	v3 =	vadd.s32 s13, v0;
	v2 =	vld [tilespmem:s9+$0x90];
	_ =	sdelay $0x4  }
0x9c: {  	s13 =	sadd.s32 $0xFFFFFF7E, s10;
	[tilespmem:v3+s7+$0x0] =	vst.idx.msk $0xffff, v2  }
0x9d: {  	v3 =	vadd.s32 s13, v0;
	v2 =	vld [tilespmem:s9+$0xA0];
	_ =	sdelay $0x4  }
0x9e: {  	s13 =	sadd.s32 $0xFFFFFF80, s10;
	[tilespmem:v3+s7+$0x0] =	vst.idx.msk $0xffff, v2  }
0x9f: {  	v3 =	vadd.s32 s13, v0;
	s13 =	sadd.s32 $0xFFFFFF90, s10;
	v2 =	vld [tilespmem:s9+$0xA2]  }
0xa0: {  	v4 =	vadd.s32 s13, v0;
	_ =	sdelay $0x3  }
0xa1: {  	[tilespmem:v3+s7+$0x0] =	vst.idx.msk vm0, v2  }
0xa2: {  	s13 =	sadd.s32 $0xFFFFFF96, s10;
	[tilespmem:v4+s7+$0x0] =	vst.idx.msk $0x3f, v4  }
0xa3: {  	v3 =	vor.u32 s13, v0;
	v2 =	vld [tilespmem:s9+$0x100];
	_ =	sdelay $0x4  }
0xa4: {  	s13 =	sadd.s32 $0xFFFFFFA6, s10;
	[tilespmem:v3+s7+$0x0] =	vst.idx.msk $0xffff, v2  }
0xa5: {  	v3 =	vor.u32 s13, v0;
	v2 =	vld [tilespmem:s9+$0x110];
	_ =	sdelay $0x4  }
0xa6: {  	s13 =	sadd.s32 $0xFFFFFFB6, s10;
	[tilespmem:v3+s7+$0x0] =	vst.idx.msk $0xffff, v2  }
0xa7: {  	v3 =	vor.u32 s13, v0;
	v2 =	vld [tilespmem:s9+$0x120];
	_ =	sdelay $0x4  }
0xa8: {  	s13 =	sadd.s32 $0xFFFFFFB8, s10;
	[tilespmem:v3+s7+$0x0] =	vst.idx.msk $0xffff, v2  }
0xa9: {  	v3 =	vadd.s32 s13, v0;
	s13 =	sadd.s32 $0xFFFFFFC8, s10;
	v2 =	vld [tilespmem:s9+$0x122]  }
0xaa: {  	v4 =	vadd.s32 s13, v0;
	_ =	sdelay $0x3  }
0xab: {  	[tilespmem:v3+s7+$0x0] =	vst.idx.msk vm0, v2  }
0xac: {  	s13 =	sadd.s32 $0xFFFFFFCE, s10;
	[tilespmem:v4+s7+$0x0] =	vst.idx.msk $0x3f, v4  }
0xad: {  	v3 =	vadd.s32 s13, v0;
	v2 =	vld [tilespmem:s9+$0x180];
	_ =	sdelay $0x4  }
0xae: {  	s13 =	sadd.s32 $0xFFFFFFDE, s10;
	[tilespmem:v3+s7+$0x0] =	vst.idx.msk $0xffff, v2  }
0xaf: {  	v3 =	vadd.s32 s13, v0;
	v2 =	vld [tilespmem:s9+$0x190];
	_ =	sdelay $0x4  }
0xb0: {  	s13 =	sadd.s32 $0xFFFFFFEE, s10;
	[tilespmem:v3+s7+$0x0] =	vst.idx.msk $0xffff, v2  }
0xb1: {  	v3 =	vadd.s32 s13, v0;
	v2 =	vld [tilespmem:s9+$0x1A0];
	_ =	sdelay $0x3  }
0xb2: {  	s13 =	sadd.s32 $0xFFFFFE46, s12  }
0xb3: {  	s14 =	sadd.s32 $0xFFFFFFF0, s10;
	v4 =	vmov s13;
	v5 =	vor.u32 s13, v0;
	[tilespmem:v3+s7+$0x0] =	vst.idx.msk $0xffff, v2  }
0xb4: {  	v6 =	vadd.s32 s14, v0;
	v2 =	vand.u32 $0x4F, v5;
	v5 =	vld [tilespmem:s9+$0x1A2]  }
.Ltmp0:
0xb5: {  	vm1 =	veq.s32 v4, v0;
	v3 =	vadd.s32 s10, v0;
	s10 =	smov.u32 s12;
	vm2 =	vne.s32 v2, $0x0;
	(pc) =	sbr.rel @p0 .LBB2_2-.Ltmp0, $4  }
0xb6: {  	vm1 =	vmand vm1, vm2  }
0xb7: {  	v4 =	vsel vm1, $0xFFFFFFFF, v1  }
0xb8: {  	v4 =	vshll.u32 v4, $0x7  }
0xb9: {  	v4 =	vadd.s32 s13, v4;
	[tilespmem:v6+s7+$0x0] =	vst.idx.msk vm0, v5  }
0xba: {  	_ =	sdelay $0x3  }
0xbb: {  	v4 =	vand.u32 $0xFFFFFF80, v4;
	[tilespmem:v3+s7+$0x0] =	vst.idx.msk $0x3f, v3;
	s9 =	sadd.s32 $0x400, s9  }
0xbc: {  	v3 =	vld [tilespmem:s9+$0xFFFFFE00];
	v2 =	vor.u32 v2, v4;
	_ =	sdelay $0x4  }
0xbd: {  	s11 =	sadd.s32 $0xFFFFFE56, s10;
	[tilespmem:v2+s7+$0x0] =	vst.idx.msk $0xffff, v3  }
0xbe: {  	v3 =	vor.u32 s11, v0;
	v2 =	vld [tilespmem:s9+$0xFFFFFE10];
	_ =	sdelay $0x4  }
0xbf: {  	s13 =	sadd.s32 $0xFFFFFE66, s10;
	[tilespmem:v3+s7+$0x0] =	vst.idx.msk $0xffff, v2  }
0xc0: {  	v3 =	vor.u32 s13, v0;
	v2 =	vld [tilespmem:s9+$0xFFFFFE20];
	_ =	sdelay $0x4  }
0xc1: {  	s14 =	sadd.s32 $0xFFFFFE68, s10;
	[tilespmem:v3+s7+$0x0] =	vst.idx.msk $0xffff, v2  }
0xc2: {  	s15 =	sadd.s32 $0xFFFFFE78, s10;
	v3 =	vadd.s32 s14, v0;
	v2 =	vld [tilespmem:s9+$0xFFFFFE22]  }
0xc3: {  	v56 =	vadd.s32 s15, v0;
	_ =	sdelay $0x3  }
0xc4: {  	[tilespmem:v3+s7+$0x0] =	vst.idx.msk vm0, v2  }
0xc5: {  	s16 =	sadd.s32 $0xFFFFFE7E, s10;
	[tilespmem:v56+s7+$0x0] =	vst.idx.msk $0x3f, v56  }
0xc6: {  	v3 =	vadd.s32 s16, v0;
	v2 =	vld [tilespmem:s9+$0xFFFFFE80];
	_ =	sdelay $0x4  }
0xc7: {  	s17 =	sadd.s32 $0xFFFFFE8E, s10;
	[tilespmem:v3+s7+$0x0] =	vst.idx.msk $0xffff, v2  }
0xc8: {  	v3 =	vadd.s32 s17, v0;
	v2 =	vld [tilespmem:s9+$0xFFFFFE90];
	_ =	sdelay $0x4  }
0xc9: {  	s18 =	sadd.s32 $0xFFFFFE9E, s10;
	[tilespmem:v3+s7+$0x0] =	vst.idx.msk $0xffff, v2  }
0xca: {  	v3 =	vadd.s32 s18, v0;
	v2 =	vld [tilespmem:s9+$0xFFFFFEA0];
	_ =	sdelay $0x4  }
0xcb: {  	s19 =	sadd.s32 $0xFFFFFEA0, s10;
	[tilespmem:v3+s7+$0x0] =	vst.idx.msk $0xffff, v2  }
0xcc: {  	s20 =	sadd.s32 $0xFFFFFEB0, s10;
	v3 =	vadd.s32 s19, v0;
	v2 =	vld [tilespmem:s9+$0xFFFFFEA2]  }
0xcd: {  	v57 =	vadd.s32 s20, v0;
	_ =	sdelay $0x3  }
0xce: {  	[tilespmem:v3+s7+$0x0] =	vst.idx.msk vm0, v2  }
0xcf: {  	s21 =	sadd.s32 $0xFFFFFEB6, s10;
	[tilespmem:v57+s7+$0x0] =	vst.idx.msk $0x3f, v57  }
0xd0: {  	v3 =	vor.u32 s21, v0;
	v2 =	vld [tilespmem:s9+$0xFFFFFF00];
	_ =	sdelay $0x4  }
0xd1: {  	s22 =	sadd.s32 $0xFFFFFEC6, s10;
	[tilespmem:v3+s7+$0x0] =	vst.idx.msk $0xffff, v2  }
0xd2: {  	v3 =	vor.u32 s22, v0;
	v2 =	vld [tilespmem:s9+$0xFFFFFF10];
	_ =	sdelay $0x4  }
0xd3: {  	s23 =	sadd.s32 $0xFFFFFED6, s10;
	[tilespmem:v3+s7+$0x0] =	vst.idx.msk $0xffff, v2  }
0xd4: {  	v3 =	vor.u32 s23, v0;
	v2 =	vld [tilespmem:s9+$0xFFFFFF20];
	_ =	sdelay $0x4  }
0xd5: {  	s24 =	sadd.s32 $0xFFFFFED8, s10;
	[tilespmem:v3+s7+$0x0] =	vst.idx.msk $0xffff, v2  }
0xd6: {  	s25 =	sadd.s32 $0xFFFFFEE8, s10;
	v3 =	vadd.s32 s24, v0;
	v2 =	vld [tilespmem:s9+$0xFFFFFF22]  }
0xd7: {  	v58 =	vadd.s32 s25, v0;
	_ =	sdelay $0x3  }
0xd8: {  	[tilespmem:v3+s7+$0x0] =	vst.idx.msk vm0, v2  }
0xd9: {  	s26 =	sadd.s32 $0xFFFFFEEE, s10;
	[tilespmem:v58+s7+$0x0] =	vst.idx.msk $0x3f, v58  }
0xda: {  	v3 =	vadd.s32 s26, v0;
	v2 =	vld [tilespmem:s9+$0xFFFFFF80];
	_ =	sdelay $0x4  }
0xdb: {  	s28 =	sadd.s32 $0xFFFFFEFE, s10;
	[tilespmem:v3+s7+$0x0] =	vst.idx.msk $0xffff, v2  }
0xdc: {  	v3 =	vadd.s32 s28, v0;
	v2 =	vld [tilespmem:s9+$0xFFFFFF90];
	_ =	sdelay $0x4  }
0xdd: {  	s29 =	sadd.s32 $0xFFFFFF0E, s10;
	[tilespmem:v3+s7+$0x0] =	vst.idx.msk $0xffff, v2  }
0xde: {  	v3 =	vadd.s32 s29, v0;
	v2 =	vld [tilespmem:s9+$0xFFFFFFA0];
	_ =	sdelay $0x4  }
0xdf: {  	s30 =	sadd.s32 $0xFFFFFF10, s10;
	[tilespmem:v3+s7+$0x0] =	vst.idx.msk $0xffff, v2  }
0xe0: {  	s31 =	sadd.s32 $0xFFFFFF20, s10;
	v3 =	vadd.s32 s30, v0;
	v2 =	vld [tilespmem:s9+$0xFFFFFFA2]  }
0xe1: {  	v59 =	vadd.s32 s31, v0;
	_ =	sdelay $0x3  }
0xe2: {  	[tilespmem:v3+s7+$0x0] =	vst.idx.msk vm0, v2  }
0xe3: {  	s12 =	sadd.s32 $0xFFFFFF26, s10;
	[tilespmem:v59+s7+$0x0] =	vst.idx.msk $0x3f, v59  }
0xe4: {  	v3 =	vor.u32 s12, v0;
	v2 =	vld [tilespmem:s9+$0x0];
	_ =	sdelay $0x4  }
0xe5: {  	s13 =	sadd.s32 $0xFFFFFF36, s10;
	[tilespmem:v3+s7+$0x0] =	vst.idx.msk $0xffff, v2  }
0xe6: {  	v3 =	vor.u32 s13, v0;
	v2 =	vld [tilespmem:s9+$0x10];
	_ =	sdelay $0x4  }
0xe7: {  	s14 =	sadd.s32 $0xFFFFFF46, s10;
	[tilespmem:v3+s7+$0x0] =	vst.idx.msk $0xffff, v2  }
0xe8: {  	v3 =	vor.u32 s14, v0;
	v2 =	vld [tilespmem:s9+$0x20];
	_ =	sdelay $0x4  }
0xe9: {  	s15 =	sadd.s32 $0xFFFFFF48, s10;
	[tilespmem:v3+s7+$0x0] =	vst.idx.msk $0xffff, v2  }
0xea: {  	s16 =	sadd.s32 $0xFFFFFF58, s10;
	v3 =	vadd.s32 s15, v0;
	v2 =	vld [tilespmem:s9+$0x22]  }
0xeb: {  	v60 =	vadd.s32 s16, v0;
	_ =	sdelay $0x3  }
0xec: {  	[tilespmem:v3+s7+$0x0] =	vst.idx.msk vm0, v2  }
0xed: {  	s17 =	sadd.s32 $0xFFFFFF5E, s10;
	[tilespmem:v60+s7+$0x0] =	vst.idx.msk $0x3f, v60  }
0xee: {  	v3 =	vadd.s32 s17, v0;
	v2 =	vld [tilespmem:s9+$0x80];
	_ =	sdelay $0x4  }
0xef: {  	s18 =	sadd.s32 $0xFFFFFF6E, s10;
	[tilespmem:v3+s7+$0x0] =	vst.idx.msk $0xffff, v2  }
0xf0: {  	v3 =	vadd.s32 s18, v0;
	v2 =	vld [tilespmem:s9+$0x90];
	_ =	sdelay $0x4  }
0xf1: {  	s19 =	sadd.s32 $0xFFFFFF7E, s10;
	[tilespmem:v3+s7+$0x0] =	vst.idx.msk $0xffff, v2  }
0xf2: {  	v3 =	vadd.s32 s19, v0;
	v2 =	vld [tilespmem:s9+$0xA0];
	_ =	sdelay $0x4  }
0xf3: {  	s20 =	sadd.s32 $0xFFFFFF80, s10;
	[tilespmem:v3+s7+$0x0] =	vst.idx.msk $0xffff, v2  }
0xf4: {  	s21 =	sadd.s32 $0xFFFFFF90, s10;
	v3 =	vadd.s32 s20, v0;
	v2 =	vld [tilespmem:s9+$0xA2]  }
0xf5: {  	v61 =	vadd.s32 s21, v0;
	_ =	sdelay $0x3  }
0xf6: {  	[tilespmem:v3+s7+$0x0] =	vst.idx.msk vm0, v2  }
0xf7: {  	s22 =	sadd.s32 $0xFFFFFF96, s10;
	[tilespmem:v61+s7+$0x0] =	vst.idx.msk $0x3f, v61  }
0xf8: {  	v3 =	vor.u32 s22, v0;
	v2 =	vld [tilespmem:s9+$0x100];
	_ =	sdelay $0x4  }
0xf9: {  	s23 =	sadd.s32 $0xFFFFFFA6, s10;
	[tilespmem:v3+s7+$0x0] =	vst.idx.msk $0xffff, v2  }
0xfa: {  	v3 =	vor.u32 s23, v0;
	v2 =	vld [tilespmem:s9+$0x110];
	_ =	sdelay $0x4  }
0xfb: {  	s24 =	sadd.s32 $0xFFFFFFB6, s10;
	[tilespmem:v3+s7+$0x0] =	vst.idx.msk $0xffff, v2  }
0xfc: {  	v3 =	vor.u32 s24, v0;
	v2 =	vld [tilespmem:s9+$0x120];
	_ =	sdelay $0x4  }
0xfd: {  	s25 =	sadd.s32 $0xFFFFFFB8, s10;
	[tilespmem:v3+s7+$0x0] =	vst.idx.msk $0xffff, v2  }
0xfe: {  	s26 =	sadd.s32 $0xFFFFFFC8, s10;
	v3 =	vadd.s32 s25, v0;
	v2 =	vld [tilespmem:s9+$0x122]  }
0xff: {  	v62 =	vadd.s32 s26, v0;
	_ =	sdelay $0x3  }
0x100: {  	[tilespmem:v3+s7+$0x0] =	vst.idx.msk vm0, v2  }
0x101: {  	s28 =	sadd.s32 $0xFFFFFFCE, s10;
	[tilespmem:v62+s7+$0x0] =	vst.idx.msk $0x3f, v62  }
0x102: {  	v3 =	vadd.s32 s28, v0;
	v2 =	vld [tilespmem:s9+$0x180];
	_ =	sdelay $0x4  }
0x103: {  	s29 =	sadd.s32 $0xFFFFFFDE, s10;
	[tilespmem:v3+s7+$0x0] =	vst.idx.msk $0xffff, v2  }
0x104: {  	v3 =	vadd.s32 s29, v0;
	v2 =	vld [tilespmem:s9+$0x190];
	_ =	sdelay $0x4  }
0x105: {  	s30 =	sadd.s32 $0xFFFFFFEE, s10;
	[tilespmem:v3+s7+$0x0] =	vst.idx.msk $0xffff, v2  }
0x106: {  	v3 =	vadd.s32 s30, v0;
	v2 =	vld [tilespmem:s9+$0x1A0];
	_ =	sdelay $0x4  }
0x107: {  	s31 =	sadd.s32 $0xFFFFFFF0, s10;
	[tilespmem:v3+s7+$0x0] =	vst.idx.msk $0xffff, v2  }
0x108: {  	v3 =	vadd.s32 s31, v0;
	v2 =	vld [tilespmem:s9+$0x1A2]  }
0x109: {  	v63 =	vadd.s32 s10, v0;
	_ =	sdelay $0x2  }
0x10a: {  	s8 =	sadd.s32 $0x1, s8  }
0x10b: {  	p0 =	sne.s32 s8, s5;
	[tilespmem:v3+s7+$0x0] =	vst.idx.msk vm0, v2  }
.Ltmp1:
0x10c: {  	[tilespmem:v63+s7+$0x0] =	vst.idx.msk $0x3f, v63;
	(pc) =	sbr.rel @p0 .LBB2_1-.Ltmp1, $4  }
0x10d: {  	[hbm4b:s4+s2] =	stream.linear.scatter [tilespmem:s7], [sflag:$0x1], $0x7000, $0x38;
	[tilespmem:$0x17000] =	vst v63  }
0x10e: {  	_ =	swait.ge [sflag:s6], $0x7000  }
0x10f: {  	[sflag:s6] =	ssyncset.done $0x0  }
0x110: {  	[sflag:s6] =	ssyncadd.s32 $0xFFFF9000  }
0x111: {  	_ =	sfence.sel $0x180000  }
0x112: {  	[bflag:$0x0] =	sbarrier.arrive $0xFFFF  }
0x113: {  	p0 =	sne.s32 s0, $0x0;
	_ =	strace $0x90000047  }
0x114: {  	s0 =	sadd.s32 @!p0 $0x100000, s1;
	[bflag:$0x2] =	sbarrier.arrive $0xFFFF  }
0x115: {  	[sflag:s0] =	ssyncadd.tile.s32 @!p0 $0x1;
	_ =	shalt  }
.Lfunc_end2:
_tile_overlayer_lowered:
.L_overlay_start_2:
0x116: {  	(tag) =	ssettag $0x2  }
0x117: {  	s0 =	rddreg [dreg:$0x0];
	s2 =	stileid.u32  }
0x118: {  	s1 =	rddreg [dreg:$0x1];
	p0 =	sne.s32 s2, $0x0  }
0x119: {  	s3 =	rddreg [dreg:$0x2];
	[bflag:$0x3] =	sbarrier.arrive $0xFFFF;
	s2 =	simm.s32 @!p0 $0x1C01  }
0x11a: {  	[timem:s3], [sflag:s2] =	dma.local @!p0 [hbm:s0], s1  }
0x11b: {  	s0 =	simm.s32 @!p0 $0x1  }
0x11c: {  	_ =	swait.ge @!p0 [sflag:s0], s1  }
0x11d: {  	s1 =	ssub.s32 @!p0 $0x0, s1;
	[sflag:s0] =	ssyncset.done @!p0 $0x0  }
0x11e: {  	[sflag:s0] =	ssyncadd.s32 @!p0 s1  }
0x11f: {  	[bflag:$0x3] =	sbarrier.arrive $0xFFFF  }
0x120: {  	_ =	shalt  }

// kernel: kernel.7.cloned.1.call-start
scs
__scs_entry_jumppad:
0x0: {  	(pc) =	sbr.rel $0x88, $3  }
0x1: {  	(tag) =	ssettag $0x0;
	lr =	simm.s32 $0x1  }
0x2: {  	[smem:$0x3F9F] =	sst lr;
	_ =	strace $0xD0000000  }
0x3: {  	_ = 	snop  }
0x4: {  	_ = 	snop  }
0x5: {  	_ = 	snop  }
0x6: {  	_ = 	snop  }
0x7: {  	_ = 	snop  }
__scs_overlays_trampoline_lowered:
0x8: {  	[smem:$0x3FAE] =	sst s0  }
0x9: {  	[smem:$0x3FAF] =	sst s1  }
0xa: {  	[smem:$0x3FB0] =	sst s2  }
0xb: {  	[smem:$0x3FB1] =	sst s3  }
0xc: {  	[smem:$0x3FB2] =	sst s4  }
0xd: {  	[smem:$0x3FB3] =	sst s5  }
0xe: {  	[smem:$0x3FB4] =	sst s6  }
0xf: {  	[smem:$0x3FB5] =	sst s7  }
0x10: {  	[smem:$0x3FB6] =	sst s8  }
0x11: {  	[smem:$0x3FB7] =	sst s9;
	s0 =	simm.s32 @!p0 $0x0  }
0x12: {  	s1 =	sld [smem:$0x3F9D];
	s0 =	simm.s32 @p0 $0x1  }
0x13: {  	[smem:$0x3FB8] =	sst s0;
	s0 =	simm.s32 @!p1 $0x0  }
0x14: {  	s2 =	sld [smem:$0x3F9C];
	s0 =	simm.s32 @p1 $0x1  }
0x15: {  	[smem:$0x3FB9] =	sst s0;
	s0 =	simm.s32 @!p2 $0x0  }
0x16: {  	s3 =	sld [smem:$0x3FDB];
	s0 =	simm.s32 @p2 $0x1  }
0x17: {  	s4 =	simm.s32 $0x1BF5;
	[smem:$0x3FBB] =	sst s0  }
0x18: {  	s0 =	sld [smem:$0x3F9E];
	_ =	swait.ge [sflag:s4], $0x0  }
0x19: {  	s7 =	sld [smem:$0x3F9F]  }
0x1a: {  	s8 =	sadd.s32 $0xFFFFE003, lr  }
0x1b: {  	s9 =	sadd.s32 $0xFFFFFEF7, lr;
	s5 =	simm.s32 $0xFFFFFFFF;
	p2 =	slt.u32 s8, $0xFFFFF086  }
0x1c: {  	p1 =	slt.u32 s9, $0xF7A;
	s5 =	simm.s32 @!p2 $0x0  }
0x1d: {  	s5 =	simm.s32 @p1 $0x1;
	p0 =	seq.s32 s7, s2  }
0x1e: {  	s7 =	smul.u32 @!p0 $0xF7A, s2;
	p2 =	seq.s32 @!p0 s5, $0x0  }
0x1f: {  	s9 =	smul.u32 $0xF7A, s1;
	s8 =	simm.s32 @!p0 $0x1BF5;
	p2 =	por !p2, p0  }
0x20: {  	[sflag:s8] =	ssyncset.s32 @!p0 $0xFFFFF086;
	s6 =	sadd.s32 @!p0 s3, s7;
	s7 =	simm.s32 @!p0 $0x108  }
0x21: {  	s3 =	sadd.s32 s3, s9;
	s6 =	sadd.s32 @!p0 $0x88, s6;
	s7 =	simm.s32 @p2 $0x1082  }
0x22: {  	[simem:s7], [sflag:s8] =	dma.local @!p0 [hbm:s6], $0xF7A  }
0x23: {  	s9 =	sor.u32 $0xD0000000, s2;
	s6 =	simm.s32 $0x108;
	_ =	swait.ge @!p0 [sflag:s8], $0x0  }
0x24: {  	s3 =	sadd.s32 $0x88, s3;
	s6 =	simm.s32 @!p1 $0x1082;
	[sflag:s4] =	ssyncset.s32 $0xFFFFF086  }
0x25: {  	[simem:s6], [sflag:s4] =	dma.local [hbm:s3], $0xF7A  }
0x26: {  	[smem:$0x3F9F] =	sst s1;
	(tag) =	ssettag s2;
	_ =	strace s9  }
0x27: {  	s1 =	sld [smem:$0x3FAF]  }
0x28: {  	s2 =	sld [smem:$0x3FB0]  }
0x29: {  	s4 =	sld [smem:$0x3FB2]  }
0x2a: {  	p0 =	seq.s32 s5, $0x0;
	s5 =	sld [smem:$0x3FB3]  }
0x2b: {  	s6 =	sld [smem:$0x3FB4]  }
0x2c: {  	s7 =	sld [smem:$0x3FB5]  }
0x2d: {  	s3 =	simm.s32 $0x108;
	s8 =	sld [smem:$0x3FB6]  }
0x2e: {  	s3 =	simm.s32 @!p0 $0x1082;
	s9 =	sld [smem:$0x3FB7]  }
0x2f: {  	lr =	sadd.s32 s0, s3;
	s0 =	sld [smem:$0x3FAE]  }
0x30: {  	s3 =	sld [smem:$0x3FB1]  }
0x31: {  	[smem:$0x3FBA] =	sst s10  }
0x32: {  	s10 =	sld [smem:$0x3FB8];
	_ =	sdelay $0x3  }
0x33: {  	p0 =	seq.s32 s10, $0x1;
	s10 =	sld [smem:$0x3FBA];
	_ =	sdelay $0x3  }
0x34: {  	[smem:$0x3FBA] =	sst s10  }
0x35: {  	s10 =	sld [smem:$0x3FB9];
	_ =	sdelay $0x3  }
0x36: {  	p1 =	seq.s32 s10, $0x1;
	s10 =	sld [smem:$0x3FBA];
	_ =	sdelay $0x3  }
0x37: {  	[smem:$0x3FBA] =	sst s10  }
0x38: {  	s10 =	sld [smem:$0x3FBB]  }
0x39: {  	_ = 	snop;
	(pc) =	sbr.ind lr, $3  }
0x3a: {  	_ = 	snop  }
0x3b: {  	_ = 	snop  }
0x3c: {  	p2 =	seq.s32 s10, $0x1;
	s10 =	sld [smem:$0x3FBA]  }
0x3d: {  	_ =	shalt  }
0x3e: {  	_ =	shalt  }
0x3f: {  	_ =	shalt  }
0x40: {  	_ =	shalt  }
0x41: {  	_ =	shalt  }
0x42: {  	_ =	shalt  }
0x43: {  	_ =	shalt  }
0x44: {  	_ =	shalt  }
0x45: {  	_ =	shalt  }
0x46: {  	_ =	shalt  }
0x47: {  	_ =	shalt  }
0x48: {  	_ =	shalt  }
0x49: {  	_ =	shalt  }
0x4a: {  	_ =	shalt  }
0x4b: {  	_ =	shalt  }
0x4c: {  	_ =	shalt  }
0x4d: {  	_ =	shalt  }
0x4e: {  	_ =	shalt  }
0x4f: {  	_ =	shalt  }
0x50: {  	_ =	shalt  }
0x51: {  	_ =	shalt  }
0x52: {  	_ =	shalt  }
0x53: {  	_ =	shalt  }
0x54: {  	_ =	shalt  }
0x55: {  	_ =	shalt  }
0x56: {  	_ =	shalt  }
0x57: {  	_ =	shalt  }
0x58: {  	_ =	shalt  }
0x59: {  	_ =	shalt  }
0x5a: {  	_ =	shalt  }
0x5b: {  	_ =	shalt  }
0x5c: {  	_ =	shalt  }
0x5d: {  	_ =	shalt  }
0x5e: {  	_ =	shalt  }
0x5f: {  	_ =	shalt  }
0x60: {  	_ =	shalt  }
0x61: {  	_ =	shalt  }
0x62: {  	_ =	shalt  }
0x63: {  	_ =	shalt  }
0x64: {  	_ =	shalt  }
0x65: {  	_ =	shalt  }
0x66: {  	_ =	shalt  }
0x67: {  	_ =	shalt  }
0x68: {  	_ =	shalt  }
0x69: {  	_ =	shalt  }
0x6a: {  	_ =	shalt  }
0x6b: {  	_ =	shalt  }
0x6c: {  	_ =	shalt  }
0x6d: {  	_ =	shalt  }
0x6e: {  	_ =	shalt  }
0x6f: {  	_ =	shalt  }
0x70: {  	_ =	shalt  }
0x71: {  	_ =	shalt  }
0x72: {  	_ =	shalt  }
0x73: {  	_ =	shalt  }
0x74: {  	_ =	shalt  }
0x75: {  	_ =	shalt  }
0x76: {  	_ =	shalt  }
0x77: {  	_ =	shalt  }
0x78: {  	_ =	shalt  }
0x79: {  	_ =	shalt  }
0x7a: {  	_ =	shalt  }
0x7b: {  	_ =	shalt  }
0x7c: {  	_ =	shalt  }
0x7d: {  	_ =	shalt  }
0x7e: {  	_ =	shalt  }
0x7f: {  	_ =	shalt  }
0x80: {  	_ =	shalt  }
0x81: {  	_ =	shalt  }
0x82: {  	_ =	shalt  }
0x83: {  	_ =	shalt  }
0x84: {  	_ =	shalt  }
0x85: {  	_ =	shalt  }
0x86: {  	_ =	shalt  }
0x87: {  	_ =	shalt  }
.Lfunc_end0:
.L_simem_size_0:
called_computation.2_lowered:
.L_overlay_start_0:
0x88: {  	s2 =	sld [smem:$0x3FD9]  }
0x89: {  	s3 =	sld [smem:$0x3FFE];
	_ =	sdelay $0x1  }
0x8a: {  	s1 =	srdreg.scid  }
0x8b: {  	s0 =	sand.u32 $0x1, s1  }
0x8c: {  	s16 =	sshll.u32 s0, $0xA;
	s2 =	sadd.s32 s3, s2  }
0x8d: {  	s2 =	sadd.s32 s2, s16  }
0x8e: {  	[smem:$0x3FC6] =	sst s2  }
0x8f: {  	_ = 	snop  }
0x90: {  	(tm) =	ssettm $0x1  }
0x91: {  	s17 =	sld [smem:$0x3FFB];
	_ =	sdelay $0x3  }
0x92: {  	_ =	strace s17  }
0x93: {  	s2 =	sld [smem:$0x3FFC];
	_ =	sdelay $0x3  }
0x94: {  	_ =	strace s2  }
0x95: {  	s2 =	sld [smem:$0x3FFD];
	_ =	sdelay $0x3  }
0x96: {  	_ =	strace s2  }
0x97: {  	_ =	strace $0x8FFFFFFF  }
0x98: {  	s18 =	sld [smem:$0x3FDB];
	_ =	sdelay $0x1  }
0x99: {  	s19 =	simm.s32 $_scs_section_size  }
0x9a: {  	s4 =	simm.s32 $_size__tile_overlayer_lowered;
	s5 =	simm.s32 $_tile_overlayer_lowered  }
0x9b: {  	s22 =	simm.s32 $0x1BFF;
	s21 =	sshll.u32 s5, $0x1;
	s2 =	sadd.s32 s19, s18  }
0x9c: {  	s6 =	simm.s32 $0x0;
	s20 =	sshll.u32 s4, $0x1;
	s4 =	sadd.s32 s21, s2  }
0x9d: {  	[timem:s6], [sflag:s22] =	dma.local [hbm:s4], s20  }
0x9e: {  	_ =	swait.ge [sflag:s22], s20  }
0x9f: {  	s3 =	ssub.s32 $0x0, s20;
	[sflag:s22] =	ssyncset.done $0x0  }
0xa0: {  	[sflag:s22] =	ssyncadd.s32 s3;
	_ =	sdelay $0x1  }
0xa1: {  	s23 =	simm.s32 $0x1B8B  }
0xa2: {  	_ =	swait.ge [sflag:s23], $0x1  }
0xa3: {  	[sflag:s23] =	ssyncset.done $0x0  }
0xa4: {  	s25 =	simm.s32 $0x1B8E;
	s24 =	sld [smem:$0x3FFE];
	[sflag:s23] =	ssyncadd.s32 $0xFFFFFFFF  }
0xa5: {  	s26 =	simm.s32 $execute0_lowered;
	[smem:$0x3FD2] =	sst s25  }
0xa6: {  	s4 =	sshll.u32 s26, $0x1;
	_ =	strace $0x80000049;
	[dreg:$0x1] =	wrdreg $0xFFFFFFFF  }
0xa7: {  	s28 =	simm.s32 $_size_execute0_lowered;
	s2 =	sadd.s32 s2, s4;
	[dreg:$0x0] =	wrdreg $0x0  }
0xa8: {  	s4 =	sshll.u32 s28, $0x1;
	[dreg:$0x2] =	wrdreg s2  }
0xa9: {  	[dreg:$0x3] =	wrdreg s4  }
0xaa: {  	[dreg:$0x4] =	wrdreg $0xC0  }
0xab: {  	_ =	task [dreg:s6], $0x5FFFF  }
0xac: {  	[dreg:$0x1] =	wrdreg $0xFFFFFFFF  }
0xad: {  	[dreg:$0x0] =	wrdreg $0x60  }
0xae: {  	[dreg:$0x2] =	wrdreg s24  }
0xaf: {  	[dreg:$0x3] =	wrdreg $0x9  }
0xb0: {  	_ =	task.clear_ibuf [dreg:s6], $0x4FFFF;
	_ =	strace $0x90000049  }
0xb1: {  	s29 =	simm.s32 $0x9;
	_ =	strace $0x8000004B  }
0xb2: {  	_ =	swait.ge [sflag:s29], $0x1  }
0xb3: {  	[sflag:s29] =	ssyncadd.s32 $0xFFFFFFFF  }
0xb4: {  	_ =	strace $0x9000004B  }
0xb5: {  	_ =	sfence  }
0xb6: {  	s30 =	sld [smem:$0x0];
	_ =	sdelay $0x2  }
0xb7: {  	s31 =	sshll.u32 s1, $0xD;
	s1 =	sshrl.u32 s1, $0x2  }
0xb8: {  	s3 =	sand.u32 $0x4000, s31;
	s1 =	sadd.s32 s1, s30  }
0xb9: {  	s0 =	sor.u32 s3, s0;
	s1 =	sshll.u32 s1, $0x11  }
0xba: {  	s0 =	sor.u32 s1, s0  }
0xbb: {  	s0 =	sadd.s32 $0x8F2B, s0  }
0xbc: {  	[sflag:s0] =	ssyncadd.remote.s32 $0x1  }
0xbd: {  	_ =	sfence.sel $0xFFFF  }
0xbe: {  	[dreg:$0x0] =	wrdreg $0xFFFFFFFF;
	(pc) =	sbr.abs _section_cstart, $3  }
0xbf: {  	[dreg:$0x1] =	wrdreg $0xFFFFFFFF  }
0xc0: {  	_ =	task.clear_ibuf [dreg:s6], $0x2FFFF;
	_ =	strace $0x9FFFFFFF  }
0xc1: {  	(tm) =	ssettm $0x7FFFFFFF  }
tec
execute0_lowered:
.L_overlay_start_1:
0x0: {  	(tag) =	ssettag $0x1  }
0x1: {  	s0 =	srdreg.scid  }
0x2: {  	s9 =	stileid.u32;
	s4 =	rddreg [dreg:$0x0];
	s2 =	simm.s32 $0x0  }
0x3: {  	s18 =	simm.s32 $0x9;
	s19 =	simm.s32 $0x80;
	s21 =	smul.u32 $0x700000, s9  }
0x4: {  	s28 =	simm.s32 $0x13000;
	s0 =	sand.u32 $0x1, s0;
	s12 =	smul.u32 $0xE000, s9  }
0x5: {  	s29 =	simm.s32 $0x3;
	s1 =	sshll.u32 s9, $0x1;
	s23 =	smul.u32 $0x380000, s0  }
0x6: {  	s1 =	sor.u32 s0, s1;
	s6 =	ssub.s32 $0x2, s0;
	s0 =	smul.u32 $0x7000, s0  }
0x7: {  	s30 =	simm.s32 $0x5;
	s31 =	simm.s32 $0x8;
	s3 =	smul.u32 $0xE00, s1  }
0x8: {  	[smem:$0x7FF] =	sst s2;
	s8 =	sadd.s32 $0x1CC00, s4;
	s7 =	smul.u32 $0x70000, s1  }
0x9: {  	_ =	strace $0x8000004A;
	s20 =	sshrl.u32 s6, $0x1;
	s1 =	smul.u32 $0x380000, s1  }
0xa: {  	s6 =	ssub.s32 s6, s20;
	s0 =	sadd.s32 s0, s12;
	s20 =	simm.s32 $0x7000  }
0xb: {  	s5 =	sadd.s32 s3, s4;
	s3 =	sadd.s32 $0xF5F000, s4;
	s4 =	sadd.s32 s8, s7  }
0xc: {  	s1 =	sshrl.u32 s1, $0x3;
	s0 =	sshll.u32 s0, $0x4;
	s5 =	sadd.s32 $0xC00, s5  }
0xd: {  	s13 =	smax.u32 s6, $0x1;
	s22 =	sadd.s32 $0x800, s4;
	[dreg:$0x2] =	wrdreg s5  }
0xe: {  	s10 =	sadd.s32 $0x1000, s4;
	s24 =	sadd.s32 $0x1800, s4;
	[dreg:$0x3] =	wrdreg s22  }
0xf: {  	s1 =	sadd.s32 s8, s1;
	s0 =	sadd.s32 s0, s8;
	[dreg:$0x4] =	wrdreg s10  }
0x10: {  	[dreg:$0x5] =	wrdreg s24;
	s25 =	sadd.s32 $0x6E000, s1;
	s10 =	sadd.s32 $0x6E800, s1  }
0x11: {  	s5 =	sadd.s32 s23, s21;
	s11 =	sadd.s32 $0x6F000, s1;
	s12 =	sadd.s32 $0x6F800, s1  }
0x12: {  	s15 =	sadd.s32 $0x2800, s0;
	s16 =	sadd.s32 $0x3800, s0;
	s17 =	sadd.s32 $0x3000, s0  }
0x13: {  	s21 =	simm.s32 $0xB000;
	s22 =	simm.s32 $0x1;
	s24 =	simm.s32 $0xF000  }
0x14: {  	s1 =	simm.s32 $0x4;
	s0 =	simm.s32 $0x6;
	s5 =	sor.u32 $0x10000, s5  }
0x15: {  	s23 =	simm.s32 $0x0;
	[dreg:$0x6] =	wrdreg s25;
	s26 =	sshrl.u32 s5, $0x3  }
0x16: {  	s25 =	simm.s32 $0x2;
	s14 =	sadd.s32 s26, s8;
	s26 =	simm.s32 $0x7  }
.LBB2_1:
0x17: {  	s5 =	rddreg [dreg:$0x2]  }
0x18: {  	[tilespmem:s2], [sflag:$0x9] =	stream.linear.gather [hbm4b:s5+s2], $0x7000, $0x38;
	[tilespmem:$0x17000] =	vst v63  }
0x19: {  	_ =	swait.ge [sflag:s18], $0x7000  }
0x1a: {  	[sflag:s18] =	ssyncset.done $0x0  }
0x1b: {  	[sflag:s18] =	ssyncadd.s32 $0xFFFF9000  }
0x1c: {  	[tilespmem:s20], [sflag:$0x1] =	stream.indirect.gather [hbm4b:s3+s19], $0x80, s2, s19, $0xb8;
	[tilespmem:$0x17000] =	vst v63  }
0x1d: {  	_ = 	snop  }
0x1e: {  	[tilespmem:s21], [sflag:$0x2] =	stream.indirect.gather [hbm4b:s3+s19], $0x80, s19, s19, $0xb8;
	[tilespmem:$0x17000] =	vst v63  }
0x1f: {  	_ =	swait.ge [sflag:s22], $0x4000  }
0x20: {  	[sflag:s22] =	ssyncset.done $0x0  }
0x21: {  	[sflag:s22] =	ssyncadd.s32 $0xFFFFC000  }
0x22: {  	[hbm4b:s4+s2] =	stream.linear.scatter [tilespmem:s20], [sflag:$0x5], $0x4000, $0x38;
	[tilespmem:$0x17000] =	vst v63  }
0x23: {  	s8 =	simm.s32 $0x100  }
0x24: {  	[tilespmem:s24], [sflag:$0x3] =	stream.indirect.gather [hbm4b:s3+s19], $0x80, s8, s19, $0xb8;
	[tilespmem:$0x17000] =	vst v63  }
0x25: {  	_ =	swait.ge [sflag:s25], $0x4000  }
0x26: {  	[sflag:s25] =	ssyncset.done $0x0  }
0x27: {  	s9 =	rddreg [dreg:$0x3];
	[sflag:s25] =	ssyncadd.s32 $0xFFFFC000  }
0x28: {  	[hbm4b:s9+s2] =	stream.linear.scatter [tilespmem:s21], [sflag:$0x6], $0x4000, $0x38;
	[tilespmem:$0x17000] =	vst v63  }
0x29: {  	s6 =	simm.s32 $0x180  }
0x2a: {  	[tilespmem:s28], [sflag:$0x4] =	stream.indirect.gather [hbm4b:s3+s19], $0x80, s6, s19, $0xb8;
	[tilespmem:$0x17000] =	vst v63  }
0x2b: {  	_ =	swait.ge [sflag:s29], $0x4000  }
0x2c: {  	[sflag:s29] =	ssyncset.done $0x0  }
0x2d: {  	s7 =	rddreg [dreg:$0x4];
	[sflag:s29] =	ssyncadd.s32 $0xFFFFC000  }
0x2e: {  	[hbm4b:s7+s2] =	stream.linear.scatter [tilespmem:s24], [sflag:$0x7], $0x4000, $0x38;
	[tilespmem:$0x17000] =	vst v63  }
0x2f: {  	_ =	swait.ge [sflag:s30], $0x4000  }
0x30: {  	[sflag:s30] =	ssyncset.done $0x0  }
0x31: {  	s8 =	simm.s32 $0x200;
	[sflag:s30] =	ssyncadd.s32 $0xFFFFC000  }
0x32: {  	[tilespmem:s20], [sflag:$0x1] =	stream.indirect.gather [hbm4b:s3+s19], $0x80, s8, s19, $0xb8;
	[tilespmem:$0x17000] =	vst v63  }
0x33: {  	_ =	swait.ge [sflag:s1], $0x4000  }
0x34: {  	[sflag:s1] =	ssyncset.done $0x0  }
0x35: {  	s9 =	rddreg [dreg:$0x5];
	[sflag:s1] =	ssyncadd.s32 $0xFFFFC000  }
0x36: {  	[hbm4b:s9+s2] =	stream.linear.scatter [tilespmem:s28], [sflag:$0x8], $0x4000, $0x38;
	[tilespmem:$0x17000] =	vst v63  }
0x37: {  	_ =	swait.ge [sflag:s0], $0x4000  }
0x38: {  	[sflag:s0] =	ssyncset.done $0x0  }
0x39: {  	s6 =	simm.s32 $0x280;
	[sflag:s0] =	ssyncadd.s32 $0xFFFFC000  }
0x3a: {  	[tilespmem:s21], [sflag:$0x2] =	stream.indirect.gather [hbm4b:s3+s19], $0x80, s6, s19, $0xb8;
	[tilespmem:$0x17000] =	vst v63  }
0x3b: {  	_ =	swait.ge [sflag:s22], $0x4000  }
0x3c: {  	[sflag:s22] =	ssyncset.done $0x0  }
0x3d: {  	s7 =	sadd.s32 $0x0, s14;
	[sflag:s22] =	ssyncadd.s32 $0xFFFFC000  }
0x3e: {  	[hbm4b:s7+s2] =	stream.linear.scatter [tilespmem:s20], [sflag:$0x5], $0x4000, $0x38;
	[tilespmem:$0x17000] =	vst v63  }
0x3f: {  	_ =	swait.ge [sflag:s26], $0x4000  }
0x40: {  	[sflag:s26] =	ssyncset.done $0x0  }
0x41: {  	s8 =	simm.s32 $0x300;
	[sflag:s26] =	ssyncadd.s32 $0xFFFFC000  }
0x42: {  	[tilespmem:s24], [sflag:$0x3] =	stream.indirect.gather [hbm4b:s3+s19], $0x80, s8, s19, $0xb8;
	[tilespmem:$0x17000] =	vst v63  }
0x43: {  	_ =	swait.ge [sflag:s25], $0x4000  }
0x44: {  	[sflag:s25] =	ssyncset.done $0x0  }
0x45: {  	s9 =	sadd.s32 $0x0, s15;
	[sflag:s25] =	ssyncadd.s32 $0xFFFFC000  }
0x46: {  	[hbm4b:s9+s2] =	stream.linear.scatter [tilespmem:s21], [sflag:$0x6], $0x4000, $0x38;
	[tilespmem:$0x17000] =	vst v63  }
0x47: {  	_ =	swait.ge [sflag:s31], $0x4000  }
0x48: {  	[sflag:s31] =	ssyncset.done $0x0  }
0x49: {  	s6 =	simm.s32 $0x380;
	[sflag:s31] =	ssyncadd.s32 $0xFFFFC000  }
0x4a: {  	[tilespmem:s28], [sflag:$0x4] =	stream.indirect.gather [hbm4b:s3+s19], $0x80, s6, s19, $0xb8;
	[tilespmem:$0x17000] =	vst v63  }
0x4b: {  	_ =	swait.ge [sflag:s29], $0x4000  }
0x4c: {  	[sflag:s29] =	ssyncset.done $0x0  }
0x4d: {  	s7 =	sadd.s32 $0x0, s17;
	[sflag:s29] =	ssyncadd.s32 $0xFFFFC000  }
0x4e: {  	[hbm4b:s7+s2] =	stream.linear.scatter [tilespmem:s24], [sflag:$0x7], $0x4000, $0x38;
	[tilespmem:$0x17000] =	vst v63  }
0x4f: {  	_ =	swait.ge [sflag:s30], $0x4000  }
0x50: {  	[sflag:s30] =	ssyncset.done $0x0  }
0x51: {  	s8 =	simm.s32 $0x400;
	[sflag:s30] =	ssyncadd.s32 $0xFFFFC000  }
0x52: {  	[tilespmem:s20], [sflag:$0x1] =	stream.indirect.gather [hbm4b:s3+s19], $0x80, s8, s19, $0xb8;
	[tilespmem:$0x17000] =	vst v63  }
0x53: {  	_ =	swait.ge [sflag:s1], $0x4000  }
0x54: {  	[sflag:s1] =	ssyncset.done $0x0  }
0x55: {  	s9 =	sadd.s32 $0x0, s16;
	[sflag:s1] =	ssyncadd.s32 $0xFFFFC000  }
0x56: {  	[hbm4b:s9+s2] =	stream.linear.scatter [tilespmem:s28], [sflag:$0x8], $0x4000, $0x38;
	[tilespmem:$0x17000] =	vst v63  }
0x57: {  	_ =	swait.ge [sflag:s0], $0x4000  }
0x58: {  	s5 =	simm.s32 $0x480;
	[sflag:s0] =	ssyncset.done $0x0  }
0x59: {  	s6 =	simm.s32 $0x2000;
	s7 =	simm.s32 $0x680;
	[sflag:s0] =	ssyncadd.s32 $0xFFFFC000  }
.LBB2_2:
0x5a: {  	[tilespmem:s21], [sflag:$0x2] =	stream.indirect.gather [hbm4b:s3+s19], $0x80, s5, s19, $0xb8;
	[tilespmem:$0x17000] =	vst v63  }
0x5b: {  	s8 =	smov.u32 s6;
	s5 =	smov.u32 s7  }
0x5c: {  	p0 =	sne.s32 s6, $0x6A000;
	s6 =	sadd.s32 $0x2000, s6;
	_ =	swait.ge [sflag:s22], $0x4000  }
0x5d: {  	[sflag:s22] =	ssyncset.done $0x0  }
0x5e: {  	s9 =	sadd.s32 s8, s14;
	[sflag:s22] =	ssyncadd.s32 $0xFFFFC000  }
0x5f: {  	[hbm4b:s9+s2] =	stream.linear.scatter [tilespmem:s20], [sflag:$0x5], $0x4000, $0x38;
	[tilespmem:$0x17000] =	vst v63  }
0x60: {  	_ =	swait.ge [sflag:s26], $0x4000  }
0x61: {  	[sflag:s26] =	ssyncset.done $0x0  }
0x62: {  	s9 =	sadd.s32 $0xFFFFFE80, s7;
	[sflag:s26] =	ssyncadd.s32 $0xFFFFC000  }
0x63: {  	[tilespmem:s24], [sflag:$0x3] =	stream.indirect.gather [hbm4b:s3+s19], $0x80, s9, s19, $0xb8;
	[tilespmem:$0x17000] =	vst v63  }
0x64: {  	_ =	swait.ge [sflag:s25], $0x4000  }
0x65: {  	[sflag:s25] =	ssyncset.done $0x0  }
0x66: {  	s9 =	sadd.s32 s8, s15;
	[sflag:s25] =	ssyncadd.s32 $0xFFFFC000  }
0x67: {  	[hbm4b:s9+s2] =	stream.linear.scatter [tilespmem:s21], [sflag:$0x6], $0x4000, $0x38;
	[tilespmem:$0x17000] =	vst v63  }
0x68: {  	_ =	swait.ge [sflag:s31], $0x4000  }
0x69: {  	[sflag:s31] =	ssyncset.done $0x0  }
0x6a: {  	s9 =	sadd.s32 $0xFFFFFF00, s7;
	[sflag:s31] =	ssyncadd.s32 $0xFFFFC000  }
0x6b: {  	[tilespmem:s28], [sflag:$0x4] =	stream.indirect.gather [hbm4b:s3+s19], $0x80, s9, s19, $0xb8;
	[tilespmem:$0x17000] =	vst v63  }
0x6c: {  	_ =	swait.ge [sflag:s29], $0x4000  }
0x6d: {  	[sflag:s29] =	ssyncset.done $0x0  }
0x6e: {  	s9 =	sadd.s32 s8, s17;
	[sflag:s29] =	ssyncadd.s32 $0xFFFFC000  }
0x6f: {  	[hbm4b:s9+s2] =	stream.linear.scatter [tilespmem:s24], [sflag:$0x7], $0x4000, $0x38;
	[tilespmem:$0x17000] =	vst v63  }
0x70: {  	_ =	swait.ge [sflag:s30], $0x4000  }
0x71: {  	[sflag:s30] =	ssyncset.done $0x0  }
0x72: {  	s9 =	sadd.s32 $0xFFFFFF80, s7;
	[sflag:s30] =	ssyncadd.s32 $0xFFFFC000  }
0x73: {  	[tilespmem:s20], [sflag:$0x1] =	stream.indirect.gather [hbm4b:s3+s19], $0x80, s9, s19, $0xb8;
	[tilespmem:$0x17000] =	vst v63  }
0x74: {  	_ =	swait.ge [sflag:s1], $0x4000  }
0x75: {  	[sflag:s1] =	ssyncset.done $0x0  }
.Ltmp0:
0x76: {  	s8 =	sadd.s32 s8, s16;
	[sflag:s1] =	ssyncadd.s32 $0xFFFFC000;
	(pc) =	sbr.rel @p0 .LBB2_2-.Ltmp0, $4  }
0x77: {  	[hbm4b:s8+s2] =	stream.linear.scatter [tilespmem:s28], [sflag:$0x8], $0x4000, $0x38;
	[tilespmem:$0x17000] =	vst v63  }
0x78: {  	_ =	swait.ge [sflag:s0], $0x4000  }
0x79: {  	[sflag:s0] =	ssyncset.done $0x0  }
0x7a: {  	s7 =	sadd.s32 $0x200, s7;
	[sflag:s0] =	ssyncadd.s32 $0xFFFFC000  }
0x7b: {  	[tilespmem:s21], [sflag:$0x2] =	stream.indirect.gather [hbm4b:s3+s19], $0x80, s5, s19, $0xb8;
	[tilespmem:$0x17000] =	vst v63  }
0x7c: {  	_ =	swait.ge [sflag:s22], $0x4000  }
0x7d: {  	[sflag:s22] =	ssyncset.done $0x0  }
0x7e: {  	s7 =	rddreg [dreg:$0x6];
	[sflag:s22] =	ssyncadd.s32 $0xFFFFC000  }
0x7f: {  	[hbm4b:s7+s2] =	stream.linear.scatter [tilespmem:s20], [sflag:$0x5], $0x4000, $0x38;
	[tilespmem:$0x17000] =	vst v63  }
0x80: {  	_ =	swait.ge [sflag:s26], $0x4000  }
0x81: {  	[sflag:s26] =	ssyncset.done $0x0  }
0x82: {  	s8 =	simm.s32 $0x6F00;
	[sflag:s26] =	ssyncadd.s32 $0xFFFFC000  }
0x83: {  	[tilespmem:s24], [sflag:$0x3] =	stream.indirect.gather [hbm4b:s3+s19], $0x80, s8, s19, $0xb8;
	[tilespmem:$0x17000] =	vst v63  }
0x84: {  	_ =	swait.ge [sflag:s25], $0x4000  }
0x85: {  	[sflag:s25] =	ssyncset.done $0x0  }
0x86: {  	[sflag:s25] =	ssyncadd.s32 $0xFFFFC000  }
0x87: {  	[hbm4b:s10+s2] =	stream.linear.scatter [tilespmem:s21], [sflag:$0x6], $0x4000, $0x38;
	[tilespmem:$0x17000] =	vst v63  }
0x88: {  	_ =	swait.ge [sflag:s31], $0x4000  }
0x89: {  	[sflag:s31] =	ssyncset.done $0x0  }
0x8a: {  	s9 =	simm.s32 $0x6F80;
	[sflag:s31] =	ssyncadd.s32 $0xFFFFC000  }
0x8b: {  	[tilespmem:s28], [sflag:$0x4] =	stream.indirect.gather [hbm4b:s3+s19], $0x80, s9, s19, $0xb8;
	[tilespmem:$0x17000] =	vst v63  }
0x8c: {  	_ =	swait.ge [sflag:s29], $0x4000  }
0x8d: {  	[sflag:s29] =	ssyncset.done $0x0  }
0x8e: {  	[sflag:s29] =	ssyncadd.s32 $0xFFFFC000  }
0x8f: {  	[hbm4b:s11+s2] =	stream.linear.scatter [tilespmem:s24], [sflag:$0x7], $0x4000, $0x38;
	[tilespmem:$0x17000] =	vst v63  }
0x90: {  	_ =	swait.ge [sflag:s1], $0x4000  }
0x91: {  	[sflag:s1] =	ssyncset.done $0x0  }
0x92: {  	[sflag:s1] =	ssyncadd.s32 $0xFFFFC000  }
0x93: {  	[hbm4b:s12+s2] =	stream.linear.scatter [tilespmem:s28], [sflag:$0x8], $0x4000, $0x38;
	[tilespmem:$0x17000] =	vst v63  }
0x94: {  	_ =	swait.ge [sflag:s30], $0x4000  }
0x95: {  	[sflag:s30] =	ssyncset.done $0x0  }
0x96: {  	[sflag:s30] =	ssyncadd.s32 $0xFFFFC000  }
0x97: {  	_ =	swait.ge [sflag:s0], $0x4000  }
0x98: {  	[sflag:s0] =	ssyncset.done $0x0  }
0x99: {  	s23 =	sadd.s32 $0x1, s23;
	[sflag:s0] =	ssyncadd.s32 $0xFFFFC000  }
0x9a: {  	p0 =	sne.s32 s23, s13;
	_ =	swait.ge [sflag:s26], $0x4000  }
.Ltmp1:
0x9b: {  	[sflag:s26] =	ssyncset.done $0x0;
	(pc) =	sbr.rel @p0 .LBB2_1-.Ltmp1, $4  }
0x9c: {  	[sflag:s26] =	ssyncadd.s32 $0xFFFFC000  }
0x9d: {  	_ =	swait.ge [sflag:s31], $0x4000  }
0x9e: {  	[sflag:s31] =	ssyncset.done $0x0  }
0x9f: {  	[sflag:s31] =	ssyncadd.s32 $0xFFFFC000  }
0xa0: {  	_ =	sfence.sel $0x180000  }
0xa1: {  	[bflag:$0x0] =	sbarrier.arrive $0xFFFF  }
0xa2: {  	_ =	strace $0x9000004A  }
0xa3: {  	s0 =	stileid.u32;
	[bflag:$0x2] =	sbarrier.arrive $0xFFFF  }
0xa4: {  	p0 =	sne.s32 s0, $0x0;
	s0 =	rddreg [dreg:$0x1]  }
0xa5: {  	s0 =	sadd.s32 @!p0 $0x100000, s0  }
0xa6: {  	[sflag:s0] =	ssyncadd.tile.s32 @!p0 $0x1;
	_ =	shalt  }
.Lfunc_end2:
_tile_overlayer_lowered:
.L_overlay_start_2:
0xa7: {  	(tag) =	ssettag $0x2  }
0xa8: {  	s0 =	rddreg [dreg:$0x0];
	s2 =	stileid.u32  }
0xa9: {  	s1 =	rddreg [dreg:$0x1];
	p0 =	sne.s32 s2, $0x0  }
0xaa: {  	s3 =	rddreg [dreg:$0x2];
	[bflag:$0x3] =	sbarrier.arrive $0xFFFF;
	s2 =	simm.s32 @!p0 $0x1C09  }
0xab: {  	[timem:s3], [sflag:s2] =	dma.local @!p0 [hbm:s0], s1  }
0xac: {  	s0 =	simm.s32 @!p0 $0x9  }
0xad: {  	_ =	swait.ge @!p0 [sflag:s0], s1  }
0xae: {  	s1 =	ssub.s32 @!p0 $0x0, s1;
	[sflag:s0] =	ssyncset.done @!p0 $0x0  }
0xaf: {  	[sflag:s0] =	ssyncadd.s32 @!p0 s1  }
0xb0: {  	[bflag:$0x3] =	sbarrier.arrive $0xFFFF  }
0xb1: {  	_ =	shalt  }

// kernel: sparse-core-data-format-call.cloned.1.call-start
scs
called_computation_lowered:
.L_overlay_start_0:
0x0: {  	s2 =	sld [smem:$0x3FD9]  }
0x1: {  	s3 =	sld [smem:$0x3FFE];
	_ =	sdelay $0x1  }
0x2: {  	s1 =	srdreg.scid  }
0x3: {  	s0 =	sand.u32 $0x1, s1  }
0x4: {  	s18 =	sshll.u32 s0, $0xA;
	s2 =	sadd.s32 s3, s2  }
0x5: {  	s2 =	sadd.s32 s2, s18  }
0x6: {  	[smem:$0x3FC6] =	sst s2  }
0x7: {  	_ = 	snop  }
0x8: {  	s2 =	sld [smem:$0x3FD0];
	(tm) =	ssettm $0x1  }
0x9: {  	s19 =	sld [smem:$0x3FFB];
	_ =	sdelay $0x3  }
0xa: {  	_ =	strace s19  }
0xb: {  	s3 =	sld [smem:$0x3FFC];
	_ =	sdelay $0x3  }
0xc: {  	_ =	strace s3  }
0xd: {  	s3 =	sld [smem:$0x3FFD];
	_ =	sdelay $0x3  }
0xe: {  	_ =	strace s3  }
0xf: {  	_ =	strace $0x8FFFFFFF  }
0x10: {  	s20 =	sld [smem:$0x3FDB];
	_ =	sdelay $0x1  }
0x11: {  	s4 =	simm.s32 $_scs_section_size  }
0x12: {  	s5 =	simm.s32 $_size__tile_overlayer_lowered;
	s6 =	simm.s32 $_tile_overlayer_lowered  }
0x13: {  	s23 =	simm.s32 $0x1BFF;
	s22 =	sshll.u32 s6, $0x1;
	s3 =	sadd.s32 s4, s20  }
0x14: {  	s7 =	simm.s32 $0x0;
	s21 =	sshll.u32 s5, $0x1;
	s5 =	sadd.s32 s22, s3  }
0x15: {  	[timem:s7], [sflag:s23] =	dma.local [hbm:s5], s21  }
0x16: {  	_ =	swait.ge [sflag:s23], s21  }
0x17: {  	s4 =	ssub.s32 $0x0, s21;
	[sflag:s23] =	ssyncset.done $0x0  }
0x18: {  	[sflag:s23] =	ssyncadd.s32 s4;
	_ =	sdelay $0x1  }
0x19: {  	s24 =	simm.s32 $0x1B8B  }
0x1a: {  	_ =	swait.ge [sflag:s24], $0x1  }
0x1b: {  	[sflag:s24] =	ssyncset.done $0x0  }
0x1c: {  	s26 =	simm.s32 $0x1B8E;
	s25 =	sld [smem:$0x3FFE];
	[sflag:s24] =	ssyncadd.s32 $0xFFFFFFFF  }
0x1d: {  	s27 =	simm.s32 $execute0_lowered;
	[smem:$0x3FD2] =	sst s26  }
0x1e: {  	s5 =	sshll.u32 s27, $0x1;
	_ =	strace $0x8000004C;
	[dreg:$0x1] =	wrdreg $0xFFFFFFFF  }
0x1f: {  	s28 =	simm.s32 $_size_execute0_lowered;
	s3 =	sadd.s32 s3, s5;
	[dreg:$0x0] =	wrdreg $0x0  }
0x20: {  	s5 =	sshll.u32 s28, $0x1;
	[dreg:$0x2] =	wrdreg s3  }
0x21: {  	[dreg:$0x3] =	wrdreg s5  }
0x22: {  	[dreg:$0x4] =	wrdreg $0xC0  }
0x23: {  	_ =	task [dreg:s7], $0x5FFFF  }
0x24: {  	[dreg:$0x1] =	wrdreg $0xFFFFFFFF  }
0x25: {  	[dreg:$0x0] =	wrdreg $0x60  }
0x26: {  	[dreg:$0x2] =	wrdreg s25  }
0x27: {  	[dreg:$0x3] =	wrdreg s2  }
0x28: {  	[dreg:$0x4] =	wrdreg $0x9  }
0x29: {  	_ =	task.clear_ibuf [dreg:s7], $0x5FFFF;
	_ =	strace $0x9000004C  }
0x2a: {  	s29 =	simm.s32 $0x9;
	_ =	strace $0x8000004E  }
0x2b: {  	_ =	swait.ge [sflag:s29], $0x1  }
0x2c: {  	[sflag:s29] =	ssyncadd.s32 $0xFFFFFFFF  }
0x2d: {  	_ =	strace $0x9000004E  }
0x2e: {  	_ =	sfence  }
0x2f: {  	s30 =	sld [smem:$0x0];
	_ =	sdelay $0x2  }
0x30: {  	s31 =	sshll.u32 s1, $0xD;
	s1 =	sshrl.u32 s1, $0x2  }
0x31: {  	s3 =	sand.u32 $0x4000, s31;
	s1 =	sadd.s32 s1, s30  }
0x32: {  	s0 =	sor.u32 s3, s0;
	s1 =	sshll.u32 s1, $0x11  }
0x33: {  	s0 =	sor.u32 s1, s0  }
0x34: {  	s0 =	sadd.s32 $0x8F2B, s0  }
0x35: {  	[sflag:s0] =	ssyncadd.remote.s32 $0x1  }
0x36: {  	_ =	sfence.sel $0xFFFF  }
0x37: {  	[dreg:$0x0] =	wrdreg $0xFFFFFFFF;
	(pc) =	sbr.abs _section_cstart, $3  }
0x38: {  	[dreg:$0x1] =	wrdreg $0xFFFFFFFF  }
0x39: {  	_ =	task.clear_ibuf [dreg:s7], $0x2FFFF;
	_ =	strace $0x9FFFFFFF  }
0x3a: {  	(tm) =	ssettm $0x7FFFFFFF  }
0x3b: {  	_ =	shalt  }
tec
execute0_lowered:
.L_overlay_start_1:
0x0: {  	(tag) =	ssettag $0x1  }
0x1: {  	s0 =	srdreg.scid  }
0x2: {  	s1 =	sshll.u32 s0, $0x4  }
0x3: {  	s0 =	stileid.u32;
	s1 =	sand.u32 $0x10, s1  }
0x4: {  	s1 =	sor.u32 s0, s1  }
0x5: {  	s6 =	rddreg [dreg:$0x0];
	s4 =	simm.s32 $0x1;
	s2 =	sshll.u32 s1, $0x7  }
0x6: {  	s7 =	simm.s32 $0x2;
	s12 =	simm.s32 $0x0;
	s1 =	ssub.s32 $0x4000, s2  }
0x7: {  	s8 =	simm.s32 $0x20000;
	s13 =	simm.s32 $0x0;
	s3 =	sand.u32 $0xF80, s1  }
0x8: {  	s9 =	simm.s32 $0x0;
	s5 =	sshrl.u32 s1, $0xC;
	p0 =	sne.s32 s3, $0x0  }
.Ltmp0:
0x9: {  	s1 =	rddreg [dreg:$0x2];
	s4 =	simm.s32 @!p0 $0x0;
	(pc) =	sbr.rel .LBB1_1-.Ltmp0, $4  }
0xa: {  	s11 =	simm.s32 $0x0;
	s3 =	rddreg [dreg:$0x1];
	s5 =	sadd.s32 s4, s5  }
0xb: {  	_ =	strace $0x8000004D;
	s4 =	simm.s32 $0x1;
	s5 =	smul.u32 $0x32, s5  }
0xc: {  	s6 =	sadd.s32 $0x1CC00, s6;
	s10 =	smov.u32 s2;
	[sflag:s4] =	ssyncpa.u1 $0x0  }
0xd: {  	p0 =	por $0x0, $0x0;
	[sflag:s7] =	ssyncpa.u1 $0x0;
	s7 =	sor.u32 $0x1, s5  }
.LBB1_4:
0xe: {  	s16 =	sshll.u32 s13, $0x3;
	s17 =	sand.u32 $0x78, s13  }
0xf: {  	s30 =	sand.u32 $0x1F800, s13;
	s12 =	sshll.u32 s12, $0x11;
	s16 =	sand.u32 $0x3C00, s16  }
0x10: {  	[tilespmem:s15+$0x810 ss:$0x81] =	vst.msk $0xffff, v2;
	s31 =	sand.u32 $0x7, s13;
	s16 =	sor.u32 s17, s16;
	s17 =	sadd.s32 s3, s30  }
0x11: {  	[tilespmem:s15+$0x1020 ss:$0x81] =	vst.msk $0xffff, v0;
	s13 =	sshll.u32 s31, $0x12;
	s12 =	sadd.s32 s12, s17;
	s16 =	sshrl.u32 s16, $0x3  }
0x12: {  	[tilespmem:s15+$0x0 ss:$0x81] =	vst.msk $0xffff, v1;
	s13 =	sor.u32 $0x400, s13;
	s12 =	sadd.s32 s16, s12  }
0x13: {  	[hbm4b:s12+s13] =	stream.strided.scatter [tilespmem:s14], [sflag:$0x2], $0x2000, s8, s13, $0x20;
	[tilespmem:$0x8080] =	vst v63  }
.LBB1_5:
0x14: {  	s14 =	sadd.s32 $0x1, s9  }
0x15: {  	s12 =	sadd.s32 $0x1000, s10;
	s16 =	smov.u32 s10;
	p2 =	sgt.s32 s14, $0x31  }
0x16: {  	s16 =	smov.u32 @p2 s12  }
0x17: {  	s14 =	simm.s32 @p2 $0x0;
	p2 =	sgt.s32 s16, $0x3FFF  }
0x18: {  	s16 =	smov.u32 @p2 s2;
	p2 =	sne.s32 s11, s7  }
.Ltmp1:
0x19: {  	p1 =	slt.u32 s11, $0x2;
	(pc) =	sbr.rel @!p2 .LBB1_6-.Ltmp1, $4  }
0x1a: {  	s15 =	simm.s32 @!p1 $0x2  }
0x1b: {  	s13 =	smov.u32 s10;
	p0 =	por !p0, !p0;
	_ =	swait.ge @!p1 [sflag:s15], $0x2000  }
0x1c: {  	s12 =	smov.u32 s9;
	[sflag:s15] =	ssyncset.done @!p1 $0x0;
	s9 =	smov.u32 s14  }
0x1d: {  	s11 =	sadd.s32 $0x1, s11;
	[sflag:s15] =	ssyncadd.s32 @!p1 $0xFFFFE000;
	s10 =	smov.u32 s16  }
.LBB1_1:
0x1e: {  	p1 =	sge.u32 s11, s5  }
0x1f: {  	s14 =	sand.u32 @!p1 $0x1FFFFFF, s9  }
0x20: {  	s15 =	smulhi.u32 @!p1 $0x4924925, s14;
	_ =	sdelay $0x1  }
0x21: {  	s15 =	smul.u32 @!p1 $0x38, s15  }
0x22: {  	s16 =	sxor.u32 @!p1 $0xFFFFFFFF, s11;
	s17 =	smul.u32 @!p1 $0x380, s10  }
0x23: {  	s31 =	sadd.s32 $0xFFFFFFFF, s11;
	s16 =	sshll.u32 @!p1 s16, $0xD;
	s14 =	ssub.s32 @!p1 s14, s15  }
0x24: {  	s15 =	sand.u32 @!p1 $0x2000, s16;
	s16 =	sadd.s32 @!p1 s6, s17;
	s14 =	sshll.u32 @!p1 s14, $0x4  }
0x25: {  	s17 =	simm.s32 @!p1 $0x1C00;
	s14 =	sadd.s32 @!p1 s14, s16;
	s16 =	simm.s32 @!p1 $0x40  }
0x26: {  	[tilespmem:s15], [sflag:$0x1] =	stream.strided.gather @!p1 [hbm4b:s14+s16], $0x2000, s17, s16, $0x38;
	[tilespmem:$0x8080] =	vst v63  }
0x27: {  	p1 =	sge.u32 s31, s5  }
.Ltmp2:
0x28: {  	_ = 	snop;
	(pc) =	sbr.rel @p1 .LBB1_5-.Ltmp2, $1  }
0x29: {  	_ =	sdelay $0x3  }
0x2a: {  	s14 =	simm.s32 $0x1  }
0x2b: {  	_ =	swait.ge [sflag:s4], $0x2000;
	s14 =	simm.s32 @!p0 $0x0  }
0x2c: {  	[sflag:s4] =	ssyncset.done $0x0;
	s15 =	sshll.u32 s14, $0xD  }
0x2d: {  	[sflag:s4] =	ssyncadd.s32 $0xFFFFE000;
	s18 =	sor.u32 $0x20, s15  }
0x2e: {  	s14 =	smul.u32 $0x8100, s14;
	v3 =	vld [tilespmem:s18+$0x10]  }
0x2f: {  	s30 =	sand.u32 $0x1, s11;
	v2 =	vld [tilespmem:s18+$0xFFFFFFF0]  }
0x30: {  	s15 =	smul.u32 $0x8100, s30;
	s14 =	sshrl.u32 s14, $0x2;
	v0 =	vld [tilespmem:s18+$0x0]  }
0x31: {  	v1 =	vld [tilespmem:s18+$0xFFFFFFE0];
	s16 =	sor.u32 $0x4000, s14  }
0x32: {  	s31 =	sshrl.u32 s15, $0x2;
	s15 =	sadd.s32 $0x0, s16  }
0x33: {  	s17 =	simm.s32 $0x4;
	s18 =	sadd.s32 $0x40, s18;
	s14 =	sor.u32 $0x4000, s31;
	[tilespmem:s15+$0x1830 ss:$0x81] =	vst.msk $0xffff, v3  }
.LBB1_3:
0x34: {  	v3 =	vld [tilespmem:s18+$0x10];
	p1 =	sne.s32 s17, $0x1FC;
	[tilespmem:s15+$0x810 ss:$0x81] =	vst.msk $0xffff, v2;
	s19 =	smov.u32 s17;
	s17 =	sadd.s32 $0x4, s17  }
.Ltmp3:
0x35: {  	v2 =	vld [tilespmem:s18+$0xFFFFFFF0];
	[tilespmem:s15+$0x1020 ss:$0x81] =	vst.msk $0xffff, v0;
	(pc) =	sbr.rel @p1 .LBB1_3-.Ltmp3, $4  }
0x36: {  	v0 =	vld [tilespmem:s18+$0x0];
	[tilespmem:s15+$0x0 ss:$0x81] =	vst.msk $0xffff, v1  }
0x37: {  	s15 =	sshra.s32 s19, $0x2;
	v1 =	vld [tilespmem:s18+$0xFFFFFFE0]  }
0x38: {  	s15 =	sadd.s32 s15, s16  }
0x39: {  	s18 =	sadd.s32 $0x40, s18;
	[tilespmem:s15+$0x1830 ss:$0x81] =	vst.msk $0xffff, v3  }
.Ltmp4:
0x3a: {  	_ = 	snop;
	(pc) =	sbr.rel .LBB1_4-.Ltmp4, $1  }
0x3b: {  	_ =	sdelay $0x3  }
.LBB1_6:
0x3c: {  	_ =	sfence.sel $0x180000  }
0x3d: {  	s2 =	simm.s32 $0x1;
	[bflag:$0x0] =	sbarrier.arrive $0xFFFF  }
0x3e: {  	s31 =	simm.s32 $0x2;
	[sflag:s2] =	ssyncpa.u1 $0x1  }
0x3f: {  	[sflag:s31] =	ssyncpa.u1 $0x1  }
0x40: {  	p0 =	sne.s32 s0, $0x0;
	_ =	strace $0x9000004D  }
0x41: {  	s0 =	sadd.s32 @!p0 $0x100000, s1;
	[bflag:$0x2] =	sbarrier.arrive $0xFFFF  }
0x42: {  	[sflag:s0] =	ssyncadd.tile.s32 @!p0 $0x1;
	_ =	shalt  }
.Lfunc_end1:
_tile_overlayer_lowered:
.L_overlay_start_2:
0x43: {  	(tag) =	ssettag $0x2  }
0x44: {  	s0 =	rddreg [dreg:$0x0];
	s2 =	stileid.u32  }
0x45: {  	s1 =	rddreg [dreg:$0x1];
	p0 =	sne.s32 s2, $0x0  }
0x46: {  	s3 =	rddreg [dreg:$0x2];
	[bflag:$0x3] =	sbarrier.arrive $0xFFFF;
	s2 =	simm.s32 @!p0 $0x1C01  }
0x47: {  	[timem:s3], [sflag:s2] =	dma.local @!p0 [hbm:s0], s1  }
0x48: {  	s0 =	simm.s32 @!p0 $0x1  }
0x49: {  	_ =	swait.ge @!p0 [sflag:s0], s1  }
0x4a: {  	s1 =	ssub.s32 @!p0 $0x0, s1;
	[sflag:s0] =	ssyncset.done @!p0 $0x0  }
0x4b: {  	[sflag:s0] =	ssyncadd.s32 @!p0 s1  }
0x4c: {  	[bflag:$0x3] =	sbarrier.arrive $0xFFFF  }
0x4d: {  	_ =	shalt  }

</sc_bundles>
